<compile_context>
chip_gen: v7x
topology: tpu7x:2x2x1
jax: 0.10.2.dev20260603
libtpu: 0.0.44.dev20260713+nightly
codegen_flags: <defaults>
</compile_context>

<pallas_src>
import functools

import jax
import jax.numpy as jnp
from jax import lax
from jax.experimental import pallas as pl
from jax.experimental.pallas import tpu as pltpu
from jax.experimental.pallas import tpu_sc as plsc

N = 10000
D = 128
E = 320000
EPS = 1e-5

NC = 2
NS = 16
NW = NC * NS
EPW = E // NW
K = 64
NCH = 160
EPWP = NCH * K
NPAD = 10240
RPT = NPAD // NS

RB = 640
GRID = NPAD // RB



def _sc_degree(comb):
    mesh = plsc.VectorSubcoreMesh(core_axis_name="c", subcore_axis_name="s")

    @functools.partial(
        pl.kernel,
        out_type=jax.ShapeDtypeStruct((NC, NPAD), jnp.float32),
        mesh=mesh,
        scratch_types=[
            pltpu.VMEM((NCH, 1, K), jnp.int32),
            pltpu.VMEM((K,), jnp.float32),
            pltpu.VMEM((RPT,), jnp.float32),
            pltpu.VMEM_SHARED((NPAD,), jnp.float32),
            pltpu.SemaphoreType.DMA,
        ],
    )
    def deg_kernel(comb_hbm, deg_hbm, idx_v, ones_v, z_v, deg_sh, sem):
        c = lax.axis_index("c")
        s = lax.axis_index("s")
        wid = s * NC + c

        def zfill(i, _):
            z_v[pl.ds(i * 16, 16)] = jnp.zeros((16,), jnp.float32)
            return 0

        lax.fori_loop(0, RPT // 16, zfill, 0)
        pltpu.sync_copy(z_v, deg_sh.at[pl.ds(s * RPT, RPT)])

        def ofill(i, _):
            ones_v[pl.ds(i * 16, 16)] = jnp.ones((16,), jnp.float32)
            return 0

        lax.fori_loop(0, K // 16, ofill, 0)
        pltpu.sync_copy(comb_hbm.at[wid], idx_v)
        plsc.subcore_barrier()

        def fire(j, _):
            pltpu.async_copy(ones_v, deg_sh.at[idx_v.at[j, 0]], sem, add=True)
            return 0

        lax.fori_loop(0, NCH, fire, 0)

        def drain(j, _):
            pltpu.make_async_copy(
                ones_v, deg_sh.at[idx_v.at[j, 0]], sem).wait()
            return 0

        lax.fori_loop(0, NCH, drain, 0)
        plsc.subcore_barrier()
        pltpu.sync_copy(deg_sh.at[pl.ds(s * RPT, RPT)],
                        deg_hbm.at[c, pl.ds(s * RPT, RPT)])

    return deg_kernel(comb)



def _sc_scatter(hts, comb32):
    mesh = plsc.VectorSubcoreMesh(core_axis_name="c", subcore_axis_name="s")

    @functools.partial(
        pl.kernel,
        out_type=jax.ShapeDtypeStruct((NC, NPAD, D), jnp.float32),
        mesh=mesh,
        scratch_types=[
            pltpu.VMEM((NCH * K // 128, 128), jnp.int32),
            pltpu.VMEM((4, 2, K), jnp.int32),
            pltpu.VMEM((4, K, D), jnp.float32),
            pltpu.SemaphoreType.DMA,
            pltpu.SemaphoreType.DMA,
            pltpu.SemaphoreType.DMA,
            pltpu.SemaphoreType.DMA,
            pltpu.SemaphoreType.DMA,
            pltpu.SemaphoreType.DMA,
            pltpu.SemaphoreType.DMA,
            pltpu.SemaphoreType.DMA,
            pltpu.VMEM_SHARED((NPAD, D), jnp.float32),
        ],
    )
    def edge_kernel(hts_hbm, comb_hbm, agg_hbm, idx_v, st_v, buf_v,
                    sg0, sg1, sg2, sg3, ss0, ss1, ss2, ss3, acc_sh):
        c = lax.axis_index("c")
        s = lax.axis_index("s")
        wid = s * NC + c
        sgs = (sg0, sg1, sg2, sg3)
        sss = (ss0, ss1, ss2, ss3)

        def zfill(i, _):
            buf_v[0, i // 8, pl.ds((i % 8) * 16, 16)] = \
                jnp.zeros((16,), jnp.float32)
            return 0

        lax.fori_loop(0, K * (D // 16), zfill, 0)

        def zcopy(m, _):
            pltpu.sync_copy(buf_v.at[0],
                            acc_sh.at[pl.ds(s * RPT + m * K, K), :])
            return 0

        lax.fori_loop(0, RPT // K, zcopy, 0)
        assert RPT % K == 0
        pltpu.sync_copy(comb_hbm.at[wid], idx_v)
        plsc.subcore_barrier()

        def unpack(row, q):
            for side in (0, 1):
                for m in range(K // 32):
                    col = (q % 2) * K + side * (K // 2) + 16 * m
                    w = idx_v[row, pl.ds(col, 16)]
                    st_v[q, side, pl.ds(32 * m, 16)] = w & 0xFFFF
                    st_v[q, side, pl.ds(32 * m + 16, 16)] = w >> 16

        def g_issue(q):
            pltpu.async_copy(hts_hbm.at[st_v.at[q, 0]], buf_v.at[q], sgs[q])

        def g_wait(q):
            pltpu.make_async_copy(hts_hbm.at[st_v.at[q, 0]], buf_v.at[q],
                                  sgs[q]).wait()

        def s_issue(q):
            pltpu.async_copy(buf_v.at[q], acc_sh.at[st_v.at[q, 1]],
                             sss[q], add=True)

        def s_wait(q):
            pltpu.make_async_copy(buf_v.at[q], acc_sh.at[st_v.at[q, 1]],
                                  sss[q]).wait()

        for q in range(4):
            unpack(q // 2, q)
            g_issue(q)
        for q in range(4):
            g_wait(q)
            s_issue(q)

        def body(i, _):
            for q in range(4):
                s_wait(q)
                unpack(2 * i + q // 2, q)
                g_issue(q)
            for q in range(4):
                g_wait(q)
                s_issue(q)
            return 0

        lax.fori_loop(1, NCH // 4, body, 0)
        for q in range(4):
            s_wait(q)
        plsc.subcore_barrier()
        pltpu.sync_copy(acc_sh.at[pl.ds(s * RPT, RPT), :],
                        agg_hbm.at[c, pl.ds(s * RPT, RPT), :])

    return edge_kernel(hts, comb32)



def _tc_pre_body(x_r, degp_r, bg_r, bb_r, bm_r, bv_r, gw_r, gb_r, fw_r, fb_r,
                 hts_r, base_r, dinv_r):
    scale = bg_r[...] * lax.rsqrt(bv_r[...] + EPS)
    inp = jnp.maximum((x_r[...] - bm_r[...]) * scale + bb_r[...], 0.0)
    ht = jnp.dot(inp, gw_r[...], preferred_element_type=jnp.float32)
    deg = degp_r[0] + degp_r[1] + 1.0
    dinv = lax.rsqrt(deg)
    row = pl.program_id(0) * RB + lax.broadcasted_iota(jnp.int32, (RB, 1), 0)
    hts_r[...] = jnp.where(row < N, ht * dinv, 0.0)
    base_r[...] = inp + jnp.dot(inp, fw_r[...],
                                preferred_element_type=jnp.float32) \
        + fb_r[...] + gb_r[...]
    dinv_r[...] = dinv


def _tc_pre(x, degp3, bn_gamma, bn_beta, bn_mean, bn_var,
            gcn_W, gcn_b, fc1_W, fc1_b):
    vec = pl.BlockSpec((1, D), lambda j: (0, 0))
    mat = pl.BlockSpec((D, D), lambda j: (0, 0))
    return pl.pallas_call(
        _tc_pre_body,
        grid=(GRID,),
        in_specs=[
            pl.BlockSpec((RB, D), lambda j: (j, 0)),
            pl.BlockSpec((NC, RB, 1), lambda j: (0, j, 0)),
            vec, vec, vec, vec, mat, vec, mat, vec,
        ],
        out_specs=[
            pl.BlockSpec((RB, D), lambda j: (j, 0)),
            pl.BlockSpec((RB, D), lambda j: (j, 0)),
            pl.BlockSpec((RB, 1), lambda j: (j, 0)),
        ],
        out_shape=[
            jax.ShapeDtypeStruct((NPAD, D), jnp.float32),
            jax.ShapeDtypeStruct((NPAD, D), jnp.float32),
            jax.ShapeDtypeStruct((NPAD, 1), jnp.float32),
        ],
    )(x, degp3, bn_gamma, bn_beta, bn_mean, bn_var, gcn_W, gcn_b, fc1_W, fc1_b)



def _tc_post_body(aggp_r, hts_r, base_r, dinv_r, ow_r, ob_r, fin_r):
    agg = aggp_r[0] + aggp_r[1] + hts_r[...]
    node1 = dinv_r[...] * agg + base_r[...]
    fin_r[...] = jnp.dot(jnp.maximum(node1, 0.0), ow_r[...],
                         preferred_element_type=jnp.float32) + ob_r[...]


def _tc_post(aggp, hts, base, dinv, out_W, out_b):
    return pl.pallas_call(
        _tc_post_body,
        grid=(GRID,),
        in_specs=[
            pl.BlockSpec((NC, RB, D), lambda j: (0, j, 0)),
            pl.BlockSpec((RB, D), lambda j: (j, 0)),
            pl.BlockSpec((RB, D), lambda j: (j, 0)),
            pl.BlockSpec((RB, 1), lambda j: (j, 0)),
            pl.BlockSpec((D, D), lambda j: (0, 0)),
            pl.BlockSpec((1, D), lambda j: (0, 0)),
        ],
        out_specs=pl.BlockSpec((RB, D), lambda j: (j, 0)),
        out_shape=jax.ShapeDtypeStruct((N, D), jnp.float32),
    )(aggp, hts, base, dinv, out_W, out_b)



def kernel(x, edge_index, bn_gamma, bn_beta, bn_mean, bn_var,
           gcn_W, gcn_b, fc1_W, fc1_b, out_W, out_b):
    nd = EPWP - EPW
    pad = (N + (jnp.arange(NW, dtype=jnp.int32)[:, None] * 7
                + jnp.arange(nd, dtype=jnp.int32)[None, :]) % (NPAD - N))
    srcp = jnp.concatenate([edge_index[0].reshape(NW, EPW), pad], axis=1)
    dstp = jnp.concatenate([edge_index[1].reshape(NW, EPW), pad], axis=1)
    dstc = dstp.reshape(NW, NCH, 1, K)

    def pack16(a):
        g = a.reshape(NW, NCH, K // 32, 2, 16)
        return (g[..., 0, :] | (g[..., 1, :] << 16)).reshape(NW, NCH, K // 2)

    comb32 = jnp.stack([pack16(srcp), pack16(dstp)],
                       axis=2).reshape(NW, NCH * K // 128, 128)

    degp = _sc_degree(dstc)
    degp3 = degp.reshape(NC, NPAD, 1)

    hts, base, dinv = _tc_pre(
        x, degp3,
        bn_gamma.reshape(1, D), bn_beta.reshape(1, D),
        bn_mean.reshape(1, D), bn_var.reshape(1, D),
        gcn_W, gcn_b.reshape(1, D), fc1_W, fc1_b.reshape(1, D))

    aggp = _sc_scatter(hts, comb32)

    return _tc_post(aggp, hts, base, dinv, out_W, out_b.reshape(1, D))

# --- scband reference (transcript-rebuilt; emitter-appended) ---
"""Pipeline reference for scband-cell-50208167690610 (READ-ONLY COPY).

The authoritative reference and input builder live on the scoring server;
editing this copy changes nothing except your own understanding.
"""

import jax, jax.numpy as jnp
import numpy as np

N = 10000
E = 320000
D = 128
EPS = 1e-5


def setup_inputs(seed: int = 0) -> dict:
    key = jax.random.key(seed)
    ks = jax.random.split(key, 12)
    x = jax.random.normal(ks[0], (N, D), dtype=jnp.float32)
    edge_index = jax.random.randint(ks[1], (2, E), 0, N, dtype=jnp.int32)
    # BatchNorm1d(hp.dim) params (eval mode: fresh running stats)
    bn_gamma = jnp.ones((D,), dtype=jnp.float32)
    bn_beta = jnp.zeros((D,), dtype=jnp.float32)
    bn_mean = jnp.zeros((D,), dtype=jnp.float32)
    bn_var = jnp.ones((D,), dtype=jnp.float32)
    # GCNConv(128, 128): weight [in, out] + bias
    gcn_W = jax.random.normal(ks[2], (D, D), dtype=jnp.float32) / np.sqrt(D)
    gcn_b = jax.random.normal(ks[3], (D,), dtype=jnp.float32) * 0.01
    # LinearConv (fc op): Linear(128, 128)
    fc1_W = jax.random.normal(ks[4], (D, D), dtype=jnp.float32) / np.sqrt(D)
    fc1_b = jax.random.normal(ks[5], (D,), dtype=jnp.float32) * 0.01
    # Cell output fc: Linear(sum(out)*dim=128, out_dim=128)
    out_W = jax.random.normal(ks[6], (D, D), dtype=jnp.float32) / np.sqrt(D)
    out_b = jax.random.normal(ks[7], (D,), dtype=jnp.float32) * 0.01
    return {
        "x": x, "edge_index": edge_index,
        "bn_gamma": bn_gamma, "bn_beta": bn_beta, "bn_mean": bn_mean, "bn_var": bn_var,
        "gcn_W": gcn_W, "gcn_b": gcn_b,
        "fc1_W": fc1_W, "fc1_b": fc1_b,
        "out_W": out_W, "out_b": out_b,
    }


def _gcn_conv(h, edge_index, W, b):
    # GCNConv with add_self_loops=True, normalize=True, edge_weight=1
    src = jnp.concatenate([edge_index[0], jnp.arange(N, dtype=edge_index.dtype)])
    dst = jnp.concatenate([edge_index[1], jnp.arange(N, dtype=edge_index.dtype)])
    ones = jnp.ones(src.shape[0], dtype=h.dtype)
    deg = jax.ops.segment_sum(ones, dst, num_segments=N)
    dinv = jnp.where(deg > 0, deg ** -0.5, 0.0)
    norm = dinv[src] * dinv[dst]
    ht = h @ W
    msg = ht[src] * norm[:, None]
    agg = jax.ops.segment_sum(msg, dst, num_segments=N)
    return agg + b


def reference(x, edge_index, bn_gamma, bn_beta, bn_mean, bn_var, gcn_W, gcn_b, fc1_W, fc1_b, out_W, out_b):
    # Cell.forward with link=[0], keep_mask keeps ops {gcn, fc, skip}
    inp = bn_gamma * (x - bn_mean) / jnp.sqrt(bn_var + EPS) + bn_beta  # BatchNorm1d eval
    inp = jax.nn.relu(inp)
    # dropout is identity in eval mode
    e_gcn = _gcn_conv(inp, edge_index, gcn_W, gcn_b)
    e_fc = inp @ fc1_W + fc1_b
    e_skip = inp
    node1 = e_gcn + e_fc + e_skip
    # out flags: [False, True] -> only node1 concatenated
    fin = jax.nn.relu(node1)
    fin = fin @ out_W + out_b
    return fin

if __name__ == "__main__":
    import jax
    _d = setup_inputs()
    print(jax.jit(kernel)(*tuple(_d.values())))

</pallas_src>

<mosaic_0001>
#map = affine_map<(d0, d1) -> (0, 0, 0, 0)>
#map1 = affine_map<(d0, d1) -> (0, 0)>
module attributes {stable_mosaic.version = 14 : i64} {
  func.func @deg_kernel(%arg0: i32, %arg1: i32, %arg2: memref<32x160x1x64xi32, #tpu.memory_space<hbm>>, %arg3: memref<2x10240xf32, #tpu.memory_space<hbm>>, %arg4: memref<160x1x64xi32, #tpu.memory_space<vmem>>, %arg5: memref<64xf32, #tpu.memory_space<vmem>>, %arg6: memref<640xf32, #tpu.memory_space<vmem>>, %arg7: memref<10240xf32, #tpu.memory_space<vmem_shared>>, %arg8: memref<!tpu.dma_semaphore, #tpu.memory_space<semaphore_mem>>) attributes {dimension_semantics = [#tpu.dimension_semantics<core_parallel>, #tpu.dimension_semantics<subcore_parallel>], iteration_bounds = array<i64: 2, 16>, scalar_prefetch = 0 : i64, scratch_operands = 5 : i64, tpu.core_type = #tpu.core_type<sc_vector_subcore>, window_params = [{transform_indices = #map}, {transform_indices = #map1}]} {
    %mul3A = arith.constant 2 : i32
    %mul3A_0 = arith.muli %arg1, %mul3A : i32
    %add3A = arith.addi %mul3A_0, %arg0 : i32
    %scan3A = arith.constant 0 : i32
    %scan3A_1 = arith.constant 0 : i32
    %scan3A_2 = arith.constant 40 : i32
    %scan3A_3 = arith.addi %scan3A_1, %scan3A_2 : i32
    %scan3A_4 = arith.constant 1 : i32
    %scan3A_5 = scf.for %scan3A_35 = %scan3A_1 to %scan3A_3 step %scan3A_4 iter_args(%scan3A_36 = %scan3A) -> (i32)  : i32 {
      %broadcast_in_dim3A = arith.constant 0.000000e+00 : f32
      %broadcast_in_dim3A_37 = vector.broadcast %broadcast_in_dim3A : f32 to vector<16xf32>
      %mul3A_38 = arith.constant 16 : i32
      %mul3A_39 = arith.muli %scan3A_35, %mul3A_38 : i32
      %swap3A = arith.index_cast %mul3A_39 : i32 to index
      %swap3A_40 = tpu.vector_load %arg6[%swap3A] {strides = array<i32>} : memref<640xf32, #tpu.memory_space<vmem>>, vector<16xf32>,
      %swap3A_41 = vector.shape_cast %swap3A_40 : vector<16xf32> to vector<16xf32>
      %swap3A_42 = vector.shape_cast %broadcast_in_dim3A_37 : vector<16xf32> to vector<16xf32>
      tpu.vector_store %arg6[%swap3A], %swap3A_42 {strides = array<i32>} : memref<640xf32, #tpu.memory_space<vmem>>, vector<16xf32>,
      %scan3A_43 = arith.constant 0 : i32
      scf.yield %scan3A_43 : i32
    }
    %scan3A_6 = arith.constant 40 : i32
    %mul3A_7 = arith.constant 640 : i32
    %mul3A_8 = arith.muli %arg1, %mul3A_7 : i32
    "tpu.region"() ({
      %run_scoped3A = tpu.sem_alloc : memref<!tpu.dma_semaphore, #tpu.memory_space<semaphore_mem>>
      %dma_start3A = tpu.memref_slice %arg7[%mul3A_8] : memref<10240xf32, #tpu.memory_space<vmem_shared>> -> memref<640xf32, #tpu.memory_space<vmem_shared>>
      %dma_start3A_35 = tpu.memref_slice %arg7[%mul3A_8] : memref<10240xf32, #tpu.memory_space<vmem_shared>> -> memref<640xf32, #tpu.memory_space<vmem_shared>>
      tpu.enqueue_dma source(%arg6 : memref<640xf32, #tpu.memory_space<vmem>>) target(%dma_start3A_35 : memref<640xf32, #tpu.memory_space<vmem_shared>>) target_semaphore(%run_scoped3A : memref<!tpu.dma_semaphore, #tpu.memory_space<semaphore_mem>>)
      %dma_wait3A = tpu.memref_slice %arg7[%mul3A_8] : memref<10240xf32, #tpu.memory_space<vmem_shared>> -> memref<640xf32, #tpu.memory_space<vmem_shared>>
      %dma_wait3A_36 = tpu.memref_slice %arg7[%mul3A_8] : memref<10240xf32, #tpu.memory_space<vmem_shared>> -> memref<640xf32, #tpu.memory_space<vmem_shared>>
      tpu.wait_dma2 semaphore(%run_scoped3A : memref<!tpu.dma_semaphore, #tpu.memory_space<semaphore_mem>>) src(%arg6 : memref<640xf32, #tpu.memory_space<vmem>>) dst(%dma_wait3A_36 : memref<640xf32, #tpu.memory_space<vmem_shared>>)
      tpu.yield
    }) : () -> ()
    %scan3A_9 = arith.constant 0 : i32
    %scan3A_10 = arith.constant 0 : i32
    %scan3A_11 = arith.constant 4 : i32
    %scan3A_12 = arith.addi %scan3A_10, %scan3A_11 : i32
    %scan3A_13 = arith.constant 1 : i32
    %scan3A_14 = scf.for %scan3A_35 = %scan3A_10 to %scan3A_12 step %scan3A_13 iter_args(%scan3A_36 = %scan3A_9) -> (i32)  : i32 {
      %broadcast_in_dim3A = arith.constant 1.000000e+00 : f32
      %broadcast_in_dim3A_37 = vector.broadcast %broadcast_in_dim3A : f32 to vector<16xf32>
      %mul3A_38 = arith.constant 16 : i32
      %mul3A_39 = arith.muli %scan3A_35, %mul3A_38 : i32
      %swap3A = arith.index_cast %mul3A_39 : i32 to index
      %swap3A_40 = tpu.vector_load %arg5[%swap3A] {strides = array<i32>} : memref<64xf32, #tpu.memory_space<vmem>>, vector<16xf32>,
      %swap3A_41 = vector.shape_cast %swap3A_40 : vector<16xf32> to vector<16xf32>
      %swap3A_42 = vector.shape_cast %broadcast_in_dim3A_37 : vector<16xf32> to vector<16xf32>
      tpu.vector_store %arg5[%swap3A], %swap3A_42 {strides = array<i32>} : memref<64xf32, #tpu.memory_space<vmem>>, vector<16xf32>,
      %scan3A_43 = arith.constant 0 : i32
      scf.yield %scan3A_43 : i32
    }
    %scan3A_15 = arith.constant 4 : i32
    "tpu.region"() ({
      %run_scoped3A = tpu.sem_alloc : memref<!tpu.dma_semaphore, #tpu.memory_space<semaphore_mem>>
      %dma_start3A = arith.constant 0 : i32
      %dma_start3A_35 = arith.constant 0 : i32
      %dma_start3A_36 = arith.constant 0 : i32
      %dma_start3A_37 = tpu.memref_slice %arg2[%add3A, %dma_start3A, %dma_start3A_35, %dma_start3A_36] : memref<32x160x1x64xi32, #tpu.memory_space<hbm>> -> memref<1x160x1x64xi32, #tpu.memory_space<hbm>>
      %dma_start3A_38 = tpu.memref_squeeze %dma_start3A_37 : memref<1x160x1x64xi32, #tpu.memory_space<hbm>> -> memref<160x1x64xi32, #tpu.memory_space<hbm>>
      %dma_start3A_39 = arith.constant 0 : i32
      %dma_start3A_40 = arith.constant 0 : i32
      %dma_start3A_41 = arith.constant 0 : i32
      %dma_start3A_42 = tpu.memref_slice %arg2[%add3A, %dma_start3A_39, %dma_start3A_40, %dma_start3A_41] : memref<32x160x1x64xi32, #tpu.memory_space<hbm>> -> memref<1x160x1x64xi32, #tpu.memory_space<hbm>>
      %dma_start3A_43 = tpu.memref_squeeze %dma_start3A_42 : memref<1x160x1x64xi32, #tpu.memory_space<hbm>> -> memref<160x1x64xi32, #tpu.memory_space<hbm>>
      tpu.enqueue_dma source(%dma_start3A_43 : memref<160x1x64xi32, #tpu.memory_space<hbm>>) target(%arg4 : memref<160x1x64xi32, #tpu.memory_space<vmem>>) target_semaphore(%run_scoped3A : memref<!tpu.dma_semaphore, #tpu.memory_space<semaphore_mem>>)
      %dma_wait3A = arith.constant 0 : i32
      %dma_wait3A_44 = arith.constant 0 : i32
      %dma_wait3A_45 = arith.constant 0 : i32
      %dma_wait3A_46 = tpu.memref_slice %arg2[%add3A, %dma_wait3A, %dma_wait3A_44, %dma_wait3A_45] : memref<32x160x1x64xi32, #tpu.memory_space<hbm>> -> memref<1x160x1x64xi32, #tpu.memory_space<hbm>>
      %dma_wait3A_47 = tpu.memref_squeeze %dma_wait3A_46 : memref<1x160x1x64xi32, #tpu.memory_space<hbm>> -> memref<160x1x64xi32, #tpu.memory_space<hbm>>
      %dma_wait3A_48 = arith.constant 0 : i32
      %dma_wait3A_49 = arith.constant 0 : i32
      %dma_wait3A_50 = arith.constant 0 : i32
      %dma_wait3A_51 = tpu.memref_slice %arg2[%add3A, %dma_wait3A_48, %dma_wait3A_49, %dma_wait3A_50] : memref<32x160x1x64xi32, #tpu.memory_space<hbm>> -> memref<1x160x1x64xi32, #tpu.memory_space<hbm>>
      %dma_wait3A_52 = tpu.memref_squeeze %dma_wait3A_51 : memref<1x160x1x64xi32, #tpu.memory_space<hbm>> -> memref<160x1x64xi32, #tpu.memory_space<hbm>>
      tpu.wait_dma2 semaphore(%run_scoped3A : memref<!tpu.dma_semaphore, #tpu.memory_space<semaphore_mem>>) src(%dma_wait3A_52 : memref<160x1x64xi32, #tpu.memory_space<hbm>>) dst(%arg4 : memref<160x1x64xi32, #tpu.memory_space<vmem>>)
      tpu.yield
    }) : () -> ()
    %barrier3A = arith.constant 0 : index
    tpu.barrier barrier_id(%barrier3A)
    %scan3A_16 = arith.constant 0 : i32
    %scan3A_17 = arith.constant 0 : i32
    %scan3A_18 = arith.constant 160 : i32
    %scan3A_19 = arith.addi %scan3A_17, %scan3A_18 : i32
    %scan3A_20 = arith.constant 1 : i32
    %scan3A_21 = scf.for %scan3A_35 = %scan3A_17 to %scan3A_19 step %scan3A_20 iter_args(%scan3A_36 = %scan3A_16) -> (i32)  : i32 {
      %dma_start3A = arith.constant 0 : i32
      %dma_start3A_37 = arith.constant 0 : i32
      %dma_start3A_38 = tpu.memref_slice %arg4[%scan3A_35, %dma_start3A, %dma_start3A_37] : memref<160x1x64xi32, #tpu.memory_space<vmem>> -> memref<1x1x64xi32, #tpu.memory_space<vmem>>
      %dma_start3A_39 = tpu.memref_squeeze %dma_start3A_38 : memref<1x1x64xi32, #tpu.memory_space<vmem>> -> memref<64xi32, #tpu.memory_space<vmem>>
      %dma_start3A_40 = arith.constant 0 : i32
      %dma_start3A_41 = tpu.memref_slice %arg7[%dma_start3A_40] : memref<10240xf32, #tpu.memory_space<vmem_shared>> -> memref<10240xf32, #tpu.memory_space<vmem_shared>>
      tpu.enqueue_indirect_dma source(%arg5 : memref<64xf32, #tpu.memory_space<vmem>>) target(%dma_start3A_41 : memref<10240xf32, #tpu.memory_space<vmem_shared>>) offsets(%dma_start3A_39 : memref<64xi32, #tpu.memory_space<vmem>>) semaphore(%arg8 : memref<!tpu.dma_semaphore, #tpu.memory_space<semaphore_mem>>) {add = true}
      %scan3A_42 = arith.constant 0 : i32
      scf.yield %scan3A_42 : i32
    }
    %scan3A_22 = arith.constant 160 : i32
    %scan3A_23 = arith.constant 0 : i32
    %scan3A_24 = arith.constant 0 : i32
    %scan3A_25 = arith.constant 160 : i32
    %scan3A_26 = arith.addi %scan3A_24, %scan3A_25 : i32
    %scan3A_27 = arith.constant 1 : i32
    %scan3A_28 = scf.for %scan3A_35 = %scan3A_24 to %scan3A_26 step %scan3A_27 iter_args(%scan3A_36 = %scan3A_23) -> (i32)  : i32 {
      %dma_wait3A = arith.constant 0 : i32
      %dma_wait3A_37 = arith.constant 0 : i32
      %dma_wait3A_38 = tpu.memref_slice %arg4[%scan3A_35, %dma_wait3A, %dma_wait3A_37] : memref<160x1x64xi32, #tpu.memory_space<vmem>> -> memref<1x1x64xi32, #tpu.memory_space<vmem>>
      %dma_wait3A_39 = tpu.memref_squeeze %dma_wait3A_38 : memref<1x1x64xi32, #tpu.memory_space<vmem>> -> memref<64xi32, #tpu.memory_space<vmem>>
      %dma_wait3A_40 = arith.constant 0 : i32
      %dma_wait3A_41 = tpu.memref_slice %arg7[%dma_wait3A_40] : memref<10240xf32, #tpu.memory_space<vmem_shared>> -> memref<10240xf32, #tpu.memory_space<vmem_shared>>
      tpu.wait_indirect_dma semaphore(%arg8 : memref<!tpu.dma_semaphore, #tpu.memory_space<semaphore_mem>>) src(%arg5 : memref<64xf32, #tpu.memory_space<vmem>>) dst(%dma_wait3A_41 : memref<10240xf32, #tpu.memory_space<vmem_shared>>)
      %scan3A_42 = arith.constant 0 : i32
      scf.yield %scan3A_42 : i32
    }
    %scan3A_29 = arith.constant 160 : i32
    %barrier3A_30 = arith.constant 0 : index
    tpu.barrier barrier_id(%barrier3A_30)
    %mul3A_31 = arith.constant 640 : i32
    %mul3A_32 = arith.muli %arg1, %mul3A_31 : i32
    %mul3A_33 = arith.constant 640 : i32
    %mul3A_34 = arith.muli %arg1, %mul3A_33 : i32
    "tpu.region"() ({
      %run_scoped3A = tpu.sem_alloc : memref<!tpu.dma_semaphore, #tpu.memory_space<semaphore_mem>>
      %dma_start3A = tpu.memref_slice %arg3[%arg0, %mul3A_34] : memref<2x10240xf32, #tpu.memory_space<hbm>> -> memref<1x640xf32, #tpu.memory_space<hbm>>
      %dma_start3A_35 = tpu.memref_squeeze %dma_start3A : memref<1x640xf32, #tpu.memory_space<hbm>> -> memref<640xf32, #tpu.memory_space<hbm>>
      %dma_start3A_36 = tpu.memref_slice %arg7[%mul3A_32] : memref<10240xf32, #tpu.memory_space<vmem_shared>> -> memref<640xf32, #tpu.memory_space<vmem_shared>>
      tpu.enqueue_dma source(%dma_start3A_36 : memref<640xf32, #tpu.memory_space<vmem_shared>>) target(%dma_start3A_35 : memref<640xf32, #tpu.memory_space<hbm>>) target_semaphore(%run_scoped3A : memref<!tpu.dma_semaphore, #tpu.memory_space<semaphore_mem>>)
      %dma_wait3A = tpu.memref_slice %arg3[%arg0, %mul3A_34] : memref<2x10240xf32, #tpu.memory_space<hbm>> -> memref<1x640xf32, #tpu.memory_space<hbm>>
      %dma_wait3A_37 = tpu.memref_squeeze %dma_wait3A : memref<1x640xf32, #tpu.memory_space<hbm>> -> memref<640xf32, #tpu.memory_space<hbm>>
      %dma_wait3A_38 = tpu.memref_slice %arg7[%mul3A_32] : memref<10240xf32, #tpu.memory_space<vmem_shared>> -> memref<640xf32, #tpu.memory_space<vmem_shared>>
      tpu.wait_dma2 semaphore(%run_scoped3A : memref<!tpu.dma_semaphore, #tpu.memory_space<semaphore_mem>>) src(%dma_wait3A_38 : memref<640xf32, #tpu.memory_space<vmem_shared>>) dst(%dma_wait3A_37 : memref<640xf32, #tpu.memory_space<hbm>>)
      tpu.yield
    }) : () -> ()
    return
  }
}

#map = affine_map<(d0, d1) -> (0, 0)>
#map1 = affine_map<(d0, d1) -> (0, 0, 0)>
module attributes {stable_mosaic.version = 14 : i64} {
  func.func @edge_kernel(%arg0: i32, %arg1: i32, %arg2: memref<10240x128xf32, #tpu.memory_space<hbm>>, %arg3: memref<32x80x128xi32, #tpu.memory_space<hbm>>, %arg4: memref<2x10240x128xf32, #tpu.memory_space<hbm>>, %arg5: memref<80x128xi32, #tpu.memory_space<vmem>>, %arg6: memref<4x2x64xi32, #tpu.memory_space<vmem>>, %arg7: memref<4x64x128xf32, #tpu.memory_space<vmem>>, %arg8: memref<!tpu.dma_semaphore, #tpu.memory_space<semaphore_mem>>, %arg9: memref<!tpu.dma_semaphore, #tpu.memory_space<semaphore_mem>>, %arg10: memref<!tpu.dma_semaphore, #tpu.memory_space<semaphore_mem>>, %arg11: memref<!tpu.dma_semaphore, #tpu.memory_space<semaphore_mem>>, %arg12: memref<!tpu.dma_semaphore, #tpu.memory_space<semaphore_mem>>, %arg13: memref<!tpu.dma_semaphore, #tpu.memory_space<semaphore_mem>>, %arg14: memref<!tpu.dma_semaphore, #tpu.memory_space<semaphore_mem>>, %arg15: memref<!tpu.dma_semaphore, #tpu.memory_space<semaphore_mem>>, %arg16: memref<10240x128xf32, #tpu.memory_space<vmem_shared>>) attributes {dimension_semantics = [#tpu.dimension_semantics<core_parallel>, #tpu.dimension_semantics<subcore_parallel>], iteration_bounds = array<i64: 2, 16>, scalar_prefetch = 0 : i64, scratch_operands = 12 : i64, tpu.core_type = #tpu.core_type<sc_vector_subcore>, window_params = [{transform_indices = #map}, {transform_indices = #map1}, {transform_indices = #map1}]} {
    %mul3A = arith.constant 2 : i32
    %mul3A_0 = arith.muli %arg1, %mul3A : i32
    %add3A = arith.addi %mul3A_0, %arg0 : i32
    %scan3A = arith.constant 0 : i32
    %scan3A_1 = arith.constant 0 : i32
    %scan3A_2 = arith.constant 512 : i32
    %scan3A_3 = arith.addi %scan3A_1, %scan3A_2 : i32
    %scan3A_4 = arith.constant 1 : i32
    %scan3A_5 = scf.for %scan3A_660 = %scan3A_1 to %scan3A_3 step %scan3A_4 iter_args(%scan3A_661 = %scan3A) -> (i32)  : i32 {
      %broadcast_in_dim3A = arith.constant 0.000000e+00 : f32
      %broadcast_in_dim3A_662 = vector.broadcast %broadcast_in_dim3A : f32 to vector<16xf32>
      %jit3A = arith.constant 8 : i32
      %div3A = arith.divsi %scan3A_660, %jit3A : i32
      %sign3A = arith.constant 0 : i32
      %sign3A_663 = arith.cmpi sgt, %scan3A_660, %sign3A : i32
      %sign3A_664 = arith.extui %sign3A_663 : i1 to i32
      %sign3A_665 = arith.constant 0 : i32
      %sign3A_666 = arith.cmpi slt, %scan3A_660, %sign3A_665 : i32
      %sign3A_667 = arith.extui %sign3A_666 : i1 to i32
      %sign3A_668 = arith.subi %sign3A_664, %sign3A_667 : i32
      %sign3A_669 = arith.constant 0 : i32
      %sign3A_670 = arith.cmpi sgt, %jit3A, %sign3A_669 : i32
      %sign3A_671 = arith.extui %sign3A_670 : i1 to i32
      %sign3A_672 = arith.constant 0 : i32
      %sign3A_673 = arith.cmpi slt, %jit3A, %sign3A_672 : i32
      %sign3A_674 = arith.extui %sign3A_673 : i1 to i32
      %sign3A_675 = arith.subi %sign3A_671, %sign3A_674 : i32
      %ne3A = arith.cmpi ne, %sign3A_668, %sign3A_675 : i32
      %rem3A = arith.remsi %scan3A_660, %jit3A : i32
      %ne3A_676 = arith.constant 0 : i32
      %ne3A_677 = arith.cmpi ne, %rem3A, %ne3A_676 : i32
      %and3A_678 = arith.andi %ne3A, %ne3A_677 : i1
      %sub3A = arith.constant 1 : i32
      %sub3A_679 = arith.subi %div3A, %sub3A : i32
      %select_n3A = arith.select %and3A_678, %sub3A_679, %div3A : i32
      %jit3A_680 = arith.constant 8 : i32
      %eq3A = arith.constant 0 : i32
      %eq3A_681 = arith.cmpi eq, %jit3A_680, %eq3A : i32
      %jit3A_682 = arith.constant 1 : i32
      %select_n3A_683 = arith.select %eq3A_681, %jit3A_682, %jit3A_680 : i32
      %rem3A_684 = arith.remsi %scan3A_660, %select_n3A_683 : i32
      %ne3A_685 = arith.constant 0 : i32
      %ne3A_686 = arith.cmpi ne, %rem3A_684, %ne3A_685 : i32
      %lt3A = arith.constant 0 : i32
      %lt3A_687 = arith.cmpi slt, %rem3A_684, %lt3A : i32
      %lt3A_688 = arith.constant 0 : i32
      %lt3A_689 = arith.cmpi slt, %select_n3A_683, %lt3A_688 : i32
      %ne3A_690 = arith.xori %lt3A_687, %lt3A_689 : i1
      %and3A_691 = arith.andi %ne3A_690, %ne3A_686 : i1
      %add3A_692 = arith.addi %rem3A_684, %select_n3A_683 : i32
      %select_n3A_693 = arith.select %and3A_691, %add3A_692, %rem3A_684 : i32
      %mul3A_694 = arith.constant 16 : i32
      %mul3A_695 = arith.muli %select_n3A_693, %mul3A_694 : i32
      %swap3A_696 = arith.constant 0 : i32
      %swap3A_697 = arith.index_cast %swap3A_696 : i32 to index
      %swap3A_698 = arith.index_cast %select_n3A : i32 to index
      %swap3A_699 = arith.index_cast %mul3A_695 : i32 to index
      %swap3A_700 = tpu.vector_load %arg7[%swap3A_697, %swap3A_698, %swap3A_699] {strides = array<i32>} : memref<4x64x128xf32, #tpu.memory_space<vmem>>, vector<1x1x16xf32>,
      %swap3A_701 = vector.shape_cast %swap3A_700 : vector<1x1x16xf32> to vector<16xf32>
      %swap3A_702 = vector.shape_cast %broadcast_in_dim3A_662 : vector<16xf32> to vector<1x1x16xf32>
      tpu.vector_store %arg7[%swap3A_697, %swap3A_698, %swap3A_699], %swap3A_702 {strides = array<i32>} : memref<4x64x128xf32, #tpu.memory_space<vmem>>, vector<1x1x16xf32>,
      %scan3A_703 = arith.constant 0 : i32
      scf.yield %scan3A_703 : i32
    }
    %scan3A_6 = arith.constant 512 : i32
    %scan3A_7 = arith.constant 0 : i32
    %scan3A_8 = arith.constant 0 : i32
    %scan3A_9 = arith.constant 10 : i32
    %scan3A_10 = arith.addi %scan3A_8, %scan3A_9 : i32
    %scan3A_11 = arith.constant 1 : i32
    %scan3A_12 = scf.for %scan3A_660 = %scan3A_8 to %scan3A_10 step %scan3A_11 iter_args(%scan3A_661 = %scan3A_7) -> (i32)  : i32 {
      %mul3A_662 = arith.constant 640 : i32
      %mul3A_663 = arith.muli %arg1, %mul3A_662 : i32
      %mul3A_664 = arith.constant 64 : i32
      %mul3A_665 = arith.muli %scan3A_660, %mul3A_664 : i32
      %add3A_666 = arith.addi %mul3A_663, %mul3A_665 : i32
      %run_scoped3A = arith.constant 0 : i32
      "tpu.region"() ({
        %run_scoped3A_668 = tpu.sem_alloc : memref<!tpu.dma_semaphore, #tpu.memory_space<semaphore_mem>>
        %dma_start3A_669 = arith.constant 0 : i32
        %dma_start3A_670 = arith.constant 0 : i32
        %dma_start3A_671 = tpu.memref_slice %arg7[%run_scoped3A, %dma_start3A_669, %dma_start3A_670] : memref<4x64x128xf32, #tpu.memory_space<vmem>> -> memref<1x64x128xf32, #tpu.memory_space<vmem>>
        %dma_start3A_672 = tpu.memref_squeeze %dma_start3A_671 : memref<1x64x128xf32, #tpu.memory_space<vmem>> -> memref<64x128xf32, #tpu.memory_space<vmem>>
        %dma_start3A_673 = arith.constant 0 : i32
        %dma_start3A_674 = tpu.memref_slice %arg16[%add3A_666, %dma_start3A_673] : memref<10240x128xf32, #tpu.memory_space<vmem_shared>> -> memref<64x128xf32, #tpu.memory_space<vmem_shared>>
        %dma_start3A_675 = arith.constant 0 : i32
        %dma_start3A_676 = tpu.memref_slice %arg16[%add3A_666, %dma_start3A_675] : memref<10240x128xf32, #tpu.memory_space<vmem_shared>> -> memref<64x128xf32, #tpu.memory_space<vmem_shared>>
        %dma_start3A_677 = arith.constant 0 : i32
        %dma_start3A_678 = arith.constant 0 : i32
        %dma_start3A_679 = tpu.memref_slice %arg7[%run_scoped3A, %dma_start3A_677, %dma_start3A_678] : memref<4x64x128xf32, #tpu.memory_space<vmem>> -> memref<1x64x128xf32, #tpu.memory_space<vmem>>
        %dma_start3A_680 = tpu.memref_squeeze %dma_start3A_679 : memref<1x64x128xf32, #tpu.memory_space<vmem>> -> memref<64x128xf32, #tpu.memory_space<vmem>>
        tpu.enqueue_dma source(%dma_start3A_680 : memref<64x128xf32, #tpu.memory_space<vmem>>) target(%dma_start3A_676 : memref<64x128xf32, #tpu.memory_space<vmem_shared>>) target_semaphore(%run_scoped3A_668 : memref<!tpu.dma_semaphore, #tpu.memory_space<semaphore_mem>>)
        %dma_wait3A_681 = arith.constant 0 : i32
        %dma_wait3A_682 = arith.constant 0 : i32
        %dma_wait3A_683 = tpu.memref_slice %arg7[%run_scoped3A, %dma_wait3A_681, %dma_wait3A_682] : memref<4x64x128xf32, #tpu.memory_space<vmem>> -> memref<1x64x128xf32, #tpu.memory_space<vmem>>
        %dma_wait3A_684 = tpu.memref_squeeze %dma_wait3A_683 : memref<1x64x128xf32, #tpu.memory_space<vmem>> -> memref<64x128xf32, #tpu.memory_space<vmem>>
        %dma_wait3A_685 = arith.constant 0 : i32
        %dma_wait3A_686 = tpu.memref_slice %arg16[%add3A_666, %dma_wait3A_685] : memref<10240x128xf32, #tpu.memory_space<vmem_shared>> -> memref<64x128xf32, #tpu.memory_space<vmem_shared>>
        %dma_wait3A_687 = arith.constant 0 : i32
        %dma_wait3A_688 = tpu.memref_slice %arg16[%add3A_666, %dma_wait3A_687] : memref<10240x128xf32, #tpu.memory_space<vmem_shared>> -> memref<64x128xf32, #tpu.memory_space<vmem_shared>>
        %dma_wait3A_689 = arith.constant 0 : i32
        %dma_wait3A_690 = arith.constant 0 : i32
        %dma_wait3A_691 = tpu.memref_slice %arg7[%run_scoped3A, %dma_wait3A_689, %dma_wait3A_690] : memref<4x64x128xf32, #tpu.memory_space<vmem>> -> memref<1x64x128xf32, #tpu.memory_space<vmem>>
        %dma_wait3A_692 = tpu.memref_squeeze %dma_wait3A_691 : memref<1x64x128xf32, #tpu.memory_space<vmem>> -> memref<64x128xf32, #tpu.memory_space<vmem>>
        tpu.wait_dma2 semaphore(%run_scoped3A_668 : memref<!tpu.dma_semaphore, #tpu.memory_space<semaphore_mem>>) src(%dma_wait3A_692 : memref<64x128xf32, #tpu.memory_space<vmem>>) dst(%dma_wait3A_688 : memref<64x128xf32, #tpu.memory_space<vmem_shared>>)
        tpu.yield
      }) : () -> ()
      %scan3A_667 = arith.constant 0 : i32
      scf.yield %scan3A_667 : i32
    }
    %scan3A_13 = arith.constant 10 : i32
    "tpu.region"() ({
      %run_scoped3A = tpu.sem_alloc : memref<!tpu.dma_semaphore, #tpu.memory_space<semaphore_mem>>
      %dma_start3A_660 = arith.constant 0 : i32
      %dma_start3A_661 = arith.constant 0 : i32
      %dma_start3A_662 = tpu.memref_slice %arg3[%add3A, %dma_start3A_660, %dma_start3A_661] : memref<32x80x128xi32, #tpu.memory_space<hbm>> -> memref<1x80x128xi32, #tpu.memory_space<hbm>>
      %dma_start3A_663 = tpu.memref_squeeze %dma_start3A_662 : memref<1x80x128xi32, #tpu.memory_space<hbm>> -> memref<80x128xi32, #tpu.memory_space<hbm>>
      %dma_start3A_664 = arith.constant 0 : i32
      %dma_start3A_665 = arith.constant 0 : i32
      %dma_start3A_666 = tpu.memref_slice %arg3[%add3A, %dma_start3A_664, %dma_start3A_665] : memref<32x80x128xi32, #tpu.memory_space<hbm>> -> memref<1x80x128xi32, #tpu.memory_space<hbm>>
      %dma_start3A_667 = tpu.memref_squeeze %dma_start3A_666 : memref<1x80x128xi32, #tpu.memory_space<hbm>> -> memref<80x128xi32, #tpu.memory_space<hbm>>
      tpu.enqueue_dma source(%dma_start3A_667 : memref<80x128xi32, #tpu.memory_space<hbm>>) target(%arg5 : memref<80x128xi32, #tpu.memory_space<vmem>>) target_semaphore(%run_scoped3A : memref<!tpu.dma_semaphore, #tpu.memory_space<semaphore_mem>>)
      %dma_wait3A_668 = arith.constant 0 : i32
      %dma_wait3A_669 = arith.constant 0 : i32
      %dma_wait3A_670 = tpu.memref_slice %arg3[%add3A, %dma_wait3A_668, %dma_wait3A_669] : memref<32x80x128xi32, #tpu.memory_space<hbm>> -> memref<1x80x128xi32, #tpu.memory_space<hbm>>
      %dma_wait3A_671 = tpu.memref_squeeze %dma_wait3A_670 : memref<1x80x128xi32, #tpu.memory_space<hbm>> -> memref<80x128xi32, #tpu.memory_space<hbm>>
      %dma_wait3A_672 = arith.constant 0 : i32
      %dma_wait3A_673 = arith.constant 0 : i32
      %dma_wait3A_674 = tpu.memref_slice %arg3[%add3A, %dma_wait3A_672, %dma_wait3A_673] : memref<32x80x128xi32, #tpu.memory_space<hbm>> -> memref<1x80x128xi32, #tpu.memory_space<hbm>>
      %dma_wait3A_675 = tpu.memref_squeeze %dma_wait3A_674 : memref<1x80x128xi32, #tpu.memory_space<hbm>> -> memref<80x128xi32, #tpu.memory_space<hbm>>
      tpu.wait_dma2 semaphore(%run_scoped3A : memref<!tpu.dma_semaphore, #tpu.memory_space<semaphore_mem>>) src(%dma_wait3A_675 : memref<80x128xi32, #tpu.memory_space<hbm>>) dst(%arg5 : memref<80x128xi32, #tpu.memory_space<vmem>>)
      tpu.yield
    }) : () -> ()
    %barrier3A = arith.constant 0 : index
    tpu.barrier barrier_id(%barrier3A)
    %get3A = arith.constant 0 : i32
    %get3A_14 = arith.index_cast %get3A : i32 to index
    %get3A_15 = arith.constant 0 : index
    %get3A_16 = tpu.vector_load %arg5[%get3A_14, %get3A_15] {strides = array<i32>} : memref<80x128xi32, #tpu.memory_space<vmem>>, vector<1x16xi32>,
    %get3A_17 = vector.shape_cast %get3A_16 : vector<1x16xi32> to vector<16xi32>
    %and3A = arith.constant 65535 : i32
    %and3A_18 = vector.broadcast %and3A : i32 to vector<16xi32>
    %and3A_19 = arith.andi %get3A_17, %and3A_18 : vector<16xi32>
    %swap3A = arith.constant 0 : i32
    %swap3A_20 = arith.constant 0 : i32
    %swap3A_21 = arith.index_cast %swap3A : i32 to index
    %swap3A_22 = arith.index_cast %swap3A_20 : i32 to index
    %swap3A_23 = arith.constant 0 : index
    %swap3A_24 = tpu.vector_load %arg6[%swap3A_21, %swap3A_22, %swap3A_23] {strides = array<i32>} : memref<4x2x64xi32, #tpu.memory_space<vmem>>, vector<1x1x16xi32>,
    %swap3A_25 = vector.shape_cast %swap3A_24 : vector<1x1x16xi32> to vector<16xi32>
    %swap3A_26 = vector.shape_cast %and3A_19 : vector<16xi32> to vector<1x1x16xi32>
    tpu.vector_store %arg6[%swap3A_21, %swap3A_22, %swap3A_23], %swap3A_26 {strides = array<i32>} : memref<4x2x64xi32, #tpu.memory_space<vmem>>, vector<1x1x16xi32>,
    %shift_right_arithmetic3A = arith.constant 16 : i32
    %shift_right_arithmetic3A_27 = vector.broadcast %shift_right_arithmetic3A : i32 to vector<16xi32>
    %shift_right_arithmetic3A_28 = arith.shrsi %get3A_17, %shift_right_arithmetic3A_27 : vector<16xi32>
    %swap3A_29 = arith.constant 0 : i32
    %swap3A_30 = arith.constant 0 : i32
    %swap3A_31 = arith.index_cast %swap3A_29 : i32 to index
    %swap3A_32 = arith.index_cast %swap3A_30 : i32 to index
    %swap3A_33 = arith.constant 16 : index
    %swap3A_34 = tpu.vector_load %arg6[%swap3A_31, %swap3A_32, %swap3A_33] {strides = array<i32>} : memref<4x2x64xi32, #tpu.memory_space<vmem>>, vector<1x1x16xi32>,
    %swap3A_35 = vector.shape_cast %swap3A_34 : vector<1x1x16xi32> to vector<16xi32>
    %swap3A_36 = vector.shape_cast %shift_right_arithmetic3A_28 : vector<16xi32> to vector<1x1x16xi32>
    tpu.vector_store %arg6[%swap3A_31, %swap3A_32, %swap3A_33], %swap3A_36 {strides = array<i32>} : memref<4x2x64xi32, #tpu.memory_space<vmem>>, vector<1x1x16xi32>,
    %get3A_37 = arith.constant 0 : i32
    %get3A_38 = arith.index_cast %get3A_37 : i32 to index
    %get3A_39 = arith.constant 16 : index
    %get3A_40 = tpu.vector_load %arg5[%get3A_38, %get3A_39] {strides = array<i32>} : memref<80x128xi32, #tpu.memory_space<vmem>>, vector<1x16xi32>,
    %get3A_41 = vector.shape_cast %get3A_40 : vector<1x16xi32> to vector<16xi32>
    %and3A_42 = arith.constant 65535 : i32
    %and3A_43 = vector.broadcast %and3A_42 : i32 to vector<16xi32>
    %and3A_44 = arith.andi %get3A_41, %and3A_43 : vector<16xi32>
    %swap3A_45 = arith.constant 0 : i32
    %swap3A_46 = arith.constant 0 : i32
    %swap3A_47 = arith.index_cast %swap3A_45 : i32 to index
    %swap3A_48 = arith.index_cast %swap3A_46 : i32 to index
    %swap3A_49 = arith.constant 32 : index
    %swap3A_50 = tpu.vector_load %arg6[%swap3A_47, %swap3A_48, %swap3A_49] {strides = array<i32>} : memref<4x2x64xi32, #tpu.memory_space<vmem>>, vector<1x1x16xi32>,
    %swap3A_51 = vector.shape_cast %swap3A_50 : vector<1x1x16xi32> to vector<16xi32>
    %swap3A_52 = vector.shape_cast %and3A_44 : vector<16xi32> to vector<1x1x16xi32>
    tpu.vector_store %arg6[%swap3A_47, %swap3A_48, %swap3A_49], %swap3A_52 {strides = array<i32>} : memref<4x2x64xi32, #tpu.memory_space<vmem>>, vector<1x1x16xi32>,
    %shift_right_arithmetic3A_53 = arith.constant 16 : i32
    %shift_right_arithmetic3A_54 = vector.broadcast %shift_right_arithmetic3A_53 : i32 to vector<16xi32>
    %shift_right_arithmetic3A_55 = arith.shrsi %get3A_41, %shift_right_arithmetic3A_54 : vector<16xi32>
    %swap3A_56 = arith.constant 0 : i32
    %swap3A_57 = arith.constant 0 : i32
    %swap3A_58 = arith.index_cast %swap3A_56 : i32 to index
    %swap3A_59 = arith.index_cast %swap3A_57 : i32 to index
    %swap3A_60 = arith.constant 48 : index
    %swap3A_61 = tpu.vector_load %arg6[%swap3A_58, %swap3A_59, %swap3A_60] {strides = array<i32>} : memref<4x2x64xi32, #tpu.memory_space<vmem>>, vector<1x1x16xi32>,
    %swap3A_62 = vector.shape_cast %swap3A_61 : vector<1x1x16xi32> to vector<16xi32>
    %swap3A_63 = vector.shape_cast %shift_right_arithmetic3A_55 : vector<16xi32> to vector<1x1x16xi32>
    tpu.vector_store %arg6[%swap3A_58, %swap3A_59, %swap3A_60], %swap3A_63 {strides = array<i32>} : memref<4x2x64xi32, #tpu.memory_space<vmem>>, vector<1x1x16xi32>,
    %get3A_64 = arith.constant 0 : i32
    %get3A_65 = arith.index_cast %get3A_64 : i32 to index
    %get3A_66 = arith.constant 32 : index
    %get3A_67 = tpu.vector_load %arg5[%get3A_65, %get3A_66] {strides = array<i32>} : memref<80x128xi32, #tpu.memory_space<vmem>>, vector<1x16xi32>,
    %get3A_68 = vector.shape_cast %get3A_67 : vector<1x16xi32> to vector<16xi32>
    %and3A_69 = arith.constant 65535 : i32
    %and3A_70 = vector.broadcast %and3A_69 : i32 to vector<16xi32>
    %and3A_71 = arith.andi %get3A_68, %and3A_70 : vector<16xi32>
    %swap3A_72 = arith.constant 0 : i32
    %swap3A_73 = arith.constant 1 : i32
    %swap3A_74 = arith.index_cast %swap3A_72 : i32 to index
    %swap3A_75 = arith.index_cast %swap3A_73 : i32 to index
    %swap3A_76 = arith.constant 0 : index
    %swap3A_77 = tpu.vector_load %arg6[%swap3A_74, %swap3A_75, %swap3A_76] {strides = array<i32>} : memref<4x2x64xi32, #tpu.memory_space<vmem>>, vector<1x1x16xi32>,
    %swap3A_78 = vector.shape_cast %swap3A_77 : vector<1x1x16xi32> to vector<16xi32>
    %swap3A_79 = vector.shape_cast %and3A_71 : vector<16xi32> to vector<1x1x16xi32>
    tpu.vector_store %arg6[%swap3A_74, %swap3A_75, %swap3A_76], %swap3A_79 {strides = array<i32>} : memref<4x2x64xi32, #tpu.memory_space<vmem>>, vector<1x1x16xi32>,
    %shift_right_arithmetic3A_80 = arith.constant 16 : i32
    %shift_right_arithmetic3A_81 = vector.broadcast %shift_right_arithmetic3A_80 : i32 to vector<16xi32>
    %shift_right_arithmetic3A_82 = arith.shrsi %get3A_68, %shift_right_arithmetic3A_81 : vector<16xi32>
    %swap3A_83 = arith.constant 0 : i32
    %swap3A_84 = arith.constant 1 : i32
    %swap3A_85 = arith.index_cast %swap3A_83 : i32 to index
    %swap3A_86 = arith.index_cast %swap3A_84 : i32 to index
    %swap3A_87 = arith.constant 16 : index
    %swap3A_88 = tpu.vector_load %arg6[%swap3A_85, %swap3A_86, %swap3A_87] {strides = array<i32>} : memref<4x2x64xi32, #tpu.memory_space<vmem>>, vector<1x1x16xi32>,
    %swap3A_89 = vector.shape_cast %swap3A_88 : vector<1x1x16xi32> to vector<16xi32>
    %swap3A_90 = vector.shape_cast %shift_right_arithmetic3A_82 : vector<16xi32> to vector<1x1x16xi32>
    tpu.vector_store %arg6[%swap3A_85, %swap3A_86, %swap3A_87], %swap3A_90 {strides = array<i32>} : memref<4x2x64xi32, #tpu.memory_space<vmem>>, vector<1x1x16xi32>,
    %get3A_91 = arith.constant 0 : i32
    %get3A_92 = arith.index_cast %get3A_91 : i32 to index
    %get3A_93 = arith.constant 48 : index
    %get3A_94 = tpu.vector_load %arg5[%get3A_92, %get3A_93] {strides = array<i32>} : memref<80x128xi32, #tpu.memory_space<vmem>>, vector<1x16xi32>,
    %get3A_95 = vector.shape_cast %get3A_94 : vector<1x16xi32> to vector<16xi32>
    %and3A_96 = arith.constant 65535 : i32
    %and3A_97 = vector.broadcast %and3A_96 : i32 to vector<16xi32>
    %and3A_98 = arith.andi %get3A_95, %and3A_97 : vector<16xi32>
    %swap3A_99 = arith.constant 0 : i32
    %swap3A_100 = arith.constant 1 : i32
    %swap3A_101 = arith.index_cast %swap3A_99 : i32 to index
    %swap3A_102 = arith.index_cast %swap3A_100 : i32 to index
    %swap3A_103 = arith.constant 32 : index
    %swap3A_104 = tpu.vector_load %arg6[%swap3A_101, %swap3A_102, %swap3A_103] {strides = array<i32>} : memref<4x2x64xi32, #tpu.memory_space<vmem>>, vector<1x1x16xi32>,
    %swap3A_105 = vector.shape_cast %swap3A_104 : vector<1x1x16xi32> to vector<16xi32>
    %swap3A_106 = vector.shape_cast %and3A_98 : vector<16xi32> to vector<1x1x16xi32>
    tpu.vector_store %arg6[%swap3A_101, %swap3A_102, %swap3A_103], %swap3A_106 {strides = array<i32>} : memref<4x2x64xi32, #tpu.memory_space<vmem>>, vector<1x1x16xi32>,
    %shift_right_arithmetic3A_107 = arith.constant 16 : i32
    %shift_right_arithmetic3A_108 = vector.broadcast %shift_right_arithmetic3A_107 : i32 to vector<16xi32>
    %shift_right_arithmetic3A_109 = arith.shrsi %get3A_95, %shift_right_arithmetic3A_108 : vector<16xi32>
    %swap3A_110 = arith.constant 0 : i32
    %swap3A_111 = arith.constant 1 : i32
    %swap3A_112 = arith.index_cast %swap3A_110 : i32 to index
    %swap3A_113 = arith.index_cast %swap3A_111 : i32 to index
    %swap3A_114 = arith.constant 48 : index
    %swap3A_115 = tpu.vector_load %arg6[%swap3A_112, %swap3A_113, %swap3A_114] {strides = array<i32>} : memref<4x2x64xi32, #tpu.memory_space<vmem>>, vector<1x1x16xi32>,
    %swap3A_116 = vector.shape_cast %swap3A_115 : vector<1x1x16xi32> to vector<16xi32>
    %swap3A_117 = vector.shape_cast %shift_right_arithmetic3A_109 : vector<16xi32> to vector<1x1x16xi32>
    tpu.vector_store %arg6[%swap3A_112, %swap3A_113, %swap3A_114], %swap3A_117 {strides = array<i32>} : memref<4x2x64xi32, #tpu.memory_space<vmem>>, vector<1x1x16xi32>,
    %dma_start3A = arith.constant 0 : i32
    %dma_start3A_118 = arith.constant 0 : i32
    %dma_start3A_119 = arith.constant 0 : i32
    %dma_start3A_120 = arith.constant 0 : i32
    %dma_start3A_121 = arith.constant 0 : i32
    %dma_start3A_122 = tpu.memref_slice %arg7[%dma_start3A_119, %dma_start3A_120, %dma_start3A_121] : memref<4x64x128xf32, #tpu.memory_space<vmem>> -> memref<1x64x128xf32, #tpu.memory_space<vmem>>
    %dma_start3A_123 = tpu.memref_squeeze %dma_start3A_122 : memref<1x64x128xf32, #tpu.memory_space<vmem>> -> memref<64x128xf32, #tpu.memory_space<vmem>>
    %dma_start3A_124 = arith.constant 0 : i32
    %dma_start3A_125 = tpu.memref_slice %arg6[%dma_start3A, %dma_start3A_118, %dma_start3A_124] : memref<4x2x64xi32, #tpu.memory_space<vmem>> -> memref<1x1x64xi32, #tpu.memory_space<vmem>>
    %dma_start3A_126 = tpu.memref_squeeze %dma_start3A_125 : memref<1x1x64xi32, #tpu.memory_space<vmem>> -> memref<64xi32, #tpu.memory_space<vmem>>
    %dma_start3A_127 = arith.constant 0 : i32
    %dma_start3A_128 = arith.constant 0 : i32
    %dma_start3A_129 = tpu.memref_slice %arg2[%dma_start3A_127, %dma_start3A_128] : memref<10240x128xf32, #tpu.memory_space<hbm>> -> memref<10240x128xf32, #tpu.memory_space<hbm>>
    tpu.enqueue_indirect_dma source(%dma_start3A_129 : memref<10240x128xf32, #tpu.memory_space<hbm>>) target(%dma_start3A_123 : memref<64x128xf32, #tpu.memory_space<vmem>>) offsets(%dma_start3A_126 : memref<64xi32, #tpu.memory_space<vmem>>) semaphore(%arg8 : memref<!tpu.dma_semaphore, #tpu.memory_space<semaphore_mem>>)
    %get3A_130 = arith.constant 0 : i32
    %get3A_131 = arith.index_cast %get3A_130 : i32 to index
    %get3A_132 = arith.constant 64 : index
    %get3A_133 = tpu.vector_load %arg5[%get3A_131, %get3A_132] {strides = array<i32>} : memref<80x128xi32, #tpu.memory_space<vmem>>, vector<1x16xi32>,
    %get3A_134 = vector.shape_cast %get3A_133 : vector<1x16xi32> to vector<16xi32>
    %and3A_135 = arith.constant 65535 : i32
    %and3A_136 = vector.broadcast %and3A_135 : i32 to vector<16xi32>
    %and3A_137 = arith.andi %get3A_134, %and3A_136 : vector<16xi32>
    %swap3A_138 = arith.constant 1 : i32
    %swap3A_139 = arith.constant 0 : i32
    %swap3A_140 = arith.index_cast %swap3A_138 : i32 to index
    %swap3A_141 = arith.index_cast %swap3A_139 : i32 to index
    %swap3A_142 = arith.constant 0 : index
    %swap3A_143 = tpu.vector_load %arg6[%swap3A_140, %swap3A_141, %swap3A_142] {strides = array<i32>} : memref<4x2x64xi32, #tpu.memory_space<vmem>>, vector<1x1x16xi32>,
    %swap3A_144 = vector.shape_cast %swap3A_143 : vector<1x1x16xi32> to vector<16xi32>
    %swap3A_145 = vector.shape_cast %and3A_137 : vector<16xi32> to vector<1x1x16xi32>
    tpu.vector_store %arg6[%swap3A_140, %swap3A_141, %swap3A_142], %swap3A_145 {strides = array<i32>} : memref<4x2x64xi32, #tpu.memory_space<vmem>>, vector<1x1x16xi32>,
    %shift_right_arithmetic3A_146 = arith.constant 16 : i32
    %shift_right_arithmetic3A_147 = vector.broadcast %shift_right_arithmetic3A_146 : i32 to vector<16xi32>
    %shift_right_arithmetic3A_148 = arith.shrsi %get3A_134, %shift_right_arithmetic3A_147 : vector<16xi32>
    %swap3A_149 = arith.constant 1 : i32
    %swap3A_150 = arith.constant 0 : i32
    %swap3A_151 = arith.index_cast %swap3A_149 : i32 to index
    %swap3A_152 = arith.index_cast %swap3A_150 : i32 to index
    %swap3A_153 = arith.constant 16 : index
    %swap3A_154 = tpu.vector_load %arg6[%swap3A_151, %swap3A_152, %swap3A_153] {strides = array<i32>} : memref<4x2x64xi32, #tpu.memory_space<vmem>>, vector<1x1x16xi32>,
    %swap3A_155 = vector.shape_cast %swap3A_154 : vector<1x1x16xi32> to vector<16xi32>
    %swap3A_156 = vector.shape_cast %shift_right_arithmetic3A_148 : vector<16xi32> to vector<1x1x16xi32>
    tpu.vector_store %arg6[%swap3A_151, %swap3A_152, %swap3A_153], %swap3A_156 {strides = array<i32>} : memref<4x2x64xi32, #tpu.memory_space<vmem>>, vector<1x1x16xi32>,
    %get3A_157 = arith.constant 0 : i32
    %get3A_158 = arith.index_cast %get3A_157 : i32 to index
    %get3A_159 = arith.constant 80 : index
    %get3A_160 = tpu.vector_load %arg5[%get3A_158, %get3A_159] {strides = array<i32>} : memref<80x128xi32, #tpu.memory_space<vmem>>, vector<1x16xi32>,
    %get3A_161 = vector.shape_cast %get3A_160 : vector<1x16xi32> to vector<16xi32>
    %and3A_162 = arith.constant 65535 : i32
    %and3A_163 = vector.broadcast %and3A_162 : i32 to vector<16xi32>
    %and3A_164 = arith.andi %get3A_161, %and3A_163 : vector<16xi32>
    %swap3A_165 = arith.constant 1 : i32
    %swap3A_166 = arith.constant 0 : i32
    %swap3A_167 = arith.index_cast %swap3A_165 : i32 to index
    %swap3A_168 = arith.index_cast %swap3A_166 : i32 to index
    %swap3A_169 = arith.constant 32 : index
    %swap3A_170 = tpu.vector_load %arg6[%swap3A_167, %swap3A_168, %swap3A_169] {strides = array<i32>} : memref<4x2x64xi32, #tpu.memory_space<vmem>>, vector<1x1x16xi32>,
    %swap3A_171 = vector.shape_cast %swap3A_170 : vector<1x1x16xi32> to vector<16xi32>
    %swap3A_172 = vector.shape_cast %and3A_164 : vector<16xi32> to vector<1x1x16xi32>
    tpu.vector_store %arg6[%swap3A_167, %swap3A_168, %swap3A_169], %swap3A_172 {strides = array<i32>} : memref<4x2x64xi32, #tpu.memory_space<vmem>>, vector<1x1x16xi32>,
    %shift_right_arithmetic3A_173 = arith.constant 16 : i32
    %shift_right_arithmetic3A_174 = vector.broadcast %shift_right_arithmetic3A_173 : i32 to vector<16xi32>
    %shift_right_arithmetic3A_175 = arith.shrsi %get3A_161, %shift_right_arithmetic3A_174 : vector<16xi32>
    %swap3A_176 = arith.constant 1 : i32
    %swap3A_177 = arith.constant 0 : i32
    %swap3A_178 = arith.index_cast %swap3A_176 : i32 to index
    %swap3A_179 = arith.index_cast %swap3A_177 : i32 to index
    %swap3A_180 = arith.constant 48 : index
    %swap3A_181 = tpu.vector_load %arg6[%swap3A_178, %swap3A_179, %swap3A_180] {strides = array<i32>} : memref<4x2x64xi32, #tpu.memory_space<vmem>>, vector<1x1x16xi32>,
    %swap3A_182 = vector.shape_cast %swap3A_181 : vector<1x1x16xi32> to vector<16xi32>
    %swap3A_183 = vector.shape_cast %shift_right_arithmetic3A_175 : vector<16xi32> to vector<1x1x16xi32>
    tpu.vector_store %arg6[%swap3A_178, %swap3A_179, %swap3A_180], %swap3A_183 {strides = array<i32>} : memref<4x2x64xi32, #tpu.memory_space<vmem>>, vector<1x1x16xi32>,
    %get3A_184 = arith.constant 0 : i32
    %get3A_185 = arith.index_cast %get3A_184 : i32 to index
    %get3A_186 = arith.constant 96 : index
    %get3A_187 = tpu.vector_load %arg5[%get3A_185, %get3A_186] {strides = array<i32>} : memref<80x128xi32, #tpu.memory_space<vmem>>, vector<1x16xi32>,
    %get3A_188 = vector.shape_cast %get3A_187 : vector<1x16xi32> to vector<16xi32>
    %and3A_189 = arith.constant 65535 : i32
    %and3A_190 = vector.broadcast %and3A_189 : i32 to vector<16xi32>
    %and3A_191 = arith.andi %get3A_188, %and3A_190 : vector<16xi32>
    %swap3A_192 = arith.constant 1 : i32
    %swap3A_193 = arith.constant 1 : i32
    %swap3A_194 = arith.index_cast %swap3A_192 : i32 to index
    %swap3A_195 = arith.index_cast %swap3A_193 : i32 to index
    %swap3A_196 = arith.constant 0 : index
    %swap3A_197 = tpu.vector_load %arg6[%swap3A_194, %swap3A_195, %swap3A_196] {strides = array<i32>} : memref<4x2x64xi32, #tpu.memory_space<vmem>>, vector<1x1x16xi32>,
    %swap3A_198 = vector.shape_cast %swap3A_197 : vector<1x1x16xi32> to vector<16xi32>
    %swap3A_199 = vector.shape_cast %and3A_191 : vector<16xi32> to vector<1x1x16xi32>
    tpu.vector_store %arg6[%swap3A_194, %swap3A_195, %swap3A_196], %swap3A_199 {strides = array<i32>} : memref<4x2x64xi32, #tpu.memory_space<vmem>>, vector<1x1x16xi32>,
    %shift_right_arithmetic3A_200 = arith.constant 16 : i32
    %shift_right_arithmetic3A_201 = vector.broadcast %shift_right_arithmetic3A_200 : i32 to vector<16xi32>
    %shift_right_arithmetic3A_202 = arith.shrsi %get3A_188, %shift_right_arithmetic3A_201 : vector<16xi32>
    %swap3A_203 = arith.constant 1 : i32
    %swap3A_204 = arith.constant 1 : i32
    %swap3A_205 = arith.index_cast %swap3A_203 : i32 to index
    %swap3A_206 = arith.index_cast %swap3A_204 : i32 to index
    %swap3A_207 = arith.constant 16 : index
    %swap3A_208 = tpu.vector_load %arg6[%swap3A_205, %swap3A_206, %swap3A_207] {strides = array<i32>} : memref<4x2x64xi32, #tpu.memory_space<vmem>>, vector<1x1x16xi32>,
    %swap3A_209 = vector.shape_cast %swap3A_208 : vector<1x1x16xi32> to vector<16xi32>
    %swap3A_210 = vector.shape_cast %shift_right_arithmetic3A_202 : vector<16xi32> to vector<1x1x16xi32>
    tpu.vector_store %arg6[%swap3A_205, %swap3A_206, %swap3A_207], %swap3A_210 {strides = array<i32>} : memref<4x2x64xi32, #tpu.memory_space<vmem>>, vector<1x1x16xi32>,
    %get3A_211 = arith.constant 0 : i32
    %get3A_212 = arith.index_cast %get3A_211 : i32 to index
    %get3A_213 = arith.constant 112 : index
    %get3A_214 = tpu.vector_load %arg5[%get3A_212, %get3A_213] {strides = array<i32>} : memref<80x128xi32, #tpu.memory_space<vmem>>, vector<1x16xi32>,
    %get3A_215 = vector.shape_cast %get3A_214 : vector<1x16xi32> to vector<16xi32>
    %and3A_216 = arith.constant 65535 : i32
    %and3A_217 = vector.broadcast %and3A_216 : i32 to vector<16xi32>
    %and3A_218 = arith.andi %get3A_215, %and3A_217 : vector<16xi32>
    %swap3A_219 = arith.constant 1 : i32
    %swap3A_220 = arith.constant 1 : i32
    %swap3A_221 = arith.index_cast %swap3A_219 : i32 to index
    %swap3A_222 = arith.index_cast %swap3A_220 : i32 to index
    %swap3A_223 = arith.constant 32 : index
    %swap3A_224 = tpu.vector_load %arg6[%swap3A_221, %swap3A_222, %swap3A_223] {strides = array<i32>} : memref<4x2x64xi32, #tpu.memory_space<vmem>>, vector<1x1x16xi32>,
    %swap3A_225 = vector.shape_cast %swap3A_224 : vector<1x1x16xi32> to vector<16xi32>
    %swap3A_226 = vector.shape_cast %and3A_218 : vector<16xi32> to vector<1x1x16xi32>
    tpu.vector_store %arg6[%swap3A_221, %swap3A_222, %swap3A_223], %swap3A_226 {strides = array<i32>} : memref<4x2x64xi32, #tpu.memory_space<vmem>>, vector<1x1x16xi32>,
    %shift_right_arithmetic3A_227 = arith.constant 16 : i32
    %shift_right_arithmetic3A_228 = vector.broadcast %shift_right_arithmetic3A_227 : i32 to vector<16xi32>
    %shift_right_arithmetic3A_229 = arith.shrsi %get3A_215, %shift_right_arithmetic3A_228 : vector<16xi32>
    %swap3A_230 = arith.constant 1 : i32
    %swap3A_231 = arith.constant 1 : i32
    %swap3A_232 = arith.index_cast %swap3A_230 : i32 to index
    %swap3A_233 = arith.index_cast %swap3A_231 : i32 to index
    %swap3A_234 = arith.constant 48 : index
    %swap3A_235 = tpu.vector_load %arg6[%swap3A_232, %swap3A_233, %swap3A_234] {strides = array<i32>} : memref<4x2x64xi32, #tpu.memory_space<vmem>>, vector<1x1x16xi32>,
    %swap3A_236 = vector.shape_cast %swap3A_235 : vector<1x1x16xi32> to vector<16xi32>
    %swap3A_237 = vector.shape_cast %shift_right_arithmetic3A_229 : vector<16xi32> to vector<1x1x16xi32>
    tpu.vector_store %arg6[%swap3A_232, %swap3A_233, %swap3A_234], %swap3A_237 {strides = array<i32>} : memref<4x2x64xi32, #tpu.memory_space<vmem>>, vector<1x1x16xi32>,
    %dma_start3A_238 = arith.constant 1 : i32
    %dma_start3A_239 = arith.constant 0 : i32
    %dma_start3A_240 = arith.constant 1 : i32
    %dma_start3A_241 = arith.constant 0 : i32
    %dma_start3A_242 = arith.constant 0 : i32
    %dma_start3A_243 = tpu.memref_slice %arg7[%dma_start3A_240, %dma_start3A_241, %dma_start3A_242] : memref<4x64x128xf32, #tpu.memory_space<vmem>> -> memref<1x64x128xf32, #tpu.memory_space<vmem>>
    %dma_start3A_244 = tpu.memref_squeeze %dma_start3A_243 : memref<1x64x128xf32, #tpu.memory_space<vmem>> -> memref<64x128xf32, #tpu.memory_space<vmem>>
    %dma_start3A_245 = arith.constant 0 : i32
    %dma_start3A_246 = tpu.memref_slice %arg6[%dma_start3A_238, %dma_start3A_239, %dma_start3A_245] : memref<4x2x64xi32, #tpu.memory_space<vmem>> -> memref<1x1x64xi32, #tpu.memory_space<vmem>>
    %dma_start3A_247 = tpu.memref_squeeze %dma_start3A_246 : memref<1x1x64xi32, #tpu.memory_space<vmem>> -> memref<64xi32, #tpu.memory_space<vmem>>
    %dma_start3A_248 = arith.constant 0 : i32
    %dma_start3A_249 = arith.constant 0 : i32
    %dma_start3A_250 = tpu.memref_slice %arg2[%dma_start3A_248, %dma_start3A_249] : memref<10240x128xf32, #tpu.memory_space<hbm>> -> memref<10240x128xf32, #tpu.memory_space<hbm>>
    tpu.enqueue_indirect_dma source(%dma_start3A_250 : memref<10240x128xf32, #tpu.memory_space<hbm>>) target(%dma_start3A_244 : memref<64x128xf32, #tpu.memory_space<vmem>>) offsets(%dma_start3A_247 : memref<64xi32, #tpu.memory_space<vmem>>) semaphore(%arg9 : memref<!tpu.dma_semaphore, #tpu.memory_space<semaphore_mem>>)
    %get3A_251 = arith.constant 1 : i32
    %get3A_252 = arith.index_cast %get3A_251 : i32 to index
    %get3A_253 = arith.constant 0 : index
    %get3A_254 = tpu.vector_load %arg5[%get3A_252, %get3A_253] {strides = array<i32>} : memref<80x128xi32, #tpu.memory_space<vmem>>, vector<1x16xi32>,
    %get3A_255 = vector.shape_cast %get3A_254 : vector<1x16xi32> to vector<16xi32>
    %and3A_256 = arith.constant 65535 : i32
    %and3A_257 = vector.broadcast %and3A_256 : i32 to vector<16xi32>
    %and3A_258 = arith.andi %get3A_255, %and3A_257 : vector<16xi32>
    %swap3A_259 = arith.constant 2 : i32
    %swap3A_260 = arith.constant 0 : i32
    %swap3A_261 = arith.index_cast %swap3A_259 : i32 to index
    %swap3A_262 = arith.index_cast %swap3A_260 : i32 to index
    %swap3A_263 = arith.constant 0 : index
    %swap3A_264 = tpu.vector_load %arg6[%swap3A_261, %swap3A_262, %swap3A_263] {strides = array<i32>} : memref<4x2x64xi32, #tpu.memory_space<vmem>>, vector<1x1x16xi32>,
    %swap3A_265 = vector.shape_cast %swap3A_264 : vector<1x1x16xi32> to vector<16xi32>
    %swap3A_266 = vector.shape_cast %and3A_258 : vector<16xi32> to vector<1x1x16xi32>
    tpu.vector_store %arg6[%swap3A_261, %swap3A_262, %swap3A_263], %swap3A_266 {strides = array<i32>} : memref<4x2x64xi32, #tpu.memory_space<vmem>>, vector<1x1x16xi32>,
    %shift_right_arithmetic3A_267 = arith.constant 16 : i32
    %shift_right_arithmetic3A_268 = vector.broadcast %shift_right_arithmetic3A_267 : i32 to vector<16xi32>
    %shift_right_arithmetic3A_269 = arith.shrsi %get3A_255, %shift_right_arithmetic3A_268 : vector<16xi32>
    %swap3A_270 = arith.constant 2 : i32
    %swap3A_271 = arith.constant 0 : i32
    %swap3A_272 = arith.index_cast %swap3A_270 : i32 to index
    %swap3A_273 = arith.index_cast %swap3A_271 : i32 to index
    %swap3A_274 = arith.constant 16 : index
    %swap3A_275 = tpu.vector_load %arg6[%swap3A_272, %swap3A_273, %swap3A_274] {strides = array<i32>} : memref<4x2x64xi32, #tpu.memory_space<vmem>>, vector<1x1x16xi32>,
    %swap3A_276 = vector.shape_cast %swap3A_275 : vector<1x1x16xi32> to vector<16xi32>
    %swap3A_277 = vector.shape_cast %shift_right_arithmetic3A_269 : vector<16xi32> to vector<1x1x16xi32>
    tpu.vector_store %arg6[%swap3A_272, %swap3A_273, %swap3A_274], %swap3A_277 {strides = array<i32>} : memref<4x2x64xi32, #tpu.memory_space<vmem>>, vector<1x1x16xi32>,
    %get3A_278 = arith.constant 1 : i32
    %get3A_279 = arith.index_cast %get3A_278 : i32 to index
    %get3A_280 = arith.constant 16 : index
    %get3A_281 = tpu.vector_load %arg5[%get3A_279, %get3A_280] {strides = array<i32>} : memref<80x128xi32, #tpu.memory_space<vmem>>, vector<1x16xi32>,
    %get3A_282 = vector.shape_cast %get3A_281 : vector<1x16xi32> to vector<16xi32>
    %and3A_283 = arith.constant 65535 : i32
    %and3A_284 = vector.broadcast %and3A_283 : i32 to vector<16xi32>
    %and3A_285 = arith.andi %get3A_282, %and3A_284 : vector<16xi32>
    %swap3A_286 = arith.constant 2 : i32
    %swap3A_287 = arith.constant 0 : i32
    %swap3A_288 = arith.index_cast %swap3A_286 : i32 to index
    %swap3A_289 = arith.index_cast %swap3A_287 : i32 to index
    %swap3A_290 = arith.constant 32 : index
    %swap3A_291 = tpu.vector_load %arg6[%swap3A_288, %swap3A_289, %swap3A_290] {strides = array<i32>} : memref<4x2x64xi32, #tpu.memory_space<vmem>>, vector<1x1x16xi32>,
    %swap3A_292 = vector.shape_cast %swap3A_291 : vector<1x1x16xi32> to vector<16xi32>
    %swap3A_293 = vector.shape_cast %and3A_285 : vector<16xi32> to vector<1x1x16xi32>
    tpu.vector_store %arg6[%swap3A_288, %swap3A_289, %swap3A_290], %swap3A_293 {strides = array<i32>} : memref<4x2x64xi32, #tpu.memory_space<vmem>>, vector<1x1x16xi32>,
    %shift_right_arithmetic3A_294 = arith.constant 16 : i32
    %shift_right_arithmetic3A_295 = vector.broadcast %shift_right_arithmetic3A_294 : i32 to vector<16xi32>
    %shift_right_arithmetic3A_296 = arith.shrsi %get3A_282, %shift_right_arithmetic3A_295 : vector<16xi32>
    %swap3A_297 = arith.constant 2 : i32
    %swap3A_298 = arith.constant 0 : i32
    %swap3A_299 = arith.index_cast %swap3A_297 : i32 to index
    %swap3A_300 = arith.index_cast %swap3A_298 : i32 to index
    %swap3A_301 = arith.constant 48 : index
    %swap3A_302 = tpu.vector_load %arg6[%swap3A_299, %swap3A_300, %swap3A_301] {strides = array<i32>} : memref<4x2x64xi32, #tpu.memory_space<vmem>>, vector<1x1x16xi32>,
    %swap3A_303 = vector.shape_cast %swap3A_302 : vector<1x1x16xi32> to vector<16xi32>
    %swap3A_304 = vector.shape_cast %shift_right_arithmetic3A_296 : vector<16xi32> to vector<1x1x16xi32>
    tpu.vector_store %arg6[%swap3A_299, %swap3A_300, %swap3A_301], %swap3A_304 {strides = array<i32>} : memref<4x2x64xi32, #tpu.memory_space<vmem>>, vector<1x1x16xi32>,
    %get3A_305 = arith.constant 1 : i32
    %get3A_306 = arith.index_cast %get3A_305 : i32 to index
    %get3A_307 = arith.constant 32 : index
    %get3A_308 = tpu.vector_load %arg5[%get3A_306, %get3A_307] {strides = array<i32>} : memref<80x128xi32, #tpu.memory_space<vmem>>, vector<1x16xi32>,
    %get3A_309 = vector.shape_cast %get3A_308 : vector<1x16xi32> to vector<16xi32>
    %and3A_310 = arith.constant 65535 : i32
    %and3A_311 = vector.broadcast %and3A_310 : i32 to vector<16xi32>
    %and3A_312 = arith.andi %get3A_309, %and3A_311 : vector<16xi32>
    %swap3A_313 = arith.constant 2 : i32
    %swap3A_314 = arith.constant 1 : i32
    %swap3A_315 = arith.index_cast %swap3A_313 : i32 to index
    %swap3A_316 = arith.index_cast %swap3A_314 : i32 to index
    %swap3A_317 = arith.constant 0 : index
    %swap3A_318 = tpu.vector_load %arg6[%swap3A_315, %swap3A_316, %swap3A_317] {strides = array<i32>} : memref<4x2x64xi32, #tpu.memory_space<vmem>>, vector<1x1x16xi32>,
    %swap3A_319 = vector.shape_cast %swap3A_318 : vector<1x1x16xi32> to vector<16xi32>
    %swap3A_320 = vector.shape_cast %and3A_312 : vector<16xi32> to vector<1x1x16xi32>
    tpu.vector_store %arg6[%swap3A_315, %swap3A_316, %swap3A_317], %swap3A_320 {strides = array<i32>} : memref<4x2x64xi32, #tpu.memory_space<vmem>>, vector<1x1x16xi32>,
    %shift_right_arithmetic3A_321 = arith.constant 16 : i32
    %shift_right_arithmetic3A_322 = vector.broadcast %shift_right_arithmetic3A_321 : i32 to vector<16xi32>
    %shift_right_arithmetic3A_323 = arith.shrsi %get3A_309, %shift_right_arithmetic3A_322 : vector<16xi32>
    %swap3A_324 = arith.constant 2 : i32
    %swap3A_325 = arith.constant 1 : i32
    %swap3A_326 = arith.index_cast %swap3A_324 : i32 to index
    %swap3A_327 = arith.index_cast %swap3A_325 : i32 to index
    %swap3A_328 = arith.constant 16 : index
    %swap3A_329 = tpu.vector_load %arg6[%swap3A_326, %swap3A_327, %swap3A_328] {strides = array<i32>} : memref<4x2x64xi32, #tpu.memory_space<vmem>>, vector<1x1x16xi32>,
    %swap3A_330 = vector.shape_cast %swap3A_329 : vector<1x1x16xi32> to vector<16xi32>
    %swap3A_331 = vector.shape_cast %shift_right_arithmetic3A_323 : vector<16xi32> to vector<1x1x16xi32>
    tpu.vector_store %arg6[%swap3A_326, %swap3A_327, %swap3A_328], %swap3A_331 {strides = array<i32>} : memref<4x2x64xi32, #tpu.memory_space<vmem>>, vector<1x1x16xi32>,
    %get3A_332 = arith.constant 1 : i32
    %get3A_333 = arith.index_cast %get3A_332 : i32 to index
    %get3A_334 = arith.constant 48 : index
    %get3A_335 = tpu.vector_load %arg5[%get3A_333, %get3A_334] {strides = array<i32>} : memref<80x128xi32, #tpu.memory_space<vmem>>, vector<1x16xi32>,
    %get3A_336 = vector.shape_cast %get3A_335 : vector<1x16xi32> to vector<16xi32>
    %and3A_337 = arith.constant 65535 : i32
    %and3A_338 = vector.broadcast %and3A_337 : i32 to vector<16xi32>
    %and3A_339 = arith.andi %get3A_336, %and3A_338 : vector<16xi32>
    %swap3A_340 = arith.constant 2 : i32
    %swap3A_341 = arith.constant 1 : i32
    %swap3A_342 = arith.index_cast %swap3A_340 : i32 to index
    %swap3A_343 = arith.index_cast %swap3A_341 : i32 to index
    %swap3A_344 = arith.constant 32 : index
    %swap3A_345 = tpu.vector_load %arg6[%swap3A_342, %swap3A_343, %swap3A_344] {strides = array<i32>} : memref<4x2x64xi32, #tpu.memory_space<vmem>>, vector<1x1x16xi32>,
    %swap3A_346 = vector.shape_cast %swap3A_345 : vector<1x1x16xi32> to vector<16xi32>
    %swap3A_347 = vector.shape_cast %and3A_339 : vector<16xi32> to vector<1x1x16xi32>
    tpu.vector_store %arg6[%swap3A_342, %swap3A_343, %swap3A_344], %swap3A_347 {strides = array<i32>} : memref<4x2x64xi32, #tpu.memory_space<vmem>>, vector<1x1x16xi32>,
    %shift_right_arithmetic3A_348 = arith.constant 16 : i32
    %shift_right_arithmetic3A_349 = vector.broadcast %shift_right_arithmetic3A_348 : i32 to vector<16xi32>
    %shift_right_arithmetic3A_350 = arith.shrsi %get3A_336, %shift_right_arithmetic3A_349 : vector<16xi32>
    %swap3A_351 = arith.constant 2 : i32
    %swap3A_352 = arith.constant 1 : i32
    %swap3A_353 = arith.index_cast %swap3A_351 : i32 to index
    %swap3A_354 = arith.index_cast %swap3A_352 : i32 to index
    %swap3A_355 = arith.constant 48 : index
    %swap3A_356 = tpu.vector_load %arg6[%swap3A_353, %swap3A_354, %swap3A_355] {strides = array<i32>} : memref<4x2x64xi32, #tpu.memory_space<vmem>>, vector<1x1x16xi32>,
    %swap3A_357 = vector.shape_cast %swap3A_356 : vector<1x1x16xi32> to vector<16xi32>
    %swap3A_358 = vector.shape_cast %shift_right_arithmetic3A_350 : vector<16xi32> to vector<1x1x16xi32>
    tpu.vector_store %arg6[%swap3A_353, %swap3A_354, %swap3A_355], %swap3A_358 {strides = array<i32>} : memref<4x2x64xi32, #tpu.memory_space<vmem>>, vector<1x1x16xi32>,
    %dma_start3A_359 = arith.constant 2 : i32
    %dma_start3A_360 = arith.constant 0 : i32
    %dma_start3A_361 = arith.constant 2 : i32
    %dma_start3A_362 = arith.constant 0 : i32
    %dma_start3A_363 = arith.constant 0 : i32
    %dma_start3A_364 = tpu.memref_slice %arg7[%dma_start3A_361, %dma_start3A_362, %dma_start3A_363] : memref<4x64x128xf32, #tpu.memory_space<vmem>> -> memref<1x64x128xf32, #tpu.memory_space<vmem>>
    %dma_start3A_365 = tpu.memref_squeeze %dma_start3A_364 : memref<1x64x128xf32, #tpu.memory_space<vmem>> -> memref<64x128xf32, #tpu.memory_space<vmem>>
    %dma_start3A_366 = arith.constant 0 : i32
    %dma_start3A_367 = tpu.memref_slice %arg6[%dma_start3A_359, %dma_start3A_360, %dma_start3A_366] : memref<4x2x64xi32, #tpu.memory_space<vmem>> -> memref<1x1x64xi32, #tpu.memory_space<vmem>>
    %dma_start3A_368 = tpu.memref_squeeze %dma_start3A_367 : memref<1x1x64xi32, #tpu.memory_space<vmem>> -> memref<64xi32, #tpu.memory_space<vmem>>
    %dma_start3A_369 = arith.constant 0 : i32
    %dma_start3A_370 = arith.constant 0 : i32
    %dma_start3A_371 = tpu.memref_slice %arg2[%dma_start3A_369, %dma_start3A_370] : memref<10240x128xf32, #tpu.memory_space<hbm>> -> memref<10240x128xf32, #tpu.memory_space<hbm>>
    tpu.enqueue_indirect_dma source(%dma_start3A_371 : memref<10240x128xf32, #tpu.memory_space<hbm>>) target(%dma_start3A_365 : memref<64x128xf32, #tpu.memory_space<vmem>>) offsets(%dma_start3A_368 : memref<64xi32, #tpu.memory_space<vmem>>) semaphore(%arg10 : memref<!tpu.dma_semaphore, #tpu.memory_space<semaphore_mem>>)
    %get3A_372 = arith.constant 1 : i32
    %get3A_373 = arith.index_cast %get3A_372 : i32 to index
    %get3A_374 = arith.constant 64 : index
    %get3A_375 = tpu.vector_load %arg5[%get3A_373, %get3A_374] {strides = array<i32>} : memref<80x128xi32, #tpu.memory_space<vmem>>, vector<1x16xi32>,
    %get3A_376 = vector.shape_cast %get3A_375 : vector<1x16xi32> to vector<16xi32>
    %and3A_377 = arith.constant 65535 : i32
    %and3A_378 = vector.broadcast %and3A_377 : i32 to vector<16xi32>
    %and3A_379 = arith.andi %get3A_376, %and3A_378 : vector<16xi32>
    %swap3A_380 = arith.constant 3 : i32
    %swap3A_381 = arith.constant 0 : i32
    %swap3A_382 = arith.index_cast %swap3A_380 : i32 to index
    %swap3A_383 = arith.index_cast %swap3A_381 : i32 to index
    %swap3A_384 = arith.constant 0 : index
    %swap3A_385 = tpu.vector_load %arg6[%swap3A_382, %swap3A_383, %swap3A_384] {strides = array<i32>} : memref<4x2x64xi32, #tpu.memory_space<vmem>>, vector<1x1x16xi32>,
    %swap3A_386 = vector.shape_cast %swap3A_385 : vector<1x1x16xi32> to vector<16xi32>
    %swap3A_387 = vector.shape_cast %and3A_379 : vector<16xi32> to vector<1x1x16xi32>
    tpu.vector_store %arg6[%swap3A_382, %swap3A_383, %swap3A_384], %swap3A_387 {strides = array<i32>} : memref<4x2x64xi32, #tpu.memory_space<vmem>>, vector<1x1x16xi32>,
    %shift_right_arithmetic3A_388 = arith.constant 16 : i32
    %shift_right_arithmetic3A_389 = vector.broadcast %shift_right_arithmetic3A_388 : i32 to vector<16xi32>
    %shift_right_arithmetic3A_390 = arith.shrsi %get3A_376, %shift_right_arithmetic3A_389 : vector<16xi32>
    %swap3A_391 = arith.constant 3 : i32
    %swap3A_392 = arith.constant 0 : i32
    %swap3A_393 = arith.index_cast %swap3A_391 : i32 to index
    %swap3A_394 = arith.index_cast %swap3A_392 : i32 to index
    %swap3A_395 = arith.constant 16 : index
    %swap3A_396 = tpu.vector_load %arg6[%swap3A_393, %swap3A_394, %swap3A_395] {strides = array<i32>} : memref<4x2x64xi32, #tpu.memory_space<vmem>>, vector<1x1x16xi32>,
    %swap3A_397 = vector.shape_cast %swap3A_396 : vector<1x1x16xi32> to vector<16xi32>
    %swap3A_398 = vector.shape_cast %shift_right_arithmetic3A_390 : vector<16xi32> to vector<1x1x16xi32>
    tpu.vector_store %arg6[%swap3A_393, %swap3A_394, %swap3A_395], %swap3A_398 {strides = array<i32>} : memref<4x2x64xi32, #tpu.memory_space<vmem>>, vector<1x1x16xi32>,
    %get3A_399 = arith.constant 1 : i32
    %get3A_400 = arith.index_cast %get3A_399 : i32 to index
    %get3A_401 = arith.constant 80 : index
    %get3A_402 = tpu.vector_load %arg5[%get3A_400, %get3A_401] {strides = array<i32>} : memref<80x128xi32, #tpu.memory_space<vmem>>, vector<1x16xi32>,
    %get3A_403 = vector.shape_cast %get3A_402 : vector<1x16xi32> to vector<16xi32>
    %and3A_404 = arith.constant 65535 : i32
    %and3A_405 = vector.broadcast %and3A_404 : i32 to vector<16xi32>
    %and3A_406 = arith.andi %get3A_403, %and3A_405 : vector<16xi32>
    %swap3A_407 = arith.constant 3 : i32
    %swap3A_408 = arith.constant 0 : i32
    %swap3A_409 = arith.index_cast %swap3A_407 : i32 to index
    %swap3A_410 = arith.index_cast %swap3A_408 : i32 to index
    %swap3A_411 = arith.constant 32 : index
    %swap3A_412 = tpu.vector_load %arg6[%swap3A_409, %swap3A_410, %swap3A_411] {strides = array<i32>} : memref<4x2x64xi32, #tpu.memory_space<vmem>>, vector<1x1x16xi32>,
    %swap3A_413 = vector.shape_cast %swap3A_412 : vector<1x1x16xi32> to vector<16xi32>
    %swap3A_414 = vector.shape_cast %and3A_406 : vector<16xi32> to vector<1x1x16xi32>
    tpu.vector_store %arg6[%swap3A_409, %swap3A_410, %swap3A_411], %swap3A_414 {strides = array<i32>} : memref<4x2x64xi32, #tpu.memory_space<vmem>>, vector<1x1x16xi32>,
    %shift_right_arithmetic3A_415 = arith.constant 16 : i32
    %shift_right_arithmetic3A_416 = vector.broadcast %shift_right_arithmetic3A_415 : i32 to vector<16xi32>
    %shift_right_arithmetic3A_417 = arith.shrsi %get3A_403, %shift_right_arithmetic3A_416 : vector<16xi32>
    %swap3A_418 = arith.constant 3 : i32
    %swap3A_419 = arith.constant 0 : i32
    %swap3A_420 = arith.index_cast %swap3A_418 : i32 to index
    %swap3A_421 = arith.index_cast %swap3A_419 : i32 to index
    %swap3A_422 = arith.constant 48 : index
    %swap3A_423 = tpu.vector_load %arg6[%swap3A_420, %swap3A_421, %swap3A_422] {strides = array<i32>} : memref<4x2x64xi32, #tpu.memory_space<vmem>>, vector<1x1x16xi32>,
    %swap3A_424 = vector.shape_cast %swap3A_423 : vector<1x1x16xi32> to vector<16xi32>
    %swap3A_425 = vector.shape_cast %shift_right_arithmetic3A_417 : vector<16xi32> to vector<1x1x16xi32>
    tpu.vector_store %arg6[%swap3A_420, %swap3A_421, %swap3A_422], %swap3A_425 {strides = array<i32>} : memref<4x2x64xi32, #tpu.memory_space<vmem>>, vector<1x1x16xi32>,
    %get3A_426 = arith.constant 1 : i32
    %get3A_427 = arith.index_cast %get3A_426 : i32 to index
    %get3A_428 = arith.constant 96 : index
    %get3A_429 = tpu.vector_load %arg5[%get3A_427, %get3A_428] {strides = array<i32>} : memref<80x128xi32, #tpu.memory_space<vmem>>, vector<1x16xi32>,
    %get3A_430 = vector.shape_cast %get3A_429 : vector<1x16xi32> to vector<16xi32>
    %and3A_431 = arith.constant 65535 : i32
    %and3A_432 = vector.broadcast %and3A_431 : i32 to vector<16xi32>
    %and3A_433 = arith.andi %get3A_430, %and3A_432 : vector<16xi32>
    %swap3A_434 = arith.constant 3 : i32
    %swap3A_435 = arith.constant 1 : i32
    %swap3A_436 = arith.index_cast %swap3A_434 : i32 to index
    %swap3A_437 = arith.index_cast %swap3A_435 : i32 to index
    %swap3A_438 = arith.constant 0 : index
    %swap3A_439 = tpu.vector_load %arg6[%swap3A_436, %swap3A_437, %swap3A_438] {strides = array<i32>} : memref<4x2x64xi32, #tpu.memory_space<vmem>>, vector<1x1x16xi32>,
    %swap3A_440 = vector.shape_cast %swap3A_439 : vector<1x1x16xi32> to vector<16xi32>
    %swap3A_441 = vector.shape_cast %and3A_433 : vector<16xi32> to vector<1x1x16xi32>
    tpu.vector_store %arg6[%swap3A_436, %swap3A_437, %swap3A_438], %swap3A_441 {strides = array<i32>} : memref<4x2x64xi32, #tpu.memory_space<vmem>>, vector<1x1x16xi32>,
    %shift_right_arithmetic3A_442 = arith.constant 16 : i32
    %shift_right_arithmetic3A_443 = vector.broadcast %shift_right_arithmetic3A_442 : i32 to vector<16xi32>
    %shift_right_arithmetic3A_444 = arith.shrsi %get3A_430, %shift_right_arithmetic3A_443 : vector<16xi32>
    %swap3A_445 = arith.constant 3 : i32
    %swap3A_446 = arith.constant 1 : i32
    %swap3A_447 = arith.index_cast %swap3A_445 : i32 to index
    %swap3A_448 = arith.index_cast %swap3A_446 : i32 to index
    %swap3A_449 = arith.constant 16 : index
    %swap3A_450 = tpu.vector_load %arg6[%swap3A_447, %swap3A_448, %swap3A_449] {strides = array<i32>} : memref<4x2x64xi32, #tpu.memory_space<vmem>>, vector<1x1x16xi32>,
    %swap3A_451 = vector.shape_cast %swap3A_450 : vector<1x1x16xi32> to vector<16xi32>
    %swap3A_452 = vector.shape_cast %shift_right_arithmetic3A_444 : vector<16xi32> to vector<1x1x16xi32>
    tpu.vector_store %arg6[%swap3A_447, %swap3A_448, %swap3A_449], %swap3A_452 {strides = array<i32>} : memref<4x2x64xi32, #tpu.memory_space<vmem>>, vector<1x1x16xi32>,
    %get3A_453 = arith.constant 1 : i32
    %get3A_454 = arith.index_cast %get3A_453 : i32 to index
    %get3A_455 = arith.constant 112 : index
    %get3A_456 = tpu.vector_load %arg5[%get3A_454, %get3A_455] {strides = array<i32>} : memref<80x128xi32, #tpu.memory_space<vmem>>, vector<1x16xi32>,
    %get3A_457 = vector.shape_cast %get3A_456 : vector<1x16xi32> to vector<16xi32>
    %and3A_458 = arith.constant 65535 : i32
    %and3A_459 = vector.broadcast %and3A_458 : i32 to vector<16xi32>
    %and3A_460 = arith.andi %get3A_457, %and3A_459 : vector<16xi32>
    %swap3A_461 = arith.constant 3 : i32
    %swap3A_462 = arith.constant 1 : i32
    %swap3A_463 = arith.index_cast %swap3A_461 : i32 to index
    %swap3A_464 = arith.index_cast %swap3A_462 : i32 to index
    %swap3A_465 = arith.constant 32 : index
    %swap3A_466 = tpu.vector_load %arg6[%swap3A_463, %swap3A_464, %swap3A_465] {strides = array<i32>} : memref<4x2x64xi32, #tpu.memory_space<vmem>>, vector<1x1x16xi32>,
    %swap3A_467 = vector.shape_cast %swap3A_466 : vector<1x1x16xi32> to vector<16xi32>
    %swap3A_468 = vector.shape_cast %and3A_460 : vector<16xi32> to vector<1x1x16xi32>
    tpu.vector_store %arg6[%swap3A_463, %swap3A_464, %swap3A_465], %swap3A_468 {strides = array<i32>} : memref<4x2x64xi32, #tpu.memory_space<vmem>>, vector<1x1x16xi32>,
    %shift_right_arithmetic3A_469 = arith.constant 16 : i32
    %shift_right_arithmetic3A_470 = vector.broadcast %shift_right_arithmetic3A_469 : i32 to vector<16xi32>
    %shift_right_arithmetic3A_471 = arith.shrsi %get3A_457, %shift_right_arithmetic3A_470 : vector<16xi32>
    %swap3A_472 = arith.constant 3 : i32
    %swap3A_473 = arith.constant 1 : i32
    %swap3A_474 = arith.index_cast %swap3A_472 : i32 to index
    %swap3A_475 = arith.index_cast %swap3A_473 : i32 to index
    %swap3A_476 = arith.constant 48 : index
    %swap3A_477 = tpu.vector_load %arg6[%swap3A_474, %swap3A_475, %swap3A_476] {strides = array<i32>} : memref<4x2x64xi32, #tpu.memory_space<vmem>>, vector<1x1x16xi32>,
    %swap3A_478 = vector.shape_cast %swap3A_477 : vector<1x1x16xi32> to vector<16xi32>
    %swap3A_479 = vector.shape_cast %shift_right_arithmetic3A_471 : vector<16xi32> to vector<1x1x16xi32>
    tpu.vector_store %arg6[%swap3A_474, %swap3A_475, %swap3A_476], %swap3A_479 {strides = array<i32>} : memref<4x2x64xi32, #tpu.memory_space<vmem>>, vector<1x1x16xi32>,
    %dma_start3A_480 = arith.constant 3 : i32
    %dma_start3A_481 = arith.constant 0 : i32
    %dma_start3A_482 = arith.constant 3 : i32
    %dma_start3A_483 = arith.constant 0 : i32
    %dma_start3A_484 = arith.constant 0 : i32
    %dma_start3A_485 = tpu.memref_slice %arg7[%dma_start3A_482, %dma_start3A_483, %dma_start3A_484] : memref<4x64x128xf32, #tpu.memory_space<vmem>> -> memref<1x64x128xf32, #tpu.memory_space<vmem>>
    %dma_start3A_486 = tpu.memref_squeeze %dma_start3A_485 : memref<1x64x128xf32, #tpu.memory_space<vmem>> -> memref<64x128xf32, #tpu.memory_space<vmem>>
    %dma_start3A_487 = arith.constant 0 : i32
    %dma_start3A_488 = tpu.memref_slice %arg6[%dma_start3A_480, %dma_start3A_481, %dma_start3A_487] : memref<4x2x64xi32, #tpu.memory_space<vmem>> -> memref<1x1x64xi32, #tpu.memory_space<vmem>>
    %dma_start3A_489 = tpu.memref_squeeze %dma_start3A_488 : memref<1x1x64xi32, #tpu.memory_space<vmem>> -> memref<64xi32, #tpu.memory_space<vmem>>
    %dma_start3A_490 = arith.constant 0 : i32
    %dma_start3A_491 = arith.constant 0 : i32
    %dma_start3A_492 = tpu.memref_slice %arg2[%dma_start3A_490, %dma_start3A_491] : memref<10240x128xf32, #tpu.memory_space<hbm>> -> memref<10240x128xf32, #tpu.memory_space<hbm>>
    tpu.enqueue_indirect_dma source(%dma_start3A_492 : memref<10240x128xf32, #tpu.memory_space<hbm>>) target(%dma_start3A_486 : memref<64x128xf32, #tpu.memory_space<vmem>>) offsets(%dma_start3A_489 : memref<64xi32, #tpu.memory_space<vmem>>) semaphore(%arg11 : memref<!tpu.dma_semaphore, #tpu.memory_space<semaphore_mem>>)
    %dma_wait3A = arith.constant 0 : i32
    %dma_wait3A_493 = arith.constant 0 : i32
    %dma_wait3A_494 = arith.constant 0 : i32
    %dma_wait3A_495 = arith.constant 0 : i32
    %dma_wait3A_496 = arith.constant 0 : i32
    %dma_wait3A_497 = tpu.memref_slice %arg7[%dma_wait3A_494, %dma_wait3A_495, %dma_wait3A_496] : memref<4x64x128xf32, #tpu.memory_space<vmem>> -> memref<1x64x128xf32, #tpu.memory_space<vmem>>
    %dma_wait3A_498 = tpu.memref_squeeze %dma_wait3A_497 : memref<1x64x128xf32, #tpu.memory_space<vmem>> -> memref<64x128xf32, #tpu.memory_space<vmem>>
    %dma_wait3A_499 = arith.constant 0 : i32
    %dma_wait3A_500 = tpu.memref_slice %arg6[%dma_wait3A, %dma_wait3A_493, %dma_wait3A_499] : memref<4x2x64xi32, #tpu.memory_space<vmem>> -> memref<1x1x64xi32, #tpu.memory_space<vmem>>
    %dma_wait3A_501 = tpu.memref_squeeze %dma_wait3A_500 : memref<1x1x64xi32, #tpu.memory_space<vmem>> -> memref<64xi32, #tpu.memory_space<vmem>>
    %dma_wait3A_502 = arith.constant 0 : i32
    %dma_wait3A_503 = arith.constant 0 : i32
    %dma_wait3A_504 = tpu.memref_slice %arg2[%dma_wait3A_502, %dma_wait3A_503] : memref<10240x128xf32, #tpu.memory_space<hbm>> -> memref<10240x128xf32, #tpu.memory_space<hbm>>
    tpu.wait_indirect_dma semaphore(%arg8 : memref<!tpu.dma_semaphore, #tpu.memory_space<semaphore_mem>>) src(%dma_wait3A_504 : memref<10240x128xf32, #tpu.memory_space<hbm>>) dst(%dma_wait3A_498 : memref<64x128xf32, #tpu.memory_space<vmem>>)
    %dma_start3A_505 = arith.constant 0 : i32
    %dma_start3A_506 = arith.constant 0 : i32
    %dma_start3A_507 = arith.constant 1 : i32
    %dma_start3A_508 = arith.constant 0 : i32
    %dma_start3A_509 = arith.constant 0 : i32
    %dma_start3A_510 = tpu.memref_slice %arg7[%dma_start3A_505, %dma_start3A_508, %dma_start3A_509] : memref<4x64x128xf32, #tpu.memory_space<vmem>> -> memref<1x64x128xf32, #tpu.memory_space<vmem>>
    %dma_start3A_511 = tpu.memref_squeeze %dma_start3A_510 : memref<1x64x128xf32, #tpu.memory_space<vmem>> -> memref<64x128xf32, #tpu.memory_space<vmem>>
    %dma_start3A_512 = arith.constant 0 : i32
    %dma_start3A_513 = tpu.memref_slice %arg6[%dma_start3A_506, %dma_start3A_507, %dma_start3A_512] : memref<4x2x64xi32, #tpu.memory_space<vmem>> -> memref<1x1x64xi32, #tpu.memory_space<vmem>>
    %dma_start3A_514 = tpu.memref_squeeze %dma_start3A_513 : memref<1x1x64xi32, #tpu.memory_space<vmem>> -> memref<64xi32, #tpu.memory_space<vmem>>
    %dma_start3A_515 = arith.constant 0 : i32
    %dma_start3A_516 = arith.constant 0 : i32
    %dma_start3A_517 = tpu.memref_slice %arg16[%dma_start3A_515, %dma_start3A_516] : memref<10240x128xf32, #tpu.memory_space<vmem_shared>> -> memref<10240x128xf32, #tpu.memory_space<vmem_shared>>
    tpu.enqueue_indirect_dma source(%dma_start3A_511 : memref<64x128xf32, #tpu.memory_space<vmem>>) target(%dma_start3A_517 : memref<10240x128xf32, #tpu.memory_space<vmem_shared>>) offsets(%dma_start3A_514 : memref<64xi32, #tpu.memory_space<vmem>>) semaphore(%arg12 : memref<!tpu.dma_semaphore, #tpu.memory_space<semaphore_mem>>) {add = true}
    %dma_wait3A_518 = arith.constant 1 : i32
    %dma_wait3A_519 = arith.constant 0 : i32
    %dma_wait3A_520 = arith.constant 1 : i32
    %dma_wait3A_521 = arith.constant 0 : i32
    %dma_wait3A_522 = arith.constant 0 : i32
    %dma_wait3A_523 = tpu.memref_slice %arg7[%dma_wait3A_520, %dma_wait3A_521, %dma_wait3A_522] : memref<4x64x128xf32, #tpu.memory_space<vmem>> -> memref<1x64x128xf32, #tpu.memory_space<vmem>>
    %dma_wait3A_524 = tpu.memref_squeeze %dma_wait3A_523 : memref<1x64x128xf32, #tpu.memory_space<vmem>> -> memref<64x128xf32, #tpu.memory_space<vmem>>
    %dma_wait3A_525 = arith.constant 0 : i32
    %dma_wait3A_526 = tpu.memref_slice %arg6[%dma_wait3A_518, %dma_wait3A_519, %dma_wait3A_525] : memref<4x2x64xi32, #tpu.memory_space<vmem>> -> memref<1x1x64xi32, #tpu.memory_space<vmem>>
    %dma_wait3A_527 = tpu.memref_squeeze %dma_wait3A_526 : memref<1x1x64xi32, #tpu.memory_space<vmem>> -> memref<64xi32, #tpu.memory_space<vmem>>
    %dma_wait3A_528 = arith.constant 0 : i32
    %dma_wait3A_529 = arith.constant 0 : i32
    %dma_wait3A_530 = tpu.memref_slice %arg2[%dma_wait3A_528, %dma_wait3A_529] : memref<10240x128xf32, #tpu.memory_space<hbm>> -> memref<10240x128xf32, #tpu.memory_space<hbm>>
    tpu.wait_indirect_dma semaphore(%arg9 : memref<!tpu.dma_semaphore, #tpu.memory_space<semaphore_mem>>) src(%dma_wait3A_530 : memref<10240x128xf32, #tpu.memory_space<hbm>>) dst(%dma_wait3A_524 : memref<64x128xf32, #tpu.memory_space<vmem>>)
    %dma_start3A_531 = arith.constant 1 : i32
    %dma_start3A_532 = arith.constant 1 : i32
    %dma_start3A_533 = arith.constant 1 : i32
    %dma_start3A_534 = arith.constant 0 : i32
    %dma_start3A_535 = arith.constant 0 : i32
    %dma_start3A_536 = tpu.memref_slice %arg7[%dma_start3A_531, %dma_start3A_534, %dma_start3A_535] : memref<4x64x128xf32, #tpu.memory_space<vmem>> -> memref<1x64x128xf32, #tpu.memory_space<vmem>>
    %dma_start3A_537 = tpu.memref_squeeze %dma_start3A_536 : memref<1x64x128xf32, #tpu.memory_space<vmem>> -> memref<64x128xf32, #tpu.memory_space<vmem>>
    %dma_start3A_538 = arith.constant 0 : i32
    %dma_start3A_539 = tpu.memref_slice %arg6[%dma_start3A_532, %dma_start3A_533, %dma_start3A_538] : memref<4x2x64xi32, #tpu.memory_space<vmem>> -> memref<1x1x64xi32, #tpu.memory_space<vmem>>
    %dma_start3A_540 = tpu.memref_squeeze %dma_start3A_539 : memref<1x1x64xi32, #tpu.memory_space<vmem>> -> memref<64xi32, #tpu.memory_space<vmem>>
    %dma_start3A_541 = arith.constant 0 : i32
    %dma_start3A_542 = arith.constant 0 : i32
    %dma_start3A_543 = tpu.memref_slice %arg16[%dma_start3A_541, %dma_start3A_542] : memref<10240x128xf32, #tpu.memory_space<vmem_shared>> -> memref<10240x128xf32, #tpu.memory_space<vmem_shared>>
    tpu.enqueue_indirect_dma source(%dma_start3A_537 : memref<64x128xf32, #tpu.memory_space<vmem>>) target(%dma_start3A_543 : memref<10240x128xf32, #tpu.memory_space<vmem_shared>>) offsets(%dma_start3A_540 : memref<64xi32, #tpu.memory_space<vmem>>) semaphore(%arg13 : memref<!tpu.dma_semaphore, #tpu.memory_space<semaphore_mem>>) {add = true}
    %dma_wait3A_544 = arith.constant 2 : i32
    %dma_wait3A_545 = arith.constant 0 : i32
    %dma_wait3A_546 = arith.constant 2 : i32
    %dma_wait3A_547 = arith.constant 0 : i32
    %dma_wait3A_548 = arith.constant 0 : i32
    %dma_wait3A_549 = tpu.memref_slice %arg7[%dma_wait3A_546, %dma_wait3A_547, %dma_wait3A_548] : memref<4x64x128xf32, #tpu.memory_space<vmem>> -> memref<1x64x128xf32, #tpu.memory_space<vmem>>
    %dma_wait3A_550 = tpu.memref_squeeze %dma_wait3A_549 : memref<1x64x128xf32, #tpu.memory_space<vmem>> -> memref<64x128xf32, #tpu.memory_space<vmem>>
    %dma_wait3A_551 = arith.constant 0 : i32
    %dma_wait3A_552 = tpu.memref_slice %arg6[%dma_wait3A_544, %dma_wait3A_545, %dma_wait3A_551] : memref<4x2x64xi32, #tpu.memory_space<vmem>> -> memref<1x1x64xi32, #tpu.memory_space<vmem>>
    %dma_wait3A_553 = tpu.memref_squeeze %dma_wait3A_552 : memref<1x1x64xi32, #tpu.memory_space<vmem>> -> memref<64xi32, #tpu.memory_space<vmem>>
    %dma_wait3A_554 = arith.constant 0 : i32
    %dma_wait3A_555 = arith.constant 0 : i32
    %dma_wait3A_556 = tpu.memref_slice %arg2[%dma_wait3A_554, %dma_wait3A_555] : memref<10240x128xf32, #tpu.memory_space<hbm>> -> memref<10240x128xf32, #tpu.memory_space<hbm>>
    tpu.wait_indirect_dma semaphore(%arg10 : memref<!tpu.dma_semaphore, #tpu.memory_space<semaphore_mem>>) src(%dma_wait3A_556 : memref<10240x128xf32, #tpu.memory_space<hbm>>) dst(%dma_wait3A_550 : memref<64x128xf32, #tpu.memory_space<vmem>>)
    %dma_start3A_557 = arith.constant 2 : i32
    %dma_start3A_558 = arith.constant 2 : i32
    %dma_start3A_559 = arith.constant 1 : i32
    %dma_start3A_560 = arith.constant 0 : i32
    %dma_start3A_561 = arith.constant 0 : i32
    %dma_start3A_562 = tpu.memref_slice %arg7[%dma_start3A_557, %dma_start3A_560, %dma_start3A_561] : memref<4x64x128xf32, #tpu.memory_space<vmem>> -> memref<1x64x128xf32, #tpu.memory_space<vmem>>
    %dma_start3A_563 = tpu.memref_squeeze %dma_start3A_562 : memref<1x64x128xf32, #tpu.memory_space<vmem>> -> memref<64x128xf32, #tpu.memory_space<vmem>>
    %dma_start3A_564 = arith.constant 0 : i32
    %dma_start3A_565 = tpu.memref_slice %arg6[%dma_start3A_558, %dma_start3A_559, %dma_start3A_564] : memref<4x2x64xi32, #tpu.memory_space<vmem>> -> memref<1x1x64xi32, #tpu.memory_space<vmem>>
    %dma_start3A_566 = tpu.memref_squeeze %dma_start3A_565 : memref<1x1x64xi32, #tpu.memory_space<vmem>> -> memref<64xi32, #tpu.memory_space<vmem>>
    %dma_start3A_567 = arith.constant 0 : i32
    %dma_start3A_568 = arith.constant 0 : i32
    %dma_start3A_569 = tpu.memref_slice %arg16[%dma_start3A_567, %dma_start3A_568] : memref<10240x128xf32, #tpu.memory_space<vmem_shared>> -> memref<10240x128xf32, #tpu.memory_space<vmem_shared>>
    tpu.enqueue_indirect_dma source(%dma_start3A_563 : memref<64x128xf32, #tpu.memory_space<vmem>>) target(%dma_start3A_569 : memref<10240x128xf32, #tpu.memory_space<vmem_shared>>) offsets(%dma_start3A_566 : memref<64xi32, #tpu.memory_space<vmem>>) semaphore(%arg14 : memref<!tpu.dma_semaphore, #tpu.memory_space<semaphore_mem>>) {add = true}
    %dma_wait3A_570 = arith.constant 3 : i32
    %dma_wait3A_571 = arith.constant 0 : i32
    %dma_wait3A_572 = arith.constant 3 : i32
    %dma_wait3A_573 = arith.constant 0 : i32
    %dma_wait3A_574 = arith.constant 0 : i32
    %dma_wait3A_575 = tpu.memref_slice %arg7[%dma_wait3A_572, %dma_wait3A_573, %dma_wait3A_574] : memref<4x64x128xf32, #tpu.memory_space<vmem>> -> memref<1x64x128xf32, #tpu.memory_space<vmem>>
    %dma_wait3A_576 = tpu.memref_squeeze %dma_wait3A_575 : memref<1x64x128xf32, #tpu.memory_space<vmem>> -> memref<64x128xf32, #tpu.memory_space<vmem>>
    %dma_wait3A_577 = arith.constant 0 : i32
    %dma_wait3A_578 = tpu.memref_slice %arg6[%dma_wait3A_570, %dma_wait3A_571, %dma_wait3A_577] : memref<4x2x64xi32, #tpu.memory_space<vmem>> -> memref<1x1x64xi32, #tpu.memory_space<vmem>>
    %dma_wait3A_579 = tpu.memref_squeeze %dma_wait3A_578 : memref<1x1x64xi32, #tpu.memory_space<vmem>> -> memref<64xi32, #tpu.memory_space<vmem>>
    %dma_wait3A_580 = arith.constant 0 : i32
    %dma_wait3A_581 = arith.constant 0 : i32
    %dma_wait3A_582 = tpu.memref_slice %arg2[%dma_wait3A_580, %dma_wait3A_581] : memref<10240x128xf32, #tpu.memory_space<hbm>> -> memref<10240x128xf32, #tpu.memory_space<hbm>>
    tpu.wait_indirect_dma semaphore(%arg11 : memref<!tpu.dma_semaphore, #tpu.memory_space<semaphore_mem>>) src(%dma_wait3A_582 : memref<10240x128xf32, #tpu.memory_space<hbm>>) dst(%dma_wait3A_576 : memref<64x128xf32, #tpu.memory_space<vmem>>)
    %dma_start3A_583 = arith.constant 3 : i32
    %dma_start3A_584 = arith.constant 3 : i32
    %dma_start3A_585 = arith.constant 1 : i32
    %dma_start3A_586 = arith.constant 0 : i32
    %dma_start3A_587 = arith.constant 0 : i32
    %dma_start3A_588 = tpu.memref_slice %arg7[%dma_start3A_583, %dma_start3A_586, %dma_start3A_587] : memref<4x64x128xf32, #tpu.memory_space<vmem>> -> memref<1x64x128xf32, #tpu.memory_space<vmem>>
    %dma_start3A_589 = tpu.memref_squeeze %dma_start3A_588 : memref<1x64x128xf32, #tpu.memory_space<vmem>> -> memref<64x128xf32, #tpu.memory_space<vmem>>
    %dma_start3A_590 = arith.constant 0 : i32
    %dma_start3A_591 = tpu.memref_slice %arg6[%dma_start3A_584, %dma_start3A_585, %dma_start3A_590] : memref<4x2x64xi32, #tpu.memory_space<vmem>> -> memref<1x1x64xi32, #tpu.memory_space<vmem>>
    %dma_start3A_592 = tpu.memref_squeeze %dma_start3A_591 : memref<1x1x64xi32, #tpu.memory_space<vmem>> -> memref<64xi32, #tpu.memory_space<vmem>>
    %dma_start3A_593 = arith.constant 0 : i32
    %dma_start3A_594 = arith.constant 0 : i32
    %dma_start3A_595 = tpu.memref_slice %arg16[%dma_start3A_593, %dma_start3A_594] : memref<10240x128xf32, #tpu.memory_space<vmem_shared>> -> memref<10240x128xf32, #tpu.memory_space<vmem_shared>>
    tpu.enqueue_indirect_dma source(%dma_start3A_589 : memref<64x128xf32, #tpu.memory_space<vmem>>) target(%dma_start3A_595 : memref<10240x128xf32, #tpu.memory_space<vmem_shared>>) offsets(%dma_start3A_592 : memref<64xi32, #tpu.memory_space<vmem>>) semaphore(%arg15 : memref<!tpu.dma_semaphore, #tpu.memory_space<semaphore_mem>>) {add = true}
    %scan3A_596 = arith.constant 0 : i32
    %scan3A_597 = arith.constant 1 : i32
    %scan3A_598 = arith.constant 39 : i32
    %scan3A_599 = arith.addi %scan3A_597, %scan3A_598 : i32
    %scan3A_600 = arith.constant 1 : i32
    %scan3A_601 = scf.for %scan3A_660 = %scan3A_597 to %scan3A_599 step %scan3A_600 iter_args(%scan3A_661 = %scan3A_596) -> (i32)  : i32 {
      %dma_wait3A_662 = arith.constant 0 : i32
      %dma_wait3A_663 = arith.constant 0 : i32
      %dma_wait3A_664 = arith.constant 1 : i32
      %dma_wait3A_665 = arith.constant 0 : i32
      %dma_wait3A_666 = arith.constant 0 : i32
      %dma_wait3A_667 = tpu.memref_slice %arg7[%dma_wait3A_662, %dma_wait3A_665, %dma_wait3A_666] : memref<4x64x128xf32, #tpu.memory_space<vmem>> -> memref<1x64x128xf32, #tpu.memory_space<vmem>>
      %dma_wait3A_668 = tpu.memref_squeeze %dma_wait3A_667 : memref<1x64x128xf32, #tpu.memory_space<vmem>> -> memref<64x128xf32, #tpu.memory_space<vmem>>
      %dma_wait3A_669 = arith.constant 0 : i32
      %dma_wait3A_670 = tpu.memref_slice %arg6[%dma_wait3A_663, %dma_wait3A_664, %dma_wait3A_669] : memref<4x2x64xi32, #tpu.memory_space<vmem>> -> memref<1x1x64xi32, #tpu.memory_space<vmem>>
      %dma_wait3A_671 = tpu.memref_squeeze %dma_wait3A_670 : memref<1x1x64xi32, #tpu.memory_space<vmem>> -> memref<64xi32, #tpu.memory_space<vmem>>
      %dma_wait3A_672 = arith.constant 0 : i32
      %dma_wait3A_673 = arith.constant 0 : i32
      %dma_wait3A_674 = tpu.memref_slice %arg16[%dma_wait3A_672, %dma_wait3A_673] : memref<10240x128xf32, #tpu.memory_space<vmem_shared>> -> memref<10240x128xf32, #tpu.memory_space<vmem_shared>>
      tpu.wait_indirect_dma semaphore(%arg12 : memref<!tpu.dma_semaphore, #tpu.memory_space<semaphore_mem>>) src(%dma_wait3A_668 : memref<64x128xf32, #tpu.memory_space<vmem>>) dst(%dma_wait3A_674 : memref<10240x128xf32, #tpu.memory_space<vmem_shared>>)
      %mul3A_675 = arith.constant 2 : i32
      %mul3A_676 = arith.muli %mul3A_675, %scan3A_660 : i32
      %add3A_677 = arith.constant 0 : i32
      %add3A_678 = arith.addi %mul3A_676, %add3A_677 : i32
      %get3A_679 = arith.index_cast %add3A_678 : i32 to index
      %get3A_680 = arith.constant 0 : index
      %get3A_681 = tpu.vector_load %arg5[%get3A_679, %get3A_680] {strides = array<i32>} : memref<80x128xi32, #tpu.memory_space<vmem>>, vector<1x16xi32>,
      %get3A_682 = vector.shape_cast %get3A_681 : vector<1x16xi32> to vector<16xi32>
      %and3A_683 = arith.constant 65535 : i32
      %and3A_684 = vector.broadcast %and3A_683 : i32 to vector<16xi32>
      %and3A_685 = arith.andi %get3A_682, %and3A_684 : vector<16xi32>
      %swap3A_686 = arith.constant 0 : i32
      %swap3A_687 = arith.constant 0 : i32
      %swap3A_688 = arith.index_cast %swap3A_686 : i32 to index
      %swap3A_689 = arith.index_cast %swap3A_687 : i32 to index
      %swap3A_690 = arith.constant 0 : index
      %swap3A_691 = tpu.vector_load %arg6[%swap3A_688, %swap3A_689, %swap3A_690] {strides = array<i32>} : memref<4x2x64xi32, #tpu.memory_space<vmem>>, vector<1x1x16xi32>,
      %swap3A_692 = vector.shape_cast %swap3A_691 : vector<1x1x16xi32> to vector<16xi32>
      %swap3A_693 = vector.shape_cast %and3A_685 : vector<16xi32> to vector<1x1x16xi32>
      tpu.vector_store %arg6[%swap3A_688, %swap3A_689, %swap3A_690], %swap3A_693 {strides = array<i32>} : memref<4x2x64xi32, #tpu.memory_space<vmem>>, vector<1x1x16xi32>,
      %shift_right_arithmetic3A_694 = arith.constant 16 : i32
      %shift_right_arithmetic3A_695 = vector.broadcast %shift_right_arithmetic3A_694 : i32 to vector<16xi32>
      %shift_right_arithmetic3A_696 = arith.shrsi %get3A_682, %shift_right_arithmetic3A_695 : vector<16xi32>
      %swap3A_697 = arith.constant 0 : i32
      %swap3A_698 = arith.constant 0 : i32
      %swap3A_699 = arith.index_cast %swap3A_697 : i32 to index
      %swap3A_700 = arith.index_cast %swap3A_698 : i32 to index
      %swap3A_701 = arith.constant 16 : index
      %swap3A_702 = tpu.vector_load %arg6[%swap3A_699, %swap3A_700, %swap3A_701] {strides = array<i32>} : memref<4x2x64xi32, #tpu.memory_space<vmem>>, vector<1x1x16xi32>,
      %swap3A_703 = vector.shape_cast %swap3A_702 : vector<1x1x16xi32> to vector<16xi32>
      %swap3A_704 = vector.shape_cast %shift_right_arithmetic3A_696 : vector<16xi32> to vector<1x1x16xi32>
      tpu.vector_store %arg6[%swap3A_699, %swap3A_700, %swap3A_701], %swap3A_704 {strides = array<i32>} : memref<4x2x64xi32, #tpu.memory_space<vmem>>, vector<1x1x16xi32>,
      %get3A_705 = arith.index_cast %add3A_678 : i32 to index
      %get3A_706 = arith.constant 16 : index
      %get3A_707 = tpu.vector_load %arg5[%get3A_705, %get3A_706] {strides = array<i32>} : memref<80x128xi32, #tpu.memory_space<vmem>>, vector<1x16xi32>,
      %get3A_708 = vector.shape_cast %get3A_707 : vector<1x16xi32> to vector<16xi32>
      %and3A_709 = arith.constant 65535 : i32
      %and3A_710 = vector.broadcast %and3A_709 : i32 to vector<16xi32>
      %and3A_711 = arith.andi %get3A_708, %and3A_710 : vector<16xi32>
      %swap3A_712 = arith.constant 0 : i32
      %swap3A_713 = arith.constant 0 : i32
      %swap3A_714 = arith.index_cast %swap3A_712 : i32 to index
      %swap3A_715 = arith.index_cast %swap3A_713 : i32 to index
      %swap3A_716 = arith.constant 32 : index
      %swap3A_717 = tpu.vector_load %arg6[%swap3A_714, %swap3A_715, %swap3A_716] {strides = array<i32>} : memref<4x2x64xi32, #tpu.memory_space<vmem>>, vector<1x1x16xi32>,
      %swap3A_718 = vector.shape_cast %swap3A_717 : vector<1x1x16xi32> to vector<16xi32>
      %swap3A_719 = vector.shape_cast %and3A_711 : vector<16xi32> to vector<1x1x16xi32>
      tpu.vector_store %arg6[%swap3A_714, %swap3A_715, %swap3A_716], %swap3A_719 {strides = array<i32>} : memref<4x2x64xi32, #tpu.memory_space<vmem>>, vector<1x1x16xi32>,
      %shift_right_arithmetic3A_720 = arith.constant 16 : i32
      %shift_right_arithmetic3A_721 = vector.broadcast %shift_right_arithmetic3A_720 : i32 to vector<16xi32>
      %shift_right_arithmetic3A_722 = arith.shrsi %get3A_708, %shift_right_arithmetic3A_721 : vector<16xi32>
      %swap3A_723 = arith.constant 0 : i32
      %swap3A_724 = arith.constant 0 : i32
      %swap3A_725 = arith.index_cast %swap3A_723 : i32 to index
      %swap3A_726 = arith.index_cast %swap3A_724 : i32 to index
      %swap3A_727 = arith.constant 48 : index
      %swap3A_728 = tpu.vector_load %arg6[%swap3A_725, %swap3A_726, %swap3A_727] {strides = array<i32>} : memref<4x2x64xi32, #tpu.memory_space<vmem>>, vector<1x1x16xi32>,
      %swap3A_729 = vector.shape_cast %swap3A_728 : vector<1x1x16xi32> to vector<16xi32>
      %swap3A_730 = vector.shape_cast %shift_right_arithmetic3A_722 : vector<16xi32> to vector<1x1x16xi32>
      tpu.vector_store %arg6[%swap3A_725, %swap3A_726, %swap3A_727], %swap3A_730 {strides = array<i32>} : memref<4x2x64xi32, #tpu.memory_space<vmem>>, vector<1x1x16xi32>,
      %get3A_731 = arith.index_cast %add3A_678 : i32 to index
      %get3A_732 = arith.constant 32 : index
      %get3A_733 = tpu.vector_load %arg5[%get3A_731, %get3A_732] {strides = array<i32>} : memref<80x128xi32, #tpu.memory_space<vmem>>, vector<1x16xi32>,
      %get3A_734 = vector.shape_cast %get3A_733 : vector<1x16xi32> to vector<16xi32>
      %and3A_735 = arith.constant 65535 : i32
      %and3A_736 = vector.broadcast %and3A_735 : i32 to vector<16xi32>
      %and3A_737 = arith.andi %get3A_734, %and3A_736 : vector<16xi32>
      %swap3A_738 = arith.constant 0 : i32
      %swap3A_739 = arith.constant 1 : i32
      %swap3A_740 = arith.index_cast %swap3A_738 : i32 to index
      %swap3A_741 = arith.index_cast %swap3A_739 : i32 to index
      %swap3A_742 = arith.constant 0 : index
      %swap3A_743 = tpu.vector_load %arg6[%swap3A_740, %swap3A_741, %swap3A_742] {strides = array<i32>} : memref<4x2x64xi32, #tpu.memory_space<vmem>>, vector<1x1x16xi32>,
      %swap3A_744 = vector.shape_cast %swap3A_743 : vector<1x1x16xi32> to vector<16xi32>
      %swap3A_745 = vector.shape_cast %and3A_737 : vector<16xi32> to vector<1x1x16xi32>
      tpu.vector_store %arg6[%swap3A_740, %swap3A_741, %swap3A_742], %swap3A_745 {strides = array<i32>} : memref<4x2x64xi32, #tpu.memory_space<vmem>>, vector<1x1x16xi32>,
      %shift_right_arithmetic3A_746 = arith.constant 16 : i32
      %shift_right_arithmetic3A_747 = vector.broadcast %shift_right_arithmetic3A_746 : i32 to vector<16xi32>
      %shift_right_arithmetic3A_748 = arith.shrsi %get3A_734, %shift_right_arithmetic3A_747 : vector<16xi32>
      %swap3A_749 = arith.constant 0 : i32
      %swap3A_750 = arith.constant 1 : i32
      %swap3A_751 = arith.index_cast %swap3A_749 : i32 to index
      %swap3A_752 = arith.index_cast %swap3A_750 : i32 to index
      %swap3A_753 = arith.constant 16 : index
      %swap3A_754 = tpu.vector_load %arg6[%swap3A_751, %swap3A_752, %swap3A_753] {strides = array<i32>} : memref<4x2x64xi32, #tpu.memory_space<vmem>>, vector<1x1x16xi32>,
      %swap3A_755 = vector.shape_cast %swap3A_754 : vector<1x1x16xi32> to vector<16xi32>
      %swap3A_756 = vector.shape_cast %shift_right_arithmetic3A_748 : vector<16xi32> to vector<1x1x16xi32>
      tpu.vector_store %arg6[%swap3A_751, %swap3A_752, %swap3A_753], %swap3A_756 {strides = array<i32>} : memref<4x2x64xi32, #tpu.memory_space<vmem>>, vector<1x1x16xi32>,
      %get3A_757 = arith.index_cast %add3A_678 : i32 to index
      %get3A_758 = arith.constant 48 : index
      %get3A_759 = tpu.vector_load %arg5[%get3A_757, %get3A_758] {strides = array<i32>} : memref<80x128xi32, #tpu.memory_space<vmem>>, vector<1x16xi32>,
      %get3A_760 = vector.shape_cast %get3A_759 : vector<1x16xi32> to vector<16xi32>
      %and3A_761 = arith.constant 65535 : i32
      %and3A_762 = vector.broadcast %and3A_761 : i32 to vector<16xi32>
      %and3A_763 = arith.andi %get3A_760, %and3A_762 : vector<16xi32>
      %swap3A_764 = arith.constant 0 : i32
      %swap3A_765 = arith.constant 1 : i32
      %swap3A_766 = arith.index_cast %swap3A_764 : i32 to index
      %swap3A_767 = arith.index_cast %swap3A_765 : i32 to index
      %swap3A_768 = arith.constant 32 : index
      %swap3A_769 = tpu.vector_load %arg6[%swap3A_766, %swap3A_767, %swap3A_768] {strides = array<i32>} : memref<4x2x64xi32, #tpu.memory_space<vmem>>, vector<1x1x16xi32>,
      %swap3A_770 = vector.shape_cast %swap3A_769 : vector<1x1x16xi32> to vector<16xi32>
      %swap3A_771 = vector.shape_cast %and3A_763 : vector<16xi32> to vector<1x1x16xi32>
      tpu.vector_store %arg6[%swap3A_766, %swap3A_767, %swap3A_768], %swap3A_771 {strides = array<i32>} : memref<4x2x64xi32, #tpu.memory_space<vmem>>, vector<1x1x16xi32>,
      %shift_right_arithmetic3A_772 = arith.constant 16 : i32
      %shift_right_arithmetic3A_773 = vector.broadcast %shift_right_arithmetic3A_772 : i32 to vector<16xi32>
      %shift_right_arithmetic3A_774 = arith.shrsi %get3A_760, %shift_right_arithmetic3A_773 : vector<16xi32>
      %swap3A_775 = arith.constant 0 : i32
      %swap3A_776 = arith.constant 1 : i32
      %swap3A_777 = arith.index_cast %swap3A_775 : i32 to index
      %swap3A_778 = arith.index_cast %swap3A_776 : i32 to index
      %swap3A_779 = arith.constant 48 : index
      %swap3A_780 = tpu.vector_load %arg6[%swap3A_777, %swap3A_778, %swap3A_779] {strides = array<i32>} : memref<4x2x64xi32, #tpu.memory_space<vmem>>, vector<1x1x16xi32>,
      %swap3A_781 = vector.shape_cast %swap3A_780 : vector<1x1x16xi32> to vector<16xi32>
      %swap3A_782 = vector.shape_cast %shift_right_arithmetic3A_774 : vector<16xi32> to vector<1x1x16xi32>
      tpu.vector_store %arg6[%swap3A_777, %swap3A_778, %swap3A_779], %swap3A_782 {strides = array<i32>} : memref<4x2x64xi32, #tpu.memory_space<vmem>>, vector<1x1x16xi32>,
      %dma_start3A_783 = arith.constant 0 : i32
      %dma_start3A_784 = arith.constant 0 : i32
      %dma_start3A_785 = arith.constant 0 : i32
      %dma_start3A_786 = arith.constant 0 : i32
      %dma_start3A_787 = arith.constant 0 : i32
      %dma_start3A_788 = tpu.memref_slice %arg7[%dma_start3A_785, %dma_start3A_786, %dma_start3A_787] : memref<4x64x128xf32, #tpu.memory_space<vmem>> -> memref<1x64x128xf32, #tpu.memory_space<vmem>>
      %dma_start3A_789 = tpu.memref_squeeze %dma_start3A_788 : memref<1x64x128xf32, #tpu.memory_space<vmem>> -> memref<64x128xf32, #tpu.memory_space<vmem>>
      %dma_start3A_790 = arith.constant 0 : i32
      %dma_start3A_791 = tpu.memref_slice %arg6[%dma_start3A_783, %dma_start3A_784, %dma_start3A_790] : memref<4x2x64xi32, #tpu.memory_space<vmem>> -> memref<1x1x64xi32, #tpu.memory_space<vmem>>
      %dma_start3A_792 = tpu.memref_squeeze %dma_start3A_791 : memref<1x1x64xi32, #tpu.memory_space<vmem>> -> memref<64xi32, #tpu.memory_space<vmem>>
      %dma_start3A_793 = arith.constant 0 : i32
      %dma_start3A_794 = arith.constant 0 : i32
      %dma_start3A_795 = tpu.memref_slice %arg2[%dma_start3A_793, %dma_start3A_794] : memref<10240x128xf32, #tpu.memory_space<hbm>> -> memref<10240x128xf32, #tpu.memory_space<hbm>>
      tpu.enqueue_indirect_dma source(%dma_start3A_795 : memref<10240x128xf32, #tpu.memory_space<hbm>>) target(%dma_start3A_789 : memref<64x128xf32, #tpu.memory_space<vmem>>) offsets(%dma_start3A_792 : memref<64xi32, #tpu.memory_space<vmem>>) semaphore(%arg8 : memref<!tpu.dma_semaphore, #tpu.memory_space<semaphore_mem>>)
      %dma_wait3A_796 = arith.constant 1 : i32
      %dma_wait3A_797 = arith.constant 1 : i32
      %dma_wait3A_798 = arith.constant 1 : i32
      %dma_wait3A_799 = arith.constant 0 : i32
      %dma_wait3A_800 = arith.constant 0 : i32
      %dma_wait3A_801 = tpu.memref_slice %arg7[%dma_wait3A_796, %dma_wait3A_799, %dma_wait3A_800] : memref<4x64x128xf32, #tpu.memory_space<vmem>> -> memref<1x64x128xf32, #tpu.memory_space<vmem>>
      %dma_wait3A_802 = tpu.memref_squeeze %dma_wait3A_801 : memref<1x64x128xf32, #tpu.memory_space<vmem>> -> memref<64x128xf32, #tpu.memory_space<vmem>>
      %dma_wait3A_803 = arith.constant 0 : i32
      %dma_wait3A_804 = tpu.memref_slice %arg6[%dma_wait3A_797, %dma_wait3A_798, %dma_wait3A_803] : memref<4x2x64xi32, #tpu.memory_space<vmem>> -> memref<1x1x64xi32, #tpu.memory_space<vmem>>
      %dma_wait3A_805 = tpu.memref_squeeze %dma_wait3A_804 : memref<1x1x64xi32, #tpu.memory_space<vmem>> -> memref<64xi32, #tpu.memory_space<vmem>>
      %dma_wait3A_806 = arith.constant 0 : i32
      %dma_wait3A_807 = arith.constant 0 : i32
      %dma_wait3A_808 = tpu.memref_slice %arg16[%dma_wait3A_806, %dma_wait3A_807] : memref<10240x128xf32, #tpu.memory_space<vmem_shared>> -> memref<10240x128xf32, #tpu.memory_space<vmem_shared>>
      tpu.wait_indirect_dma semaphore(%arg13 : memref<!tpu.dma_semaphore, #tpu.memory_space<semaphore_mem>>) src(%dma_wait3A_802 : memref<64x128xf32, #tpu.memory_space<vmem>>) dst(%dma_wait3A_808 : memref<10240x128xf32, #tpu.memory_space<vmem_shared>>)
      %mul3A_809 = arith.constant 2 : i32
      %mul3A_810 = arith.muli %mul3A_809, %scan3A_660 : i32
      %add3A_811 = arith.constant 0 : i32
      %add3A_812 = arith.addi %mul3A_810, %add3A_811 : i32
      %get3A_813 = arith.index_cast %add3A_812 : i32 to index
      %get3A_814 = arith.constant 64 : index
      %get3A_815 = tpu.vector_load %arg5[%get3A_813, %get3A_814] {strides = array<i32>} : memref<80x128xi32, #tpu.memory_space<vmem>>, vector<1x16xi32>,
      %get3A_816 = vector.shape_cast %get3A_815 : vector<1x16xi32> to vector<16xi32>
      %and3A_817 = arith.constant 65535 : i32
      %and3A_818 = vector.broadcast %and3A_817 : i32 to vector<16xi32>
      %and3A_819 = arith.andi %get3A_816, %and3A_818 : vector<16xi32>
      %swap3A_820 = arith.constant 1 : i32
      %swap3A_821 = arith.constant 0 : i32
      %swap3A_822 = arith.index_cast %swap3A_820 : i32 to index
      %swap3A_823 = arith.index_cast %swap3A_821 : i32 to index
      %swap3A_824 = arith.constant 0 : index
      %swap3A_825 = tpu.vector_load %arg6[%swap3A_822, %swap3A_823, %swap3A_824] {strides = array<i32>} : memref<4x2x64xi32, #tpu.memory_space<vmem>>, vector<1x1x16xi32>,
      %swap3A_826 = vector.shape_cast %swap3A_825 : vector<1x1x16xi32> to vector<16xi32>
      %swap3A_827 = vector.shape_cast %and3A_819 : vector<16xi32> to vector<1x1x16xi32>
      tpu.vector_store %arg6[%swap3A_822, %swap3A_823, %swap3A_824], %swap3A_827 {strides = array<i32>} : memref<4x2x64xi32, #tpu.memory_space<vmem>>, vector<1x1x16xi32>,
      %shift_right_arithmetic3A_828 = arith.constant 16 : i32
      %shift_right_arithmetic3A_829 = vector.broadcast %shift_right_arithmetic3A_828 : i32 to vector<16xi32>
      %shift_right_arithmetic3A_830 = arith.shrsi %get3A_816, %shift_right_arithmetic3A_829 : vector<16xi32>
      %swap3A_831 = arith.constant 1 : i32
      %swap3A_832 = arith.constant 0 : i32
      %swap3A_833 = arith.index_cast %swap3A_831 : i32 to index
      %swap3A_834 = arith.index_cast %swap3A_832 : i32 to index
      %swap3A_835 = arith.constant 16 : index
      %swap3A_836 = tpu.vector_load %arg6[%swap3A_833, %swap3A_834, %swap3A_835] {strides = array<i32>} : memref<4x2x64xi32, #tpu.memory_space<vmem>>, vector<1x1x16xi32>,
      %swap3A_837 = vector.shape_cast %swap3A_836 : vector<1x1x16xi32> to vector<16xi32>
      %swap3A_838 = vector.shape_cast %shift_right_arithmetic3A_830 : vector<16xi32> to vector<1x1x16xi32>
      tpu.vector_store %arg6[%swap3A_833, %swap3A_834, %swap3A_835], %swap3A_838 {strides = array<i32>} : memref<4x2x64xi32, #tpu.memory_space<vmem>>, vector<1x1x16xi32>,
      %get3A_839 = arith.index_cast %add3A_812 : i32 to index
      %get3A_840 = arith.constant 80 : index
      %get3A_841 = tpu.vector_load %arg5[%get3A_839, %get3A_840] {strides = array<i32>} : memref<80x128xi32, #tpu.memory_space<vmem>>, vector<1x16xi32>,
      %get3A_842 = vector.shape_cast %get3A_841 : vector<1x16xi32> to vector<16xi32>
      %and3A_843 = arith.constant 65535 : i32
      %and3A_844 = vector.broadcast %and3A_843 : i32 to vector<16xi32>
      %and3A_845 = arith.andi %get3A_842, %and3A_844 : vector<16xi32>
      %swap3A_846 = arith.constant 1 : i32
      %swap3A_847 = arith.constant 0 : i32
      %swap3A_848 = arith.index_cast %swap3A_846 : i32 to index
      %swap3A_849 = arith.index_cast %swap3A_847 : i32 to index
      %swap3A_850 = arith.constant 32 : index
      %swap3A_851 = tpu.vector_load %arg6[%swap3A_848, %swap3A_849, %swap3A_850] {strides = array<i32>} : memref<4x2x64xi32, #tpu.memory_space<vmem>>, vector<1x1x16xi32>,
      %swap3A_852 = vector.shape_cast %swap3A_851 : vector<1x1x16xi32> to vector<16xi32>
      %swap3A_853 = vector.shape_cast %and3A_845 : vector<16xi32> to vector<1x1x16xi32>
      tpu.vector_store %arg6[%swap3A_848, %swap3A_849, %swap3A_850], %swap3A_853 {strides = array<i32>} : memref<4x2x64xi32, #tpu.memory_space<vmem>>, vector<1x1x16xi32>,
      %shift_right_arithmetic3A_854 = arith.constant 16 : i32
      %shift_right_arithmetic3A_855 = vector.broadcast %shift_right_arithmetic3A_854 : i32 to vector<16xi32>
      %shift_right_arithmetic3A_856 = arith.shrsi %get3A_842, %shift_right_arithmetic3A_855 : vector<16xi32>
      %swap3A_857 = arith.constant 1 : i32
      %swap3A_858 = arith.constant 0 : i32
      %swap3A_859 = arith.index_cast %swap3A_857 : i32 to index
      %swap3A_860 = arith.index_cast %swap3A_858 : i32 to index
      %swap3A_861 = arith.constant 48 : index
      %swap3A_862 = tpu.vector_load %arg6[%swap3A_859, %swap3A_860, %swap3A_861] {strides = array<i32>} : memref<4x2x64xi32, #tpu.memory_space<vmem>>, vector<1x1x16xi32>,
      %swap3A_863 = vector.shape_cast %swap3A_862 : vector<1x1x16xi32> to vector<16xi32>
      %swap3A_864 = vector.shape_cast %shift_right_arithmetic3A_856 : vector<16xi32> to vector<1x1x16xi32>
      tpu.vector_store %arg6[%swap3A_859, %swap3A_860, %swap3A_861], %swap3A_864 {strides = array<i32>} : memref<4x2x64xi32, #tpu.memory_space<vmem>>, vector<1x1x16xi32>,
      %get3A_865 = arith.index_cast %add3A_812 : i32 to index
      %get3A_866 = arith.constant 96 : index
      %get3A_867 = tpu.vector_load %arg5[%get3A_865, %get3A_866] {strides = array<i32>} : memref<80x128xi32, #tpu.memory_space<vmem>>, vector<1x16xi32>,
      %get3A_868 = vector.shape_cast %get3A_867 : vector<1x16xi32> to vector<16xi32>
      %and3A_869 = arith.constant 65535 : i32
      %and3A_870 = vector.broadcast %and3A_869 : i32 to vector<16xi32>
      %and3A_871 = arith.andi %get3A_868, %and3A_870 : vector<16xi32>
      %swap3A_872 = arith.constant 1 : i32
      %swap3A_873 = arith.constant 1 : i32
      %swap3A_874 = arith.index_cast %swap3A_872 : i32 to index
      %swap3A_875 = arith.index_cast %swap3A_873 : i32 to index
      %swap3A_876 = arith.constant 0 : index
      %swap3A_877 = tpu.vector_load %arg6[%swap3A_874, %swap3A_875, %swap3A_876] {strides = array<i32>} : memref<4x2x64xi32, #tpu.memory_space<vmem>>, vector<1x1x16xi32>,
      %swap3A_878 = vector.shape_cast %swap3A_877 : vector<1x1x16xi32> to vector<16xi32>
      %swap3A_879 = vector.shape_cast %and3A_871 : vector<16xi32> to vector<1x1x16xi32>
      tpu.vector_store %arg6[%swap3A_874, %swap3A_875, %swap3A_876], %swap3A_879 {strides = array<i32>} : memref<4x2x64xi32, #tpu.memory_space<vmem>>, vector<1x1x16xi32>,
      %shift_right_arithmetic3A_880 = arith.constant 16 : i32
      %shift_right_arithmetic3A_881 = vector.broadcast %shift_right_arithmetic3A_880 : i32 to vector<16xi32>
      %shift_right_arithmetic3A_882 = arith.shrsi %get3A_868, %shift_right_arithmetic3A_881 : vector<16xi32>
      %swap3A_883 = arith.constant 1 : i32
      %swap3A_884 = arith.constant 1 : i32
      %swap3A_885 = arith.index_cast %swap3A_883 : i32 to index
      %swap3A_886 = arith.index_cast %swap3A_884 : i32 to index
      %swap3A_887 = arith.constant 16 : index
      %swap3A_888 = tpu.vector_load %arg6[%swap3A_885, %swap3A_886, %swap3A_887] {strides = array<i32>} : memref<4x2x64xi32, #tpu.memory_space<vmem>>, vector<1x1x16xi32>,
      %swap3A_889 = vector.shape_cast %swap3A_888 : vector<1x1x16xi32> to vector<16xi32>
      %swap3A_890 = vector.shape_cast %shift_right_arithmetic3A_882 : vector<16xi32> to vector<1x1x16xi32>
      tpu.vector_store %arg6[%swap3A_885, %swap3A_886, %swap3A_887], %swap3A_890 {strides = array<i32>} : memref<4x2x64xi32, #tpu.memory_space<vmem>>, vector<1x1x16xi32>,
      %get3A_891 = arith.index_cast %add3A_812 : i32 to index
      %get3A_892 = arith.constant 112 : index
      %get3A_893 = tpu.vector_load %arg5[%get3A_891, %get3A_892] {strides = array<i32>} : memref<80x128xi32, #tpu.memory_space<vmem>>, vector<1x16xi32>,
      %get3A_894 = vector.shape_cast %get3A_893 : vector<1x16xi32> to vector<16xi32>
      %and3A_895 = arith.constant 65535 : i32
      %and3A_896 = vector.broadcast %and3A_895 : i32 to vector<16xi32>
      %and3A_897 = arith.andi %get3A_894, %and3A_896 : vector<16xi32>
      %swap3A_898 = arith.constant 1 : i32
      %swap3A_899 = arith.constant 1 : i32
      %swap3A_900 = arith.index_cast %swap3A_898 : i32 to index
      %swap3A_901 = arith.index_cast %swap3A_899 : i32 to index
      %swap3A_902 = arith.constant 32 : index
      %swap3A_903 = tpu.vector_load %arg6[%swap3A_900, %swap3A_901, %swap3A_902] {strides = array<i32>} : memref<4x2x64xi32, #tpu.memory_space<vmem>>, vector<1x1x16xi32>,
      %swap3A_904 = vector.shape_cast %swap3A_903 : vector<1x1x16xi32> to vector<16xi32>
      %swap3A_905 = vector.shape_cast %and3A_897 : vector<16xi32> to vector<1x1x16xi32>
      tpu.vector_store %arg6[%swap3A_900, %swap3A_901, %swap3A_902], %swap3A_905 {strides = array<i32>} : memref<4x2x64xi32, #tpu.memory_space<vmem>>, vector<1x1x16xi32>,
      %shift_right_arithmetic3A_906 = arith.constant 16 : i32
      %shift_right_arithmetic3A_907 = vector.broadcast %shift_right_arithmetic3A_906 : i32 to vector<16xi32>
      %shift_right_arithmetic3A_908 = arith.shrsi %get3A_894, %shift_right_arithmetic3A_907 : vector<16xi32>
      %swap3A_909 = arith.constant 1 : i32
      %swap3A_910 = arith.constant 1 : i32
      %swap3A_911 = arith.index_cast %swap3A_909 : i32 to index
      %swap3A_912 = arith.index_cast %swap3A_910 : i32 to index
      %swap3A_913 = arith.constant 48 : index
      %swap3A_914 = tpu.vector_load %arg6[%swap3A_911, %swap3A_912, %swap3A_913] {strides = array<i32>} : memref<4x2x64xi32, #tpu.memory_space<vmem>>, vector<1x1x16xi32>,
      %swap3A_915 = vector.shape_cast %swap3A_914 : vector<1x1x16xi32> to vector<16xi32>
      %swap3A_916 = vector.shape_cast %shift_right_arithmetic3A_908 : vector<16xi32> to vector<1x1x16xi32>
      tpu.vector_store %arg6[%swap3A_911, %swap3A_912, %swap3A_913], %swap3A_916 {strides = array<i32>} : memref<4x2x64xi32, #tpu.memory_space<vmem>>, vector<1x1x16xi32>,
      %dma_start3A_917 = arith.constant 1 : i32
      %dma_start3A_918 = arith.constant 0 : i32
      %dma_start3A_919 = arith.constant 1 : i32
      %dma_start3A_920 = arith.constant 0 : i32
      %dma_start3A_921 = arith.constant 0 : i32
      %dma_start3A_922 = tpu.memref_slice %arg7[%dma_start3A_919, %dma_start3A_920, %dma_start3A_921] : memref<4x64x128xf32, #tpu.memory_space<vmem>> -> memref<1x64x128xf32, #tpu.memory_space<vmem>>
      %dma_start3A_923 = tpu.memref_squeeze %dma_start3A_922 : memref<1x64x128xf32, #tpu.memory_space<vmem>> -> memref<64x128xf32, #tpu.memory_space<vmem>>
      %dma_start3A_924 = arith.constant 0 : i32
      %dma_start3A_925 = tpu.memref_slice %arg6[%dma_start3A_917, %dma_start3A_918, %dma_start3A_924] : memref<4x2x64xi32, #tpu.memory_space<vmem>> -> memref<1x1x64xi32, #tpu.memory_space<vmem>>
      %dma_start3A_926 = tpu.memref_squeeze %dma_start3A_925 : memref<1x1x64xi32, #tpu.memory_space<vmem>> -> memref<64xi32, #tpu.memory_space<vmem>>
      %dma_start3A_927 = arith.constant 0 : i32
      %dma_start3A_928 = arith.constant 0 : i32
      %dma_start3A_929 = tpu.memref_slice %arg2[%dma_start3A_927, %dma_start3A_928] : memref<10240x128xf32, #tpu.memory_space<hbm>> -> memref<10240x128xf32, #tpu.memory_space<hbm>>
      tpu.enqueue_indirect_dma source(%dma_start3A_929 : memref<10240x128xf32, #tpu.memory_space<hbm>>) target(%dma_start3A_923 : memref<64x128xf32, #tpu.memory_space<vmem>>) offsets(%dma_start3A_926 : memref<64xi32, #tpu.memory_space<vmem>>) semaphore(%arg9 : memref<!tpu.dma_semaphore, #tpu.memory_space<semaphore_mem>>)
      %dma_wait3A_930 = arith.constant 2 : i32
      %dma_wait3A_931 = arith.constant 2 : i32
      %dma_wait3A_932 = arith.constant 1 : i32
      %dma_wait3A_933 = arith.constant 0 : i32
      %dma_wait3A_934 = arith.constant 0 : i32
      %dma_wait3A_935 = tpu.memref_slice %arg7[%dma_wait3A_930, %dma_wait3A_933, %dma_wait3A_934] : memref<4x64x128xf32, #tpu.memory_space<vmem>> -> memref<1x64x128xf32, #tpu.memory_space<vmem>>
      %dma_wait3A_936 = tpu.memref_squeeze %dma_wait3A_935 : memref<1x64x128xf32, #tpu.memory_space<vmem>> -> memref<64x128xf32, #tpu.memory_space<vmem>>
      %dma_wait3A_937 = arith.constant 0 : i32
      %dma_wait3A_938 = tpu.memref_slice %arg6[%dma_wait3A_931, %dma_wait3A_932, %dma_wait3A_937] : memref<4x2x64xi32, #tpu.memory_space<vmem>> -> memref<1x1x64xi32, #tpu.memory_space<vmem>>
      %dma_wait3A_939 = tpu.memref_squeeze %dma_wait3A_938 : memref<1x1x64xi32, #tpu.memory_space<vmem>> -> memref<64xi32, #tpu.memory_space<vmem>>
      %dma_wait3A_940 = arith.constant 0 : i32
      %dma_wait3A_941 = arith.constant 0 : i32
      %dma_wait3A_942 = tpu.memref_slice %arg16[%dma_wait3A_940, %dma_wait3A_941] : memref<10240x128xf32, #tpu.memory_space<vmem_shared>> -> memref<10240x128xf32, #tpu.memory_space<vmem_shared>>
      tpu.wait_indirect_dma semaphore(%arg14 : memref<!tpu.dma_semaphore, #tpu.memory_space<semaphore_mem>>) src(%dma_wait3A_936 : memref<64x128xf32, #tpu.memory_space<vmem>>) dst(%dma_wait3A_942 : memref<10240x128xf32, #tpu.memory_space<vmem_shared>>)
      %mul3A_943 = arith.constant 2 : i32
      %mul3A_944 = arith.muli %mul3A_943, %scan3A_660 : i32
      %add3A_945 = arith.constant 1 : i32
      %add3A_946 = arith.addi %mul3A_944, %add3A_945 : i32
      %get3A_947 = arith.index_cast %add3A_946 : i32 to index
      %get3A_948 = arith.constant 0 : index
      %get3A_949 = tpu.vector_load %arg5[%get3A_947, %get3A_948] {strides = array<i32>} : memref<80x128xi32, #tpu.memory_space<vmem>>, vector<1x16xi32>,
      %get3A_950 = vector.shape_cast %get3A_949 : vector<1x16xi32> to vector<16xi32>
      %and3A_951 = arith.constant 65535 : i32
      %and3A_952 = vector.broadcast %and3A_951 : i32 to vector<16xi32>
      %and3A_953 = arith.andi %get3A_950, %and3A_952 : vector<16xi32>
      %swap3A_954 = arith.constant 2 : i32
      %swap3A_955 = arith.constant 0 : i32
      %swap3A_956 = arith.index_cast %swap3A_954 : i32 to index
      %swap3A_957 = arith.index_cast %swap3A_955 : i32 to index
      %swap3A_958 = arith.constant 0 : index
      %swap3A_959 = tpu.vector_load %arg6[%swap3A_956, %swap3A_957, %swap3A_958] {strides = array<i32>} : memref<4x2x64xi32, #tpu.memory_space<vmem>>, vector<1x1x16xi32>,
      %swap3A_960 = vector.shape_cast %swap3A_959 : vector<1x1x16xi32> to vector<16xi32>
      %swap3A_961 = vector.shape_cast %and3A_953 : vector<16xi32> to vector<1x1x16xi32>
      tpu.vector_store %arg6[%swap3A_956, %swap3A_957, %swap3A_958], %swap3A_961 {strides = array<i32>} : memref<4x2x64xi32, #tpu.memory_space<vmem>>, vector<1x1x16xi32>,
      %shift_right_arithmetic3A_962 = arith.constant 16 : i32
      %shift_right_arithmetic3A_963 = vector.broadcast %shift_right_arithmetic3A_962 : i32 to vector<16xi32>
      %shift_right_arithmetic3A_964 = arith.shrsi %get3A_950, %shift_right_arithmetic3A_963 : vector<16xi32>
      %swap3A_965 = arith.constant 2 : i32
      %swap3A_966 = arith.constant 0 : i32
      %swap3A_967 = arith.index_cast %swap3A_965 : i32 to index
      %swap3A_968 = arith.index_cast %swap3A_966 : i32 to index
      %swap3A_969 = arith.constant 16 : index
      %swap3A_970 = tpu.vector_load %arg6[%swap3A_967, %swap3A_968, %swap3A_969] {strides = array<i32>} : memref<4x2x64xi32, #tpu.memory_space<vmem>>, vector<1x1x16xi32>,
      %swap3A_971 = vector.shape_cast %swap3A_970 : vector<1x1x16xi32> to vector<16xi32>
      %swap3A_972 = vector.shape_cast %shift_right_arithmetic3A_964 : vector<16xi32> to vector<1x1x16xi32>
      tpu.vector_store %arg6[%swap3A_967, %swap3A_968, %swap3A_969], %swap3A_972 {strides = array<i32>} : memref<4x2x64xi32, #tpu.memory_space<vmem>>, vector<1x1x16xi32>,
      %get3A_973 = arith.index_cast %add3A_946 : i32 to index
      %get3A_974 = arith.constant 16 : index
      %get3A_975 = tpu.vector_load %arg5[%get3A_973, %get3A_974] {strides = array<i32>} : memref<80x128xi32, #tpu.memory_space<vmem>>, vector<1x16xi32>,
      %get3A_976 = vector.shape_cast %get3A_975 : vector<1x16xi32> to vector<16xi32>
      %and3A_977 = arith.constant 65535 : i32
      %and3A_978 = vector.broadcast %and3A_977 : i32 to vector<16xi32>
      %and3A_979 = arith.andi %get3A_976, %and3A_978 : vector<16xi32>
      %swap3A_980 = arith.constant 2 : i32
      %swap3A_981 = arith.constant 0 : i32
      %swap3A_982 = arith.index_cast %swap3A_980 : i32 to index
      %swap3A_983 = arith.index_cast %swap3A_981 : i32 to index
      %swap3A_984 = arith.constant 32 : index
      %swap3A_985 = tpu.vector_load %arg6[%swap3A_982, %swap3A_983, %swap3A_984] {strides = array<i32>} : memref<4x2x64xi32, #tpu.memory_space<vmem>>, vector<1x1x16xi32>,
      %swap3A_986 = vector.shape_cast %swap3A_985 : vector<1x1x16xi32> to vector<16xi32>
      %swap3A_987 = vector.shape_cast %and3A_979 : vector<16xi32> to vector<1x1x16xi32>
      tpu.vector_store %arg6[%swap3A_982, %swap3A_983, %swap3A_984], %swap3A_987 {strides = array<i32>} : memref<4x2x64xi32, #tpu.memory_space<vmem>>, vector<1x1x16xi32>,
      %shift_right_arithmetic3A_988 = arith.constant 16 : i32
      %shift_right_arithmetic3A_989 = vector.broadcast %shift_right_arithmetic3A_988 : i32 to vector<16xi32>
      %shift_right_arithmetic3A_990 = arith.shrsi %get3A_976, %shift_right_arithmetic3A_989 : vector<16xi32>
      %swap3A_991 = arith.constant 2 : i32
      %swap3A_992 = arith.constant 0 : i32
      %swap3A_993 = arith.index_cast %swap3A_991 : i32 to index
      %swap3A_994 = arith.index_cast %swap3A_992 : i32 to index
      %swap3A_995 = arith.constant 48 : index
      %swap3A_996 = tpu.vector_load %arg6[%swap3A_993, %swap3A_994, %swap3A_995] {strides = array<i32>} : memref<4x2x64xi32, #tpu.memory_space<vmem>>, vector<1x1x16xi32>,
      %swap3A_997 = vector.shape_cast %swap3A_996 : vector<1x1x16xi32> to vector<16xi32>
      %swap3A_998 = vector.shape_cast %shift_right_arithmetic3A_990 : vector<16xi32> to vector<1x1x16xi32>
      tpu.vector_store %arg6[%swap3A_993, %swap3A_994, %swap3A_995], %swap3A_998 {strides = array<i32>} : memref<4x2x64xi32, #tpu.memory_space<vmem>>, vector<1x1x16xi32>,
      %get3A_999 = arith.index_cast %add3A_946 : i32 to index
      %get3A_1000 = arith.constant 32 : index
      %get3A_1001 = tpu.vector_load %arg5[%get3A_999, %get3A_1000] {strides = array<i32>} : memref<80x128xi32, #tpu.memory_space<vmem>>, vector<1x16xi32>,
      %get3A_1002 = vector.shape_cast %get3A_1001 : vector<1x16xi32> to vector<16xi32>
      %and3A_1003 = arith.constant 65535 : i32
      %and3A_1004 = vector.broadcast %and3A_1003 : i32 to vector<16xi32>
      %and3A_1005 = arith.andi %get3A_1002, %and3A_1004 : vector<16xi32>
      %swap3A_1006 = arith.constant 2 : i32
      %swap3A_1007 = arith.constant 1 : i32
      %swap3A_1008 = arith.index_cast %swap3A_1006 : i32 to index
      %swap3A_1009 = arith.index_cast %swap3A_1007 : i32 to index
      %swap3A_1010 = arith.constant 0 : index
      %swap3A_1011 = tpu.vector_load %arg6[%swap3A_1008, %swap3A_1009, %swap3A_1010] {strides = array<i32>} : memref<4x2x64xi32, #tpu.memory_space<vmem>>, vector<1x1x16xi32>,
      %swap3A_1012 = vector.shape_cast %swap3A_1011 : vector<1x1x16xi32> to vector<16xi32>
      %swap3A_1013 = vector.shape_cast %and3A_1005 : vector<16xi32> to vector<1x1x16xi32>
      tpu.vector_store %arg6[%swap3A_1008, %swap3A_1009, %swap3A_1010], %swap3A_1013 {strides = array<i32>} : memref<4x2x64xi32, #tpu.memory_space<vmem>>, vector<1x1x16xi32>,
      %shift_right_arithmetic3A_1014 = arith.constant 16 : i32
      %shift_right_arithmetic3A_1015 = vector.broadcast %shift_right_arithmetic3A_1014 : i32 to vector<16xi32>
      %shift_right_arithmetic3A_1016 = arith.shrsi %get3A_1002, %shift_right_arithmetic3A_1015 : vector<16xi32>
      %swap3A_1017 = arith.constant 2 : i32
      %swap3A_1018 = arith.constant 1 : i32
      %swap3A_1019 = arith.index_cast %swap3A_1017 : i32 to index
      %swap3A_1020 = arith.index_cast %swap3A_1018 : i32 to index
      %swap3A_1021 = arith.constant 16 : index
      %swap3A_1022 = tpu.vector_load %arg6[%swap3A_1019, %swap3A_1020, %swap3A_1021] {strides = array<i32>} : memref<4x2x64xi32, #tpu.memory_space<vmem>>, vector<1x1x16xi32>,
      %swap3A_1023 = vector.shape_cast %swap3A_1022 : vector<1x1x16xi32> to vector<16xi32>
      %swap3A_1024 = vector.shape_cast %shift_right_arithmetic3A_1016 : vector<16xi32> to vector<1x1x16xi32>
      tpu.vector_store %arg6[%swap3A_1019, %swap3A_1020, %swap3A_1021], %swap3A_1024 {strides = array<i32>} : memref<4x2x64xi32, #tpu.memory_space<vmem>>, vector<1x1x16xi32>,
      %get3A_1025 = arith.index_cast %add3A_946 : i32 to index
      %get3A_1026 = arith.constant 48 : index
      %get3A_1027 = tpu.vector_load %arg5[%get3A_1025, %get3A_1026] {strides = array<i32>} : memref<80x128xi32, #tpu.memory_space<vmem>>, vector<1x16xi32>,
      %get3A_1028 = vector.shape_cast %get3A_1027 : vector<1x16xi32> to vector<16xi32>
      %and3A_1029 = arith.constant 65535 : i32
      %and3A_1030 = vector.broadcast %and3A_1029 : i32 to vector<16xi32>
      %and3A_1031 = arith.andi %get3A_1028, %and3A_1030 : vector<16xi32>
      %swap3A_1032 = arith.constant 2 : i32
      %swap3A_1033 = arith.constant 1 : i32
      %swap3A_1034 = arith.index_cast %swap3A_1032 : i32 to index
      %swap3A_1035 = arith.index_cast %swap3A_1033 : i32 to index
      %swap3A_1036 = arith.constant 32 : index
      %swap3A_1037 = tpu.vector_load %arg6[%swap3A_1034, %swap3A_1035, %swap3A_1036] {strides = array<i32>} : memref<4x2x64xi32, #tpu.memory_space<vmem>>, vector<1x1x16xi32>,
      %swap3A_1038 = vector.shape_cast %swap3A_1037 : vector<1x1x16xi32> to vector<16xi32>
      %swap3A_1039 = vector.shape_cast %and3A_1031 : vector<16xi32> to vector<1x1x16xi32>
      tpu.vector_store %arg6[%swap3A_1034, %swap3A_1035, %swap3A_1036], %swap3A_1039 {strides = array<i32>} : memref<4x2x64xi32, #tpu.memory_space<vmem>>, vector<1x1x16xi32>,
      %shift_right_arithmetic3A_1040 = arith.constant 16 : i32
      %shift_right_arithmetic3A_1041 = vector.broadcast %shift_right_arithmetic3A_1040 : i32 to vector<16xi32>
      %shift_right_arithmetic3A_1042 = arith.shrsi %get3A_1028, %shift_right_arithmetic3A_1041 : vector<16xi32>
      %swap3A_1043 = arith.constant 2 : i32
      %swap3A_1044 = arith.constant 1 : i32
      %swap3A_1045 = arith.index_cast %swap3A_1043 : i32 to index
      %swap3A_1046 = arith.index_cast %swap3A_1044 : i32 to index
      %swap3A_1047 = arith.constant 48 : index
      %swap3A_1048 = tpu.vector_load %arg6[%swap3A_1045, %swap3A_1046, %swap3A_1047] {strides = array<i32>} : memref<4x2x64xi32, #tpu.memory_space<vmem>>, vector<1x1x16xi32>,
      %swap3A_1049 = vector.shape_cast %swap3A_1048 : vector<1x1x16xi32> to vector<16xi32>
      %swap3A_1050 = vector.shape_cast %shift_right_arithmetic3A_1042 : vector<16xi32> to vector<1x1x16xi32>
      tpu.vector_store %arg6[%swap3A_1045, %swap3A_1046, %swap3A_1047], %swap3A_1050 {strides = array<i32>} : memref<4x2x64xi32, #tpu.memory_space<vmem>>, vector<1x1x16xi32>,
      %dma_start3A_1051 = arith.constant 2 : i32
      %dma_start3A_1052 = arith.constant 0 : i32
      %dma_start3A_1053 = arith.constant 2 : i32
      %dma_start3A_1054 = arith.constant 0 : i32
      %dma_start3A_1055 = arith.constant 0 : i32
      %dma_start3A_1056 = tpu.memref_slice %arg7[%dma_start3A_1053, %dma_start3A_1054, %dma_start3A_1055] : memref<4x64x128xf32, #tpu.memory_space<vmem>> -> memref<1x64x128xf32, #tpu.memory_space<vmem>>
      %dma_start3A_1057 = tpu.memref_squeeze %dma_start3A_1056 : memref<1x64x128xf32, #tpu.memory_space<vmem>> -> memref<64x128xf32, #tpu.memory_space<vmem>>
      %dma_start3A_1058 = arith.constant 0 : i32
      %dma_start3A_1059 = tpu.memref_slice %arg6[%dma_start3A_1051, %dma_start3A_1052, %dma_start3A_1058] : memref<4x2x64xi32, #tpu.memory_space<vmem>> -> memref<1x1x64xi32, #tpu.memory_space<vmem>>
      %dma_start3A_1060 = tpu.memref_squeeze %dma_start3A_1059 : memref<1x1x64xi32, #tpu.memory_space<vmem>> -> memref<64xi32, #tpu.memory_space<vmem>>
      %dma_start3A_1061 = arith.constant 0 : i32
      %dma_start3A_1062 = arith.constant 0 : i32
      %dma_start3A_1063 = tpu.memref_slice %arg2[%dma_start3A_1061, %dma_start3A_1062] : memref<10240x128xf32, #tpu.memory_space<hbm>> -> memref<10240x128xf32, #tpu.memory_space<hbm>>
      tpu.enqueue_indirect_dma source(%dma_start3A_1063 : memref<10240x128xf32, #tpu.memory_space<hbm>>) target(%dma_start3A_1057 : memref<64x128xf32, #tpu.memory_space<vmem>>) offsets(%dma_start3A_1060 : memref<64xi32, #tpu.memory_space<vmem>>) semaphore(%arg10 : memref<!tpu.dma_semaphore, #tpu.memory_space<semaphore_mem>>)
      %dma_wait3A_1064 = arith.constant 3 : i32
      %dma_wait3A_1065 = arith.constant 3 : i32
      %dma_wait3A_1066 = arith.constant 1 : i32
      %dma_wait3A_1067 = arith.constant 0 : i32
      %dma_wait3A_1068 = arith.constant 0 : i32
      %dma_wait3A_1069 = tpu.memref_slice %arg7[%dma_wait3A_1064, %dma_wait3A_1067, %dma_wait3A_1068] : memref<4x64x128xf32, #tpu.memory_space<vmem>> -> memref<1x64x128xf32, #tpu.memory_space<vmem>>
      %dma_wait3A_1070 = tpu.memref_squeeze %dma_wait3A_1069 : memref<1x64x128xf32, #tpu.memory_space<vmem>> -> memref<64x128xf32, #tpu.memory_space<vmem>>
      %dma_wait3A_1071 = arith.constant 0 : i32
      %dma_wait3A_1072 = tpu.memref_slice %arg6[%dma_wait3A_1065, %dma_wait3A_1066, %dma_wait3A_1071] : memref<4x2x64xi32, #tpu.memory_space<vmem>> -> memref<1x1x64xi32, #tpu.memory_space<vmem>>
      %dma_wait3A_1073 = tpu.memref_squeeze %dma_wait3A_1072 : memref<1x1x64xi32, #tpu.memory_space<vmem>> -> memref<64xi32, #tpu.memory_space<vmem>>
      %dma_wait3A_1074 = arith.constant 0 : i32
      %dma_wait3A_1075 = arith.constant 0 : i32
      %dma_wait3A_1076 = tpu.memref_slice %arg16[%dma_wait3A_1074, %dma_wait3A_1075] : memref<10240x128xf32, #tpu.memory_space<vmem_shared>> -> memref<10240x128xf32, #tpu.memory_space<vmem_shared>>
      tpu.wait_indirect_dma semaphore(%arg15 : memref<!tpu.dma_semaphore, #tpu.memory_space<semaphore_mem>>) src(%dma_wait3A_1070 : memref<64x128xf32, #tpu.memory_space<vmem>>) dst(%dma_wait3A_1076 : memref<10240x128xf32, #tpu.memory_space<vmem_shared>>)
      %mul3A_1077 = arith.constant 2 : i32
      %mul3A_1078 = arith.muli %mul3A_1077, %scan3A_660 : i32
      %add3A_1079 = arith.constant 1 : i32
      %add3A_1080 = arith.addi %mul3A_1078, %add3A_1079 : i32
      %get3A_1081 = arith.index_cast %add3A_1080 : i32 to index
      %get3A_1082 = arith.constant 64 : index
      %get3A_1083 = tpu.vector_load %arg5[%get3A_1081, %get3A_1082] {strides = array<i32>} : memref<80x128xi32, #tpu.memory_space<vmem>>, vector<1x16xi32>,
      %get3A_1084 = vector.shape_cast %get3A_1083 : vector<1x16xi32> to vector<16xi32>
      %and3A_1085 = arith.constant 65535 : i32
      %and3A_1086 = vector.broadcast %and3A_1085 : i32 to vector<16xi32>
      %and3A_1087 = arith.andi %get3A_1084, %and3A_1086 : vector<16xi32>
      %swap3A_1088 = arith.constant 3 : i32
      %swap3A_1089 = arith.constant 0 : i32
      %swap3A_1090 = arith.index_cast %swap3A_1088 : i32 to index
      %swap3A_1091 = arith.index_cast %swap3A_1089 : i32 to index
      %swap3A_1092 = arith.constant 0 : index
      %swap3A_1093 = tpu.vector_load %arg6[%swap3A_1090, %swap3A_1091, %swap3A_1092] {strides = array<i32>} : memref<4x2x64xi32, #tpu.memory_space<vmem>>, vector<1x1x16xi32>,
      %swap3A_1094 = vector.shape_cast %swap3A_1093 : vector<1x1x16xi32> to vector<16xi32>
      %swap3A_1095 = vector.shape_cast %and3A_1087 : vector<16xi32> to vector<1x1x16xi32>
      tpu.vector_store %arg6[%swap3A_1090, %swap3A_1091, %swap3A_1092], %swap3A_1095 {strides = array<i32>} : memref<4x2x64xi32, #tpu.memory_space<vmem>>, vector<1x1x16xi32>,
      %shift_right_arithmetic3A_1096 = arith.constant 16 : i32
      %shift_right_arithmetic3A_1097 = vector.broadcast %shift_right_arithmetic3A_1096 : i32 to vector<16xi32>
      %shift_right_arithmetic3A_1098 = arith.shrsi %get3A_1084, %shift_right_arithmetic3A_1097 : vector<16xi32>
      %swap3A_1099 = arith.constant 3 : i32
      %swap3A_1100 = arith.constant 0 : i32
      %swap3A_1101 = arith.index_cast %swap3A_1099 : i32 to index
      %swap3A_1102 = arith.index_cast %swap3A_1100 : i32 to index
      %swap3A_1103 = arith.constant 16 : index
      %swap3A_1104 = tpu.vector_load %arg6[%swap3A_1101, %swap3A_1102, %swap3A_1103] {strides = array<i32>} : memref<4x2x64xi32, #tpu.memory_space<vmem>>, vector<1x1x16xi32>,
      %swap3A_1105 = vector.shape_cast %swap3A_1104 : vector<1x1x16xi32> to vector<16xi32>
      %swap3A_1106 = vector.shape_cast %shift_right_arithmetic3A_1098 : vector<16xi32> to vector<1x1x16xi32>
      tpu.vector_store %arg6[%swap3A_1101, %swap3A_1102, %swap3A_1103], %swap3A_1106 {strides = array<i32>} : memref<4x2x64xi32, #tpu.memory_space<vmem>>, vector<1x1x16xi32>,
      %get3A_1107 = arith.index_cast %add3A_1080 : i32 to index
      %get3A_1108 = arith.constant 80 : index
      %get3A_1109 = tpu.vector_load %arg5[%get3A_1107, %get3A_1108] {strides = array<i32>} : memref<80x128xi32, #tpu.memory_space<vmem>>, vector<1x16xi32>,
      %get3A_1110 = vector.shape_cast %get3A_1109 : vector<1x16xi32> to vector<16xi32>
      %and3A_1111 = arith.constant 65535 : i32
      %and3A_1112 = vector.broadcast %and3A_1111 : i32 to vector<16xi32>
      %and3A_1113 = arith.andi %get3A_1110, %and3A_1112 : vector<16xi32>
      %swap3A_1114 = arith.constant 3 : i32
      %swap3A_1115 = arith.constant 0 : i32
      %swap3A_1116 = arith.index_cast %swap3A_1114 : i32 to index
      %swap3A_1117 = arith.index_cast %swap3A_1115 : i32 to index
      %swap3A_1118 = arith.constant 32 : index
      %swap3A_1119 = tpu.vector_load %arg6[%swap3A_1116, %swap3A_1117, %swap3A_1118] {strides = array<i32>} : memref<4x2x64xi32, #tpu.memory_space<vmem>>, vector<1x1x16xi32>,
      %swap3A_1120 = vector.shape_cast %swap3A_1119 : vector<1x1x16xi32> to vector<16xi32>
      %swap3A_1121 = vector.shape_cast %and3A_1113 : vector<16xi32> to vector<1x1x16xi32>
      tpu.vector_store %arg6[%swap3A_1116, %swap3A_1117, %swap3A_1118], %swap3A_1121 {strides = array<i32>} : memref<4x2x64xi32, #tpu.memory_space<vmem>>, vector<1x1x16xi32>,
      %shift_right_arithmetic3A_1122 = arith.constant 16 : i32
      %shift_right_arithmetic3A_1123 = vector.broadcast %shift_right_arithmetic3A_1122 : i32 to vector<16xi32>
      %shift_right_arithmetic3A_1124 = arith.shrsi %get3A_1110, %shift_right_arithmetic3A_1123 : vector<16xi32>
      %swap3A_1125 = arith.constant 3 : i32
      %swap3A_1126 = arith.constant 0 : i32
      %swap3A_1127 = arith.index_cast %swap3A_1125 : i32 to index
      %swap3A_1128 = arith.index_cast %swap3A_1126 : i32 to index
      %swap3A_1129 = arith.constant 48 : index
      %swap3A_1130 = tpu.vector_load %arg6[%swap3A_1127, %swap3A_1128, %swap3A_1129] {strides = array<i32>} : memref<4x2x64xi32, #tpu.memory_space<vmem>>, vector<1x1x16xi32>,
      %swap3A_1131 = vector.shape_cast %swap3A_1130 : vector<1x1x16xi32> to vector<16xi32>
      %swap3A_1132 = vector.shape_cast %shift_right_arithmetic3A_1124 : vector<16xi32> to vector<1x1x16xi32>
      tpu.vector_store %arg6[%swap3A_1127, %swap3A_1128, %swap3A_1129], %swap3A_1132 {strides = array<i32>} : memref<4x2x64xi32, #tpu.memory_space<vmem>>, vector<1x1x16xi32>,
      %get3A_1133 = arith.index_cast %add3A_1080 : i32 to index
      %get3A_1134 = arith.constant 96 : index
      %get3A_1135 = tpu.vector_load %arg5[%get3A_1133, %get3A_1134] {strides = array<i32>} : memref<80x128xi32, #tpu.memory_space<vmem>>, vector<1x16xi32>,
      %get3A_1136 = vector.shape_cast %get3A_1135 : vector<1x16xi32> to vector<16xi32>
      %and3A_1137 = arith.constant 65535 : i32
      %and3A_1138 = vector.broadcast %and3A_1137 : i32 to vector<16xi32>
      %and3A_1139 = arith.andi %get3A_1136, %and3A_1138 : vector<16xi32>
      %swap3A_1140 = arith.constant 3 : i32
      %swap3A_1141 = arith.constant 1 : i32
      %swap3A_1142 = arith.index_cast %swap3A_1140 : i32 to index
      %swap3A_1143 = arith.index_cast %swap3A_1141 : i32 to index
      %swap3A_1144 = arith.constant 0 : index
      %swap3A_1145 = tpu.vector_load %arg6[%swap3A_1142, %swap3A_1143, %swap3A_1144] {strides = array<i32>} : memref<4x2x64xi32, #tpu.memory_space<vmem>>, vector<1x1x16xi32>,
      %swap3A_1146 = vector.shape_cast %swap3A_1145 : vector<1x1x16xi32> to vector<16xi32>
      %swap3A_1147 = vector.shape_cast %and3A_1139 : vector<16xi32> to vector<1x1x16xi32>
      tpu.vector_store %arg6[%swap3A_1142, %swap3A_1143, %swap3A_1144], %swap3A_1147 {strides = array<i32>} : memref<4x2x64xi32, #tpu.memory_space<vmem>>, vector<1x1x16xi32>,
      %shift_right_arithmetic3A_1148 = arith.constant 16 : i32
      %shift_right_arithmetic3A_1149 = vector.broadcast %shift_right_arithmetic3A_1148 : i32 to vector<16xi32>
      %shift_right_arithmetic3A_1150 = arith.shrsi %get3A_1136, %shift_right_arithmetic3A_1149 : vector<16xi32>
      %swap3A_1151 = arith.constant 3 : i32
      %swap3A_1152 = arith.constant 1 : i32
      %swap3A_1153 = arith.index_cast %swap3A_1151 : i32 to index
      %swap3A_1154 = arith.index_cast %swap3A_1152 : i32 to index
      %swap3A_1155 = arith.constant 16 : index
      %swap3A_1156 = tpu.vector_load %arg6[%swap3A_1153, %swap3A_1154, %swap3A_1155] {strides = array<i32>} : memref<4x2x64xi32, #tpu.memory_space<vmem>>, vector<1x1x16xi32>,
      %swap3A_1157 = vector.shape_cast %swap3A_1156 : vector<1x1x16xi32> to vector<16xi32>
      %swap3A_1158 = vector.shape_cast %shift_right_arithmetic3A_1150 : vector<16xi32> to vector<1x1x16xi32>
      tpu.vector_store %arg6[%swap3A_1153, %swap3A_1154, %swap3A_1155], %swap3A_1158 {strides = array<i32>} : memref<4x2x64xi32, #tpu.memory_space<vmem>>, vector<1x1x16xi32>,
      %get3A_1159 = arith.index_cast %add3A_1080 : i32 to index
      %get3A_1160 = arith.constant 112 : index
      %get3A_1161 = tpu.vector_load %arg5[%get3A_1159, %get3A_1160] {strides = array<i32>} : memref<80x128xi32, #tpu.memory_space<vmem>>, vector<1x16xi32>,
      %get3A_1162 = vector.shape_cast %get3A_1161 : vector<1x16xi32> to vector<16xi32>
      %and3A_1163 = arith.constant 65535 : i32
      %and3A_1164 = vector.broadcast %and3A_1163 : i32 to vector<16xi32>
      %and3A_1165 = arith.andi %get3A_1162, %and3A_1164 : vector<16xi32>
      %swap3A_1166 = arith.constant 3 : i32
      %swap3A_1167 = arith.constant 1 : i32
      %swap3A_1168 = arith.index_cast %swap3A_1166 : i32 to index
      %swap3A_1169 = arith.index_cast %swap3A_1167 : i32 to index
      %swap3A_1170 = arith.constant 32 : index
      %swap3A_1171 = tpu.vector_load %arg6[%swap3A_1168, %swap3A_1169, %swap3A_1170] {strides = array<i32>} : memref<4x2x64xi32, #tpu.memory_space<vmem>>, vector<1x1x16xi32>,
      %swap3A_1172 = vector.shape_cast %swap3A_1171 : vector<1x1x16xi32> to vector<16xi32>
      %swap3A_1173 = vector.shape_cast %and3A_1165 : vector<16xi32> to vector<1x1x16xi32>
      tpu.vector_store %arg6[%swap3A_1168, %swap3A_1169, %swap3A_1170], %swap3A_1173 {strides = array<i32>} : memref<4x2x64xi32, #tpu.memory_space<vmem>>, vector<1x1x16xi32>,
      %shift_right_arithmetic3A_1174 = arith.constant 16 : i32
      %shift_right_arithmetic3A_1175 = vector.broadcast %shift_right_arithmetic3A_1174 : i32 to vector<16xi32>
      %shift_right_arithmetic3A_1176 = arith.shrsi %get3A_1162, %shift_right_arithmetic3A_1175 : vector<16xi32>
      %swap3A_1177 = arith.constant 3 : i32
      %swap3A_1178 = arith.constant 1 : i32
      %swap3A_1179 = arith.index_cast %swap3A_1177 : i32 to index
      %swap3A_1180 = arith.index_cast %swap3A_1178 : i32 to index
      %swap3A_1181 = arith.constant 48 : index
      %swap3A_1182 = tpu.vector_load %arg6[%swap3A_1179, %swap3A_1180, %swap3A_1181] {strides = array<i32>} : memref<4x2x64xi32, #tpu.memory_space<vmem>>, vector<1x1x16xi32>,
      %swap3A_1183 = vector.shape_cast %swap3A_1182 : vector<1x1x16xi32> to vector<16xi32>
      %swap3A_1184 = vector.shape_cast %shift_right_arithmetic3A_1176 : vector<16xi32> to vector<1x1x16xi32>
      tpu.vector_store %arg6[%swap3A_1179, %swap3A_1180, %swap3A_1181], %swap3A_1184 {strides = array<i32>} : memref<4x2x64xi32, #tpu.memory_space<vmem>>, vector<1x1x16xi32>,
      %dma_start3A_1185 = arith.constant 3 : i32
      %dma_start3A_1186 = arith.constant 0 : i32
      %dma_start3A_1187 = arith.constant 3 : i32
      %dma_start3A_1188 = arith.constant 0 : i32
      %dma_start3A_1189 = arith.constant 0 : i32
      %dma_start3A_1190 = tpu.memref_slice %arg7[%dma_start3A_1187, %dma_start3A_1188, %dma_start3A_1189] : memref<4x64x128xf32, #tpu.memory_space<vmem>> -> memref<1x64x128xf32, #tpu.memory_space<vmem>>
      %dma_start3A_1191 = tpu.memref_squeeze %dma_start3A_1190 : memref<1x64x128xf32, #tpu.memory_space<vmem>> -> memref<64x128xf32, #tpu.memory_space<vmem>>
      %dma_start3A_1192 = arith.constant 0 : i32
      %dma_start3A_1193 = tpu.memref_slice %arg6[%dma_start3A_1185, %dma_start3A_1186, %dma_start3A_1192] : memref<4x2x64xi32, #tpu.memory_space<vmem>> -> memref<1x1x64xi32, #tpu.memory_space<vmem>>
      %dma_start3A_1194 = tpu.memref_squeeze %dma_start3A_1193 : memref<1x1x64xi32, #tpu.memory_space<vmem>> -> memref<64xi32, #tpu.memory_space<vmem>>
      %dma_start3A_1195 = arith.constant 0 : i32
      %dma_start3A_1196 = arith.constant 0 : i32
      %dma_start3A_1197 = tpu.memref_slice %arg2[%dma_start3A_1195, %dma_start3A_1196] : memref<10240x128xf32, #tpu.memory_space<hbm>> -> memref<10240x128xf32, #tpu.memory_space<hbm>>
      tpu.enqueue_indirect_dma source(%dma_start3A_1197 : memref<10240x128xf32, #tpu.memory_space<hbm>>) target(%dma_start3A_1191 : memref<64x128xf32, #tpu.memory_space<vmem>>) offsets(%dma_start3A_1194 : memref<64xi32, #tpu.memory_space<vmem>>) semaphore(%arg11 : memref<!tpu.dma_semaphore, #tpu.memory_space<semaphore_mem>>)
      %dma_wait3A_1198 = arith.constant 0 : i32
      %dma_wait3A_1199 = arith.constant 0 : i32
      %dma_wait3A_1200 = arith.constant 0 : i32
      %dma_wait3A_1201 = arith.constant 0 : i32
      %dma_wait3A_1202 = arith.constant 0 : i32
      %dma_wait3A_1203 = tpu.memref_slice %arg7[%dma_wait3A_1200, %dma_wait3A_1201, %dma_wait3A_1202] : memref<4x64x128xf32, #tpu.memory_space<vmem>> -> memref<1x64x128xf32, #tpu.memory_space<vmem>>
      %dma_wait3A_1204 = tpu.memref_squeeze %dma_wait3A_1203 : memref<1x64x128xf32, #tpu.memory_space<vmem>> -> memref<64x128xf32, #tpu.memory_space<vmem>>
      %dma_wait3A_1205 = arith.constant 0 : i32
      %dma_wait3A_1206 = tpu.memref_slice %arg6[%dma_wait3A_1198, %dma_wait3A_1199, %dma_wait3A_1205] : memref<4x2x64xi32, #tpu.memory_space<vmem>> -> memref<1x1x64xi32, #tpu.memory_space<vmem>>
      %dma_wait3A_1207 = tpu.memref_squeeze %dma_wait3A_1206 : memref<1x1x64xi32, #tpu.memory_space<vmem>> -> memref<64xi32, #tpu.memory_space<vmem>>
      %dma_wait3A_1208 = arith.constant 0 : i32
      %dma_wait3A_1209 = arith.constant 0 : i32
      %dma_wait3A_1210 = tpu.memref_slice %arg2[%dma_wait3A_1208, %dma_wait3A_1209] : memref<10240x128xf32, #tpu.memory_space<hbm>> -> memref<10240x128xf32, #tpu.memory_space<hbm>>
      tpu.wait_indirect_dma semaphore(%arg8 : memref<!tpu.dma_semaphore, #tpu.memory_space<semaphore_mem>>) src(%dma_wait3A_1210 : memref<10240x128xf32, #tpu.memory_space<hbm>>) dst(%dma_wait3A_1204 : memref<64x128xf32, #tpu.memory_space<vmem>>)
      %dma_start3A_1211 = arith.constant 0 : i32
      %dma_start3A_1212 = arith.constant 0 : i32
      %dma_start3A_1213 = arith.constant 1 : i32
      %dma_start3A_1214 = arith.constant 0 : i32
      %dma_start3A_1215 = arith.constant 0 : i32
      %dma_start3A_1216 = tpu.memref_slice %arg7[%dma_start3A_1211, %dma_start3A_1214, %dma_start3A_1215] : memref<4x64x128xf32, #tpu.memory_space<vmem>> -> memref<1x64x128xf32, #tpu.memory_space<vmem>>
      %dma_start3A_1217 = tpu.memref_squeeze %dma_start3A_1216 : memref<1x64x128xf32, #tpu.memory_space<vmem>> -> memref<64x128xf32, #tpu.memory_space<vmem>>
      %dma_start3A_1218 = arith.constant 0 : i32
      %dma_start3A_1219 = tpu.memref_slice %arg6[%dma_start3A_1212, %dma_start3A_1213, %dma_start3A_1218] : memref<4x2x64xi32, #tpu.memory_space<vmem>> -> memref<1x1x64xi32, #tpu.memory_space<vmem>>
      %dma_start3A_1220 = tpu.memref_squeeze %dma_start3A_1219 : memref<1x1x64xi32, #tpu.memory_space<vmem>> -> memref<64xi32, #tpu.memory_space<vmem>>
      %dma_start3A_1221 = arith.constant 0 : i32
      %dma_start3A_1222 = arith.constant 0 : i32
      %dma_start3A_1223 = tpu.memref_slice %arg16[%dma_start3A_1221, %dma_start3A_1222] : memref<10240x128xf32, #tpu.memory_space<vmem_shared>> -> memref<10240x128xf32, #tpu.memory_space<vmem_shared>>
      tpu.enqueue_indirect_dma source(%dma_start3A_1217 : memref<64x128xf32, #tpu.memory_space<vmem>>) target(%dma_start3A_1223 : memref<10240x128xf32, #tpu.memory_space<vmem_shared>>) offsets(%dma_start3A_1220 : memref<64xi32, #tpu.memory_space<vmem>>) semaphore(%arg12 : memref<!tpu.dma_semaphore, #tpu.memory_space<semaphore_mem>>) {add = true}
      %dma_wait3A_1224 = arith.constant 1 : i32
      %dma_wait3A_1225 = arith.constant 0 : i32
      %dma_wait3A_1226 = arith.constant 1 : i32
      %dma_wait3A_1227 = arith.constant 0 : i32
      %dma_wait3A_1228 = arith.constant 0 : i32
      %dma_wait3A_1229 = tpu.memref_slice %arg7[%dma_wait3A_1226, %dma_wait3A_1227, %dma_wait3A_1228] : memref<4x64x128xf32, #tpu.memory_space<vmem>> -> memref<1x64x128xf32, #tpu.memory_space<vmem>>
      %dma_wait3A_1230 = tpu.memref_squeeze %dma_wait3A_1229 : memref<1x64x128xf32, #tpu.memory_space<vmem>> -> memref<64x128xf32, #tpu.memory_space<vmem>>
      %dma_wait3A_1231 = arith.constant 0 : i32
      %dma_wait3A_1232 = tpu.memref_slice %arg6[%dma_wait3A_1224, %dma_wait3A_1225, %dma_wait3A_1231] : memref<4x2x64xi32, #tpu.memory_space<vmem>> -> memref<1x1x64xi32, #tpu.memory_space<vmem>>
      %dma_wait3A_1233 = tpu.memref_squeeze %dma_wait3A_1232 : memref<1x1x64xi32, #tpu.memory_space<vmem>> -> memref<64xi32, #tpu.memory_space<vmem>>
      %dma_wait3A_1234 = arith.constant 0 : i32
      %dma_wait3A_1235 = arith.constant 0 : i32
      %dma_wait3A_1236 = tpu.memref_slice %arg2[%dma_wait3A_1234, %dma_wait3A_1235] : memref<10240x128xf32, #tpu.memory_space<hbm>> -> memref<10240x128xf32, #tpu.memory_space<hbm>>
      tpu.wait_indirect_dma semaphore(%arg9 : memref<!tpu.dma_semaphore, #tpu.memory_space<semaphore_mem>>) src(%dma_wait3A_1236 : memref<10240x128xf32, #tpu.memory_space<hbm>>) dst(%dma_wait3A_1230 : memref<64x128xf32, #tpu.memory_space<vmem>>)
      %dma_start3A_1237 = arith.constant 1 : i32
      %dma_start3A_1238 = arith.constant 1 : i32
      %dma_start3A_1239 = arith.constant 1 : i32
      %dma_start3A_1240 = arith.constant 0 : i32
      %dma_start3A_1241 = arith.constant 0 : i32
      %dma_start3A_1242 = tpu.memref_slice %arg7[%dma_start3A_1237, %dma_start3A_1240, %dma_start3A_1241] : memref<4x64x128xf32, #tpu.memory_space<vmem>> -> memref<1x64x128xf32, #tpu.memory_space<vmem>>
      %dma_start3A_1243 = tpu.memref_squeeze %dma_start3A_1242 : memref<1x64x128xf32, #tpu.memory_space<vmem>> -> memref<64x128xf32, #tpu.memory_space<vmem>>
      %dma_start3A_1244 = arith.constant 0 : i32
      %dma_start3A_1245 = tpu.memref_slice %arg6[%dma_start3A_1238, %dma_start3A_1239, %dma_start3A_1244] : memref<4x2x64xi32, #tpu.memory_space<vmem>> -> memref<1x1x64xi32, #tpu.memory_space<vmem>>
      %dma_start3A_1246 = tpu.memref_squeeze %dma_start3A_1245 : memref<1x1x64xi32, #tpu.memory_space<vmem>> -> memref<64xi32, #tpu.memory_space<vmem>>
      %dma_start3A_1247 = arith.constant 0 : i32
      %dma_start3A_1248 = arith.constant 0 : i32
      %dma_start3A_1249 = tpu.memref_slice %arg16[%dma_start3A_1247, %dma_start3A_1248] : memref<10240x128xf32, #tpu.memory_space<vmem_shared>> -> memref<10240x128xf32, #tpu.memory_space<vmem_shared>>
      tpu.enqueue_indirect_dma source(%dma_start3A_1243 : memref<64x128xf32, #tpu.memory_space<vmem>>) target(%dma_start3A_1249 : memref<10240x128xf32, #tpu.memory_space<vmem_shared>>) offsets(%dma_start3A_1246 : memref<64xi32, #tpu.memory_space<vmem>>) semaphore(%arg13 : memref<!tpu.dma_semaphore, #tpu.memory_space<semaphore_mem>>) {add = true}
      %dma_wait3A_1250 = arith.constant 2 : i32
      %dma_wait3A_1251 = arith.constant 0 : i32
      %dma_wait3A_1252 = arith.constant 2 : i32
      %dma_wait3A_1253 = arith.constant 0 : i32
      %dma_wait3A_1254 = arith.constant 0 : i32
      %dma_wait3A_1255 = tpu.memref_slice %arg7[%dma_wait3A_1252, %dma_wait3A_1253, %dma_wait3A_1254] : memref<4x64x128xf32, #tpu.memory_space<vmem>> -> memref<1x64x128xf32, #tpu.memory_space<vmem>>
      %dma_wait3A_1256 = tpu.memref_squeeze %dma_wait3A_1255 : memref<1x64x128xf32, #tpu.memory_space<vmem>> -> memref<64x128xf32, #tpu.memory_space<vmem>>
      %dma_wait3A_1257 = arith.constant 0 : i32
      %dma_wait3A_1258 = tpu.memref_slice %arg6[%dma_wait3A_1250, %dma_wait3A_1251, %dma_wait3A_1257] : memref<4x2x64xi32, #tpu.memory_space<vmem>> -> memref<1x1x64xi32, #tpu.memory_space<vmem>>
      %dma_wait3A_1259 = tpu.memref_squeeze %dma_wait3A_1258 : memref<1x1x64xi32, #tpu.memory_space<vmem>> -> memref<64xi32, #tpu.memory_space<vmem>>
      %dma_wait3A_1260 = arith.constant 0 : i32
      %dma_wait3A_1261 = arith.constant 0 : i32
      %dma_wait3A_1262 = tpu.memref_slice %arg2[%dma_wait3A_1260, %dma_wait3A_1261] : memref<10240x128xf32, #tpu.memory_space<hbm>> -> memref<10240x128xf32, #tpu.memory_space<hbm>>
      tpu.wait_indirect_dma semaphore(%arg10 : memref<!tpu.dma_semaphore, #tpu.memory_space<semaphore_mem>>) src(%dma_wait3A_1262 : memref<10240x128xf32, #tpu.memory_space<hbm>>) dst(%dma_wait3A_1256 : memref<64x128xf32, #tpu.memory_space<vmem>>)
      %dma_start3A_1263 = arith.constant 2 : i32
      %dma_start3A_1264 = arith.constant 2 : i32
      %dma_start3A_1265 = arith.constant 1 : i32
      %dma_start3A_1266 = arith.constant 0 : i32
      %dma_start3A_1267 = arith.constant 0 : i32
      %dma_start3A_1268 = tpu.memref_slice %arg7[%dma_start3A_1263, %dma_start3A_1266, %dma_start3A_1267] : memref<4x64x128xf32, #tpu.memory_space<vmem>> -> memref<1x64x128xf32, #tpu.memory_space<vmem>>
      %dma_start3A_1269 = tpu.memref_squeeze %dma_start3A_1268 : memref<1x64x128xf32, #tpu.memory_space<vmem>> -> memref<64x128xf32, #tpu.memory_space<vmem>>
      %dma_start3A_1270 = arith.constant 0 : i32
      %dma_start3A_1271 = tpu.memref_slice %arg6[%dma_start3A_1264, %dma_start3A_1265, %dma_start3A_1270] : memref<4x2x64xi32, #tpu.memory_space<vmem>> -> memref<1x1x64xi32, #tpu.memory_space<vmem>>
      %dma_start3A_1272 = tpu.memref_squeeze %dma_start3A_1271 : memref<1x1x64xi32, #tpu.memory_space<vmem>> -> memref<64xi32, #tpu.memory_space<vmem>>
      %dma_start3A_1273 = arith.constant 0 : i32
      %dma_start3A_1274 = arith.constant 0 : i32
      %dma_start3A_1275 = tpu.memref_slice %arg16[%dma_start3A_1273, %dma_start3A_1274] : memref<10240x128xf32, #tpu.memory_space<vmem_shared>> -> memref<10240x128xf32, #tpu.memory_space<vmem_shared>>
      tpu.enqueue_indirect_dma source(%dma_start3A_1269 : memref<64x128xf32, #tpu.memory_space<vmem>>) target(%dma_start3A_1275 : memref<10240x128xf32, #tpu.memory_space<vmem_shared>>) offsets(%dma_start3A_1272 : memref<64xi32, #tpu.memory_space<vmem>>) semaphore(%arg14 : memref<!tpu.dma_semaphore, #tpu.memory_space<semaphore_mem>>) {add = true}
      %dma_wait3A_1276 = arith.constant 3 : i32
      %dma_wait3A_1277 = arith.constant 0 : i32
      %dma_wait3A_1278 = arith.constant 3 : i32
      %dma_wait3A_1279 = arith.constant 0 : i32
      %dma_wait3A_1280 = arith.constant 0 : i32
      %dma_wait3A_1281 = tpu.memref_slice %arg7[%dma_wait3A_1278, %dma_wait3A_1279, %dma_wait3A_1280] : memref<4x64x128xf32, #tpu.memory_space<vmem>> -> memref<1x64x128xf32, #tpu.memory_space<vmem>>
      %dma_wait3A_1282 = tpu.memref_squeeze %dma_wait3A_1281 : memref<1x64x128xf32, #tpu.memory_space<vmem>> -> memref<64x128xf32, #tpu.memory_space<vmem>>
      %dma_wait3A_1283 = arith.constant 0 : i32
      %dma_wait3A_1284 = tpu.memref_slice %arg6[%dma_wait3A_1276, %dma_wait3A_1277, %dma_wait3A_1283] : memref<4x2x64xi32, #tpu.memory_space<vmem>> -> memref<1x1x64xi32, #tpu.memory_space<vmem>>
      %dma_wait3A_1285 = tpu.memref_squeeze %dma_wait3A_1284 : memref<1x1x64xi32, #tpu.memory_space<vmem>> -> memref<64xi32, #tpu.memory_space<vmem>>
      %dma_wait3A_1286 = arith.constant 0 : i32
      %dma_wait3A_1287 = arith.constant 0 : i32
      %dma_wait3A_1288 = tpu.memref_slice %arg2[%dma_wait3A_1286, %dma_wait3A_1287] : memref<10240x128xf32, #tpu.memory_space<hbm>> -> memref<10240x128xf32, #tpu.memory_space<hbm>>
      tpu.wait_indirect_dma semaphore(%arg11 : memref<!tpu.dma_semaphore, #tpu.memory_space<semaphore_mem>>) src(%dma_wait3A_1288 : memref<10240x128xf32, #tpu.memory_space<hbm>>) dst(%dma_wait3A_1282 : memref<64x128xf32, #tpu.memory_space<vmem>>)
      %dma_start3A_1289 = arith.constant 3 : i32
      %dma_start3A_1290 = arith.constant 3 : i32
      %dma_start3A_1291 = arith.constant 1 : i32
      %dma_start3A_1292 = arith.constant 0 : i32
      %dma_start3A_1293 = arith.constant 0 : i32
      %dma_start3A_1294 = tpu.memref_slice %arg7[%dma_start3A_1289, %dma_start3A_1292, %dma_start3A_1293] : memref<4x64x128xf32, #tpu.memory_space<vmem>> -> memref<1x64x128xf32, #tpu.memory_space<vmem>>
      %dma_start3A_1295 = tpu.memref_squeeze %dma_start3A_1294 : memref<1x64x128xf32, #tpu.memory_space<vmem>> -> memref<64x128xf32, #tpu.memory_space<vmem>>
      %dma_start3A_1296 = arith.constant 0 : i32
      %dma_start3A_1297 = tpu.memref_slice %arg6[%dma_start3A_1290, %dma_start3A_1291, %dma_start3A_1296] : memref<4x2x64xi32, #tpu.memory_space<vmem>> -> memref<1x1x64xi32, #tpu.memory_space<vmem>>
      %dma_start3A_1298 = tpu.memref_squeeze %dma_start3A_1297 : memref<1x1x64xi32, #tpu.memory_space<vmem>> -> memref<64xi32, #tpu.memory_space<vmem>>
      %dma_start3A_1299 = arith.constant 0 : i32
      %dma_start3A_1300 = arith.constant 0 : i32
      %dma_start3A_1301 = tpu.memref_slice %arg16[%dma_start3A_1299, %dma_start3A_1300] : memref<10240x128xf32, #tpu.memory_space<vmem_shared>> -> memref<10240x128xf32, #tpu.memory_space<vmem_shared>>
      tpu.enqueue_indirect_dma source(%dma_start3A_1295 : memref<64x128xf32, #tpu.memory_space<vmem>>) target(%dma_start3A_1301 : memref<10240x128xf32, #tpu.memory_space<vmem_shared>>) offsets(%dma_start3A_1298 : memref<64xi32, #tpu.memory_space<vmem>>) semaphore(%arg15 : memref<!tpu.dma_semaphore, #tpu.memory_space<semaphore_mem>>) {add = true}
      %scan3A_1302 = arith.constant 0 : i32
      scf.yield %scan3A_1302 : i32
    }
    %scan3A_602 = arith.constant 39 : i32
    %dma_wait3A_603 = arith.constant 0 : i32
    %dma_wait3A_604 = arith.constant 0 : i32
    %dma_wait3A_605 = arith.constant 1 : i32
    %dma_wait3A_606 = arith.constant 0 : i32
    %dma_wait3A_607 = arith.constant 0 : i32
    %dma_wait3A_608 = tpu.memref_slice %arg7[%dma_wait3A_603, %dma_wait3A_606, %dma_wait3A_607] : memref<4x64x128xf32, #tpu.memory_space<vmem>> -> memref<1x64x128xf32, #tpu.memory_space<vmem>>
    %dma_wait3A_609 = tpu.memref_squeeze %dma_wait3A_608 : memref<1x64x128xf32, #tpu.memory_space<vmem>> -> memref<64x128xf32, #tpu.memory_space<vmem>>
    %dma_wait3A_610 = arith.constant 0 : i32
    %dma_wait3A_611 = tpu.memref_slice %arg6[%dma_wait3A_604, %dma_wait3A_605, %dma_wait3A_610] : memref<4x2x64xi32, #tpu.memory_space<vmem>> -> memref<1x1x64xi32, #tpu.memory_space<vmem>>
    %dma_wait3A_612 = tpu.memref_squeeze %dma_wait3A_611 : memref<1x1x64xi32, #tpu.memory_space<vmem>> -> memref<64xi32, #tpu.memory_space<vmem>>
    %dma_wait3A_613 = arith.constant 0 : i32
    %dma_wait3A_614 = arith.constant 0 : i32
    %dma_wait3A_615 = tpu.memref_slice %arg16[%dma_wait3A_613, %dma_wait3A_614] : memref<10240x128xf32, #tpu.memory_space<vmem_shared>> -> memref<10240x128xf32, #tpu.memory_space<vmem_shared>>
    tpu.wait_indirect_dma semaphore(%arg12 : memref<!tpu.dma_semaphore, #tpu.memory_space<semaphore_mem>>) src(%dma_wait3A_609 : memref<64x128xf32, #tpu.memory_space<vmem>>) dst(%dma_wait3A_615 : memref<10240x128xf32, #tpu.memory_space<vmem_shared>>)
    %dma_wait3A_616 = arith.constant 1 : i32
    %dma_wait3A_617 = arith.constant 1 : i32
    %dma_wait3A_618 = arith.constant 1 : i32
    %dma_wait3A_619 = arith.constant 0 : i32
    %dma_wait3A_620 = arith.constant 0 : i32
    %dma_wait3A_621 = tpu.memref_slice %arg7[%dma_wait3A_616, %dma_wait3A_619, %dma_wait3A_620] : memref<4x64x128xf32, #tpu.memory_space<vmem>> -> memref<1x64x128xf32, #tpu.memory_space<vmem>>
    %dma_wait3A_622 = tpu.memref_squeeze %dma_wait3A_621 : memref<1x64x128xf32, #tpu.memory_space<vmem>> -> memref<64x128xf32, #tpu.memory_space<vmem>>
    %dma_wait3A_623 = arith.constant 0 : i32
    %dma_wait3A_624 = tpu.memref_slice %arg6[%dma_wait3A_617, %dma_wait3A_618, %dma_wait3A_623] : memref<4x2x64xi32, #tpu.memory_space<vmem>> -> memref<1x1x64xi32, #tpu.memory_space<vmem>>
    %dma_wait3A_625 = tpu.memref_squeeze %dma_wait3A_624 : memref<1x1x64xi32, #tpu.memory_space<vmem>> -> memref<64xi32, #tpu.memory_space<vmem>>
    %dma_wait3A_626 = arith.constant 0 : i32
    %dma_wait3A_627 = arith.constant 0 : i32
    %dma_wait3A_628 = tpu.memref_slice %arg16[%dma_wait3A_626, %dma_wait3A_627] : memref<10240x128xf32, #tpu.memory_space<vmem_shared>> -> memref<10240x128xf32, #tpu.memory_space<vmem_shared>>
    tpu.wait_indirect_dma semaphore(%arg13 : memref<!tpu.dma_semaphore, #tpu.memory_space<semaphore_mem>>) src(%dma_wait3A_622 : memref<64x128xf32, #tpu.memory_space<vmem>>) dst(%dma_wait3A_628 : memref<10240x128xf32, #tpu.memory_space<vmem_shared>>)
    %dma_wait3A_629 = arith.constant 2 : i32
    %dma_wait3A_630 = arith.constant 2 : i32
    %dma_wait3A_631 = arith.constant 1 : i32
    %dma_wait3A_632 = arith.constant 0 : i32
    %dma_wait3A_633 = arith.constant 0 : i32
    %dma_wait3A_634 = tpu.memref_slice %arg7[%dma_wait3A_629, %dma_wait3A_632, %dma_wait3A_633] : memref<4x64x128xf32, #tpu.memory_space<vmem>> -> memref<1x64x128xf32, #tpu.memory_space<vmem>>
    %dma_wait3A_635 = tpu.memref_squeeze %dma_wait3A_634 : memref<1x64x128xf32, #tpu.memory_space<vmem>> -> memref<64x128xf32, #tpu.memory_space<vmem>>
    %dma_wait3A_636 = arith.constant 0 : i32
    %dma_wait3A_637 = tpu.memref_slice %arg6[%dma_wait3A_630, %dma_wait3A_631, %dma_wait3A_636] : memref<4x2x64xi32, #tpu.memory_space<vmem>> -> memref<1x1x64xi32, #tpu.memory_space<vmem>>
    %dma_wait3A_638 = tpu.memref_squeeze %dma_wait3A_637 : memref<1x1x64xi32, #tpu.memory_space<vmem>> -> memref<64xi32, #tpu.memory_space<vmem>>
    %dma_wait3A_639 = arith.constant 0 : i32
    %dma_wait3A_640 = arith.constant 0 : i32
    %dma_wait3A_641 = tpu.memref_slice %arg16[%dma_wait3A_639, %dma_wait3A_640] : memref<10240x128xf32, #tpu.memory_space<vmem_shared>> -> memref<10240x128xf32, #tpu.memory_space<vmem_shared>>
    tpu.wait_indirect_dma semaphore(%arg14 : memref<!tpu.dma_semaphore, #tpu.memory_space<semaphore_mem>>) src(%dma_wait3A_635 : memref<64x128xf32, #tpu.memory_space<vmem>>) dst(%dma_wait3A_641 : memref<10240x128xf32, #tpu.memory_space<vmem_shared>>)
    %dma_wait3A_642 = arith.constant 3 : i32
    %dma_wait3A_643 = arith.constant 3 : i32
    %dma_wait3A_644 = arith.constant 1 : i32
    %dma_wait3A_645 = arith.constant 0 : i32
    %dma_wait3A_646 = arith.constant 0 : i32
    %dma_wait3A_647 = tpu.memref_slice %arg7[%dma_wait3A_642, %dma_wait3A_645, %dma_wait3A_646] : memref<4x64x128xf32, #tpu.memory_space<vmem>> -> memref<1x64x128xf32, #tpu.memory_space<vmem>>
    %dma_wait3A_648 = tpu.memref_squeeze %dma_wait3A_647 : memref<1x64x128xf32, #tpu.memory_space<vmem>> -> memref<64x128xf32, #tpu.memory_space<vmem>>
    %dma_wait3A_649 = arith.constant 0 : i32
    %dma_wait3A_650 = tpu.memref_slice %arg6[%dma_wait3A_643, %dma_wait3A_644, %dma_wait3A_649] : memref<4x2x64xi32, #tpu.memory_space<vmem>> -> memref<1x1x64xi32, #tpu.memory_space<vmem>>
    %dma_wait3A_651 = tpu.memref_squeeze %dma_wait3A_650 : memref<1x1x64xi32, #tpu.memory_space<vmem>> -> memref<64xi32, #tpu.memory_space<vmem>>
    %dma_wait3A_652 = arith.constant 0 : i32
    %dma_wait3A_653 = arith.constant 0 : i32
    %dma_wait3A_654 = tpu.memref_slice %arg16[%dma_wait3A_652, %dma_wait3A_653] : memref<10240x128xf32, #tpu.memory_space<vmem_shared>> -> memref<10240x128xf32, #tpu.memory_space<vmem_shared>>
    tpu.wait_indirect_dma semaphore(%arg15 : memref<!tpu.dma_semaphore, #tpu.memory_space<semaphore_mem>>) src(%dma_wait3A_648 : memref<64x128xf32, #tpu.memory_space<vmem>>) dst(%dma_wait3A_654 : memref<10240x128xf32, #tpu.memory_space<vmem_shared>>)
    %barrier3A_655 = arith.constant 0 : index
    tpu.barrier barrier_id(%barrier3A_655)
    %mul3A_656 = arith.constant 640 : i32
    %mul3A_657 = arith.muli %arg1, %mul3A_656 : i32
    %mul3A_658 = arith.constant 640 : i32
    %mul3A_659 = arith.muli %arg1, %mul3A_658 : i32
    "tpu.region"() ({
      %run_scoped3A = tpu.sem_alloc : memref<!tpu.dma_semaphore, #tpu.memory_space<semaphore_mem>>
      %dma_start3A_660 = arith.constant 0 : i32
      %dma_start3A_661 = tpu.memref_slice %arg4[%arg0, %mul3A_659, %dma_start3A_660] : memref<2x10240x128xf32, #tpu.memory_space<hbm>> -> memref<1x640x128xf32, #tpu.memory_space<hbm>>
      %dma_start3A_662 = tpu.memref_squeeze %dma_start3A_661 : memref<1x640x128xf32, #tpu.memory_space<hbm>> -> memref<640x128xf32, #tpu.memory_space<hbm>>
      %dma_start3A_663 = arith.constant 0 : i32
      %dma_start3A_664 = tpu.memref_slice %arg16[%mul3A_657, %dma_start3A_663] : memref<10240x128xf32, #tpu.memory_space<vmem_shared>> -> memref<640x128xf32, #tpu.memory_space<vmem_shared>>
      tpu.enqueue_dma source(%dma_start3A_664 : memref<640x128xf32, #tpu.memory_space<vmem_shared>>) target(%dma_start3A_662 : memref<640x128xf32, #tpu.memory_space<hbm>>) target_semaphore(%run_scoped3A : memref<!tpu.dma_semaphore, #tpu.memory_space<semaphore_mem>>)
      %dma_wait3A_665 = arith.constant 0 : i32
      %dma_wait3A_666 = tpu.memref_slice %arg4[%arg0, %mul3A_659, %dma_wait3A_665] : memref<2x10240x128xf32, #tpu.memory_space<hbm>> -> memref<1x640x128xf32, #tpu.memory_space<hbm>>
      %dma_wait3A_667 = tpu.memref_squeeze %dma_wait3A_666 : memref<1x640x128xf32, #tpu.memory_space<hbm>> -> memref<640x128xf32, #tpu.memory_space<hbm>>
      %dma_wait3A_668 = arith.constant 0 : i32
      %dma_wait3A_669 = tpu.memref_slice %arg16[%mul3A_657, %dma_wait3A_668] : memref<10240x128xf32, #tpu.memory_space<vmem_shared>> -> memref<640x128xf32, #tpu.memory_space<vmem_shared>>
      tpu.wait_dma2 semaphore(%run_scoped3A : memref<!tpu.dma_semaphore, #tpu.memory_space<semaphore_mem>>) src(%dma_wait3A_669 : memref<640x128xf32, #tpu.memory_space<vmem_shared>>) dst(%dma_wait3A_667 : memref<640x128xf32, #tpu.memory_space<hbm>>)
      tpu.yield
    }) : () -> ()
    return
  }
}

module attributes {stable_mosaic.version = 14 : i64} {
  func.func @_tc_pre_body(%arg0: i32, %arg1: memref<640x128xf32, #tpu.memory_space<vmem>>, %arg2: memref<2x640x1xf32, #tpu.memory_space<vmem>>, %arg3: memref<1x128xf32, #tpu.memory_space<vmem>>, %arg4: memref<1x128xf32, #tpu.memory_space<vmem>>, %arg5: memref<1x128xf32, #tpu.memory_space<vmem>>, %arg6: memref<1x128xf32, #tpu.memory_space<vmem>>, %arg7: memref<128x128xf32, #tpu.memory_space<vmem>>, %arg8: memref<1x128xf32, #tpu.memory_space<vmem>>, %arg9: memref<128x128xf32, #tpu.memory_space<vmem>>, %arg10: memref<1x128xf32, #tpu.memory_space<vmem>>, %arg11: memref<640x128xf32, #tpu.memory_space<vmem>>, %arg12: memref<640x128xf32, #tpu.memory_space<vmem>>, %arg13: memref<640x1xf32, #tpu.memory_space<vmem>>) attributes {dimension_semantics = [#tpu.dimension_semantics<arbitrary>], iteration_bounds = array<i64: 16>, scalar_prefetch = 0 : i64, scratch_operands = 0 : i64, tpu.core_type = #tpu.core_type<tc>, window_params = [{transform_indices = @transform_0, window_bounds = array<i64: 640, 128>}, {transform_indices = @transform_1, window_bounds = array<i64: 2, 640, 1>}, {pipeline_mode = #tpu.pipeline_mode<synchronous>, transform_indices = @transform_2, window_bounds = array<i64: 1, 128>}, {pipeline_mode = #tpu.pipeline_mode<synchronous>, transform_indices = @transform_3, window_bounds = array<i64: 1, 128>}, {pipeline_mode = #tpu.pipeline_mode<synchronous>, transform_indices = @transform_4, window_bounds = array<i64: 1, 128>}, {pipeline_mode = #tpu.pipeline_mode<synchronous>, transform_indices = @transform_5, window_bounds = array<i64: 1, 128>}, {pipeline_mode = #tpu.pipeline_mode<synchronous>, transform_indices = @transform_6, window_bounds = array<i64: 128, 128>}, {pipeline_mode = #tpu.pipeline_mode<synchronous>, transform_indices = @transform_7, window_bounds = array<i64: 1, 128>}, {pipeline_mode = #tpu.pipeline_mode<synchronous>, transform_indices = @transform_8, window_bounds = array<i64: 128, 128>}, {pipeline_mode = #tpu.pipeline_mode<synchronous>, transform_indices = @transform_9, window_bounds = array<i64: 1, 128>}, {transform_indices = @transform_10, window_bounds = array<i64: 640, 128>}, {transform_indices = @transform_11, window_bounds = array<i64: 640, 128>}, {transform_indices = @transform_12, window_bounds = array<i64: 640, 1>}]} {
    %get3A = arith.constant 0 : index
    %get3A_0 = arith.constant 0 : index
    %get3A_1 = vector.load %arg3[%get3A, %get3A_0] : memref<1x128xf32, #tpu.memory_space<vmem>>, vector<1x128xf32>
    %get3A_2 = arith.constant 0 : index
    %get3A_3 = arith.constant 0 : index
    %get3A_4 = vector.load %arg6[%get3A_2, %get3A_3] : memref<1x128xf32, #tpu.memory_space<vmem>>, vector<1x128xf32>
    %add3A = arith.constant 9.99999974E-6 : f32
    %add3A_5 = vector.broadcast %add3A : f32 to vector<1x128xf32>
    %add3A_6 = arith.addf %get3A_4, %add3A_5 : vector<1x128xf32>
    %rsqrt3A = math.rsqrt %add3A_6 : vector<1x128xf32>
    %mul3A = arith.mulf %get3A_1, %rsqrt3A : vector<1x128xf32>
    %get3A_7 = arith.constant 0 : index
    %get3A_8 = arith.constant 0 : index
    %get3A_9 = vector.load %arg1[%get3A_7, %get3A_8] : memref<640x128xf32, #tpu.memory_space<vmem>>, vector<640x128xf32>
    %get3A_10 = arith.constant 0 : index
    %get3A_11 = arith.constant 0 : index
    %get3A_12 = vector.load %arg5[%get3A_10, %get3A_11] : memref<1x128xf32, #tpu.memory_space<vmem>>, vector<1x128xf32>
    %sub3A = vector.broadcast %get3A_12 : vector<1x128xf32> to vector<640x128xf32>
    %sub3A_13 = arith.subf %get3A_9, %sub3A : vector<640x128xf32>
    %mul3A_14 = vector.broadcast %mul3A : vector<1x128xf32> to vector<640x128xf32>
    %mul3A_15 = arith.mulf %sub3A_13, %mul3A_14 : vector<640x128xf32>
    %get3A_16 = arith.constant 0 : index
    %get3A_17 = arith.constant 0 : index
    %get3A_18 = vector.load %arg4[%get3A_16, %get3A_17] : memref<1x128xf32, #tpu.memory_space<vmem>>, vector<1x128xf32>
    %add3A_19 = vector.broadcast %get3A_18 : vector<1x128xf32> to vector<640x128xf32>
    %add3A_20 = arith.addf %mul3A_15, %add3A_19 : vector<640x128xf32>
    %max3A = arith.constant 0.000000e+00 : f32
    %max3A_21 = vector.broadcast %max3A : f32 to vector<640x128xf32>
    %max3A_22 = arith.maximumf %add3A_20, %max3A_21 : vector<640x128xf32>
    %get3A_23 = arith.constant 0 : index
    %get3A_24 = arith.constant 0 : index
    %get3A_25 = vector.load %arg7[%get3A_23, %get3A_24] : memref<128x128xf32, #tpu.memory_space<vmem>>, vector<128x128xf32>
    %dot_general3A = arith.constant dense<0.000000e+00> : vector<640x128xf32>
    %dot_general3A_26 = tpu.matmul %max3A_22, %get3A_25, %dot_general3A {dimension_numbers = #tpu.dot_dimension_numbers<[1], [0], [0], [1], [0, 0, 1, 1], [], []>, transpose_lhs_hint = false} : vector<640x128xf32>, vector<128x128xf32>, vector<640x128xf32> -> vector<640x128xf32>
    %get3A_27 = arith.constant 0 : index
    %get3A_28 = arith.constant 0 : index
    %get3A_29 = arith.constant 0 : index
    %get3A_30 = vector.load %arg2[%get3A_27, %get3A_28, %get3A_29] : memref<2x640x1xf32, #tpu.memory_space<vmem>>, vector<1x640x1xf32>
    %get3A_31 = vector.shape_cast %get3A_30 : vector<1x640x1xf32> to vector<640x1xf32>
    %get3A_32 = arith.constant 1 : index
    %get3A_33 = arith.constant 0 : index
    %get3A_34 = arith.constant 0 : index
    %get3A_35 = vector.load %arg2[%get3A_32, %get3A_33, %get3A_34] : memref<2x640x1xf32, #tpu.memory_space<vmem>>, vector<1x640x1xf32>
    %get3A_36 = vector.shape_cast %get3A_35 : vector<1x640x1xf32> to vector<640x1xf32>
    %add3A_37 = arith.addf %get3A_31, %get3A_36 : vector<640x1xf32>
    %add3A_38 = arith.constant 1.000000e+00 : f32
    %add3A_39 = vector.broadcast %add3A_38 : f32 to vector<640x1xf32>
    %add3A_40 = arith.addf %add3A_37, %add3A_39 : vector<640x1xf32>
    %rsqrt3A_41 = math.rsqrt %add3A_40 : vector<640x1xf32>
    %mul3A_42 = arith.constant 640 : i32
    %mul3A_43 = arith.muli %arg0, %mul3A_42 : i32
    %iota3A = tpu.iota {dimensions = array<i32: 0>} : vector<640x1xi32>
    %add3A_44 = vector.broadcast %mul3A_43 : i32 to vector<640x1xi32>
    %add3A_45 = arith.addi %add3A_44, %iota3A : vector<640x1xi32>
    %lt3A = arith.constant 10000 : i32
    %lt3A_46 = vector.broadcast %lt3A : i32 to vector<640x1xi32>
    %lt3A_47 = arith.cmpi slt, %add3A_45, %lt3A_46 : vector<640x1xi32>
    %mul3A_48 = vector.broadcast %rsqrt3A_41 : vector<640x1xf32> to vector<640x128xf32>
    %mul3A_49 = arith.mulf %dot_general3A_26, %mul3A_48 : vector<640x128xf32>
    %jit3A = arith.constant 0.000000e+00 : f32
    %broadcast_in_dim3A = vector.shape_cast %lt3A_47 : vector<640x1xi1> to vector<640x1xi1>
    %broadcast_in_dim3A_50 = vector.broadcast %broadcast_in_dim3A : vector<640x1xi1> to vector<640x128xi1>
    %broadcast_in_dim3A_51 = vector.broadcast %jit3A : f32 to vector<640x128xf32>
    %select_n3A = arith.select %broadcast_in_dim3A_50, %mul3A_49, %broadcast_in_dim3A_51 : vector<640x128xi1>, vector<640x128xf32>
    %swap3A = arith.constant 0 : index
    %swap3A_52 = arith.constant 0 : index
    %swap3A_53 = vector.load %arg11[%swap3A, %swap3A_52] : memref<640x128xf32, #tpu.memory_space<vmem>>, vector<640x128xf32>
    tpu.vector_store %arg11[%swap3A, %swap3A_52], %select_n3A {strides = array<i32>} : memref<640x128xf32, #tpu.memory_space<vmem>>, vector<640x128xf32>,
    %get3A_54 = arith.constant 0 : index
    %get3A_55 = arith.constant 0 : index
    %get3A_56 = vector.load %arg9[%get3A_54, %get3A_55] : memref<128x128xf32, #tpu.memory_space<vmem>>, vector<128x128xf32>
    %dot_general3A_57 = arith.constant dense<0.000000e+00> : vector<640x128xf32>
    %dot_general3A_58 = tpu.matmul %max3A_22, %get3A_56, %dot_general3A_57 {dimension_numbers = #tpu.dot_dimension_numbers<[1], [0], [0], [1], [0, 0, 1, 1], [], []>, transpose_lhs_hint = false} : vector<640x128xf32>, vector<128x128xf32>, vector<640x128xf32> -> vector<640x128xf32>
    %add3A_59 = arith.addf %max3A_22, %dot_general3A_58 : vector<640x128xf32>
    %get3A_60 = arith.constant 0 : index
    %get3A_61 = arith.constant 0 : index
    %get3A_62 = vector.load %arg10[%get3A_60, %get3A_61] : memref<1x128xf32, #tpu.memory_space<vmem>>, vector<1x128xf32>
    %add3A_63 = vector.broadcast %get3A_62 : vector<1x128xf32> to vector<640x128xf32>
    %add3A_64 = arith.addf %add3A_59, %add3A_63 : vector<640x128xf32>
    %get3A_65 = arith.constant 0 : index
    %get3A_66 = arith.constant 0 : index
    %get3A_67 = vector.load %arg8[%get3A_65, %get3A_66] : memref<1x128xf32, #tpu.memory_space<vmem>>, vector<1x128xf32>
    %add3A_68 = vector.broadcast %get3A_67 : vector<1x128xf32> to vector<640x128xf32>
    %add3A_69 = arith.addf %add3A_64, %add3A_68 : vector<640x128xf32>
    %swap3A_70 = arith.constant 0 : index
    %swap3A_71 = arith.constant 0 : index
    %swap3A_72 = vector.load %arg12[%swap3A_70, %swap3A_71] : memref<640x128xf32, #tpu.memory_space<vmem>>, vector<640x128xf32>
    tpu.vector_store %arg12[%swap3A_70, %swap3A_71], %add3A_69 {strides = array<i32>} : memref<640x128xf32, #tpu.memory_space<vmem>>, vector<640x128xf32>,
    %swap3A_73 = arith.constant 0 : index
    %swap3A_74 = arith.constant 0 : index
    %swap3A_75 = vector.load %arg13[%swap3A_73, %swap3A_74] : memref<640x1xf32, #tpu.memory_space<vmem>>, vector<640x1xf32>
    tpu.vector_store %arg13[%swap3A_73, %swap3A_74], %rsqrt3A_41 {strides = array<i32>} : memref<640x1xf32, #tpu.memory_space<vmem>>, vector<640x1xf32>,
    return
  }
  func.func @transform_0(%arg0: i32) -> (i32, i32) {
    %c0_i32 = arith.constant 0 : i32
    %c0_i32_0 = arith.constant 0 : i32
    return %arg0, %c0_i32 : i32, i32
  }
  func.func @transform_1(%arg0: i32) -> (i32, i32, i32) {
    %c0_i32 = arith.constant 0 : i32
    %c0_i32_0 = arith.constant 0 : i32
    %c0_i32_1 = arith.constant 0 : i32
    return %c0_i32, %arg0, %c0_i32_0 : i32, i32, i32
  }
  func.func @transform_2(%arg0: i32) -> (i32, i32) {
    %c0_i32 = arith.constant 0 : i32
    %c0_i32_0 = arith.constant 0 : i32
    %c0_i32_1 = arith.constant 0 : i32
    return %c0_i32, %c0_i32_0 : i32, i32
  }
  func.func @transform_3(%arg0: i32) -> (i32, i32) {
    %c0_i32 = arith.constant 0 : i32
    %c0_i32_0 = arith.constant 0 : i32
    %c0_i32_1 = arith.constant 0 : i32
    return %c0_i32, %c0_i32_0 : i32, i32
  }
  func.func @transform_4(%arg0: i32) -> (i32, i32) {
    %c0_i32 = arith.constant 0 : i32
    %c0_i32_0 = arith.constant 0 : i32
    %c0_i32_1 = arith.constant 0 : i32
    return %c0_i32, %c0_i32_0 : i32, i32
  }
  func.func @transform_5(%arg0: i32) -> (i32, i32) {
    %c0_i32 = arith.constant 0 : i32
    %c0_i32_0 = arith.constant 0 : i32
    %c0_i32_1 = arith.constant 0 : i32
    return %c0_i32, %c0_i32_0 : i32, i32
  }
  func.func @transform_6(%arg0: i32) -> (i32, i32) {
    %c0_i32 = arith.constant 0 : i32
    %c0_i32_0 = arith.constant 0 : i32
    %c0_i32_1 = arith.constant 0 : i32
    return %c0_i32, %c0_i32_0 : i32, i32
  }
  func.func @transform_7(%arg0: i32) -> (i32, i32) {
    %c0_i32 = arith.constant 0 : i32
    %c0_i32_0 = arith.constant 0 : i32
    %c0_i32_1 = arith.constant 0 : i32
    return %c0_i32, %c0_i32_0 : i32, i32
  }
  func.func @transform_8(%arg0: i32) -> (i32, i32) {
    %c0_i32 = arith.constant 0 : i32
    %c0_i32_0 = arith.constant 0 : i32
    %c0_i32_1 = arith.constant 0 : i32
    return %c0_i32, %c0_i32_0 : i32, i32
  }
  func.func @transform_9(%arg0: i32) -> (i32, i32) {
    %c0_i32 = arith.constant 0 : i32
    %c0_i32_0 = arith.constant 0 : i32
    %c0_i32_1 = arith.constant 0 : i32
    return %c0_i32, %c0_i32_0 : i32, i32
  }
  func.func @transform_10(%arg0: i32) -> (i32, i32) {
    %c0_i32 = arith.constant 0 : i32
    %c0_i32_0 = arith.constant 0 : i32
    return %arg0, %c0_i32 : i32, i32
  }
  func.func @transform_11(%arg0: i32) -> (i32, i32) {
    %c0_i32 = arith.constant 0 : i32
    %c0_i32_0 = arith.constant 0 : i32
    return %arg0, %c0_i32 : i32, i32
  }
  func.func @transform_12(%arg0: i32) -> (i32, i32) {
    %c0_i32 = arith.constant 0 : i32
    %c0_i32_0 = arith.constant 0 : i32
    return %arg0, %c0_i32 : i32, i32
  }
}

module attributes {stable_mosaic.version = 14 : i64} {
  func.func @_tc_post_body(%arg0: i32, %arg1: memref<2x640x128xf32, #tpu.memory_space<vmem>>, %arg2: memref<640x128xf32, #tpu.memory_space<vmem>>, %arg3: memref<640x128xf32, #tpu.memory_space<vmem>>, %arg4: memref<640x1xf32, #tpu.memory_space<vmem>>, %arg5: memref<128x128xf32, #tpu.memory_space<vmem>>, %arg6: memref<1x128xf32, #tpu.memory_space<vmem>>, %arg7: memref<640x128xf32, #tpu.memory_space<vmem>>) attributes {dimension_semantics = [#tpu.dimension_semantics<arbitrary>], iteration_bounds = array<i64: 16>, scalar_prefetch = 0 : i64, scratch_operands = 0 : i64, tpu.core_type = #tpu.core_type<tc>, window_params = [{transform_indices = @transform_0, window_bounds = array<i64: 2, 640, 128>}, {transform_indices = @transform_1, window_bounds = array<i64: 640, 128>}, {transform_indices = @transform_2, window_bounds = array<i64: 640, 128>}, {transform_indices = @transform_3, window_bounds = array<i64: 640, 1>}, {pipeline_mode = #tpu.pipeline_mode<synchronous>, transform_indices = @transform_4, window_bounds = array<i64: 128, 128>}, {pipeline_mode = #tpu.pipeline_mode<synchronous>, transform_indices = @transform_5, window_bounds = array<i64: 1, 128>}, {transform_indices = @transform_6, window_bounds = array<i64: 640, 128>}]} {
    %get3A = arith.constant 0 : index
    %get3A_0 = arith.constant 0 : index
    %get3A_1 = arith.constant 0 : index
    %get3A_2 = vector.load %arg1[%get3A, %get3A_0, %get3A_1] : memref<2x640x128xf32, #tpu.memory_space<vmem>>, vector<1x640x128xf32>
    %get3A_3 = vector.shape_cast %get3A_2 : vector<1x640x128xf32> to vector<640x128xf32>
    %get3A_4 = arith.constant 1 : index
    %get3A_5 = arith.constant 0 : index
    %get3A_6 = arith.constant 0 : index
    %get3A_7 = vector.load %arg1[%get3A_4, %get3A_5, %get3A_6] : memref<2x640x128xf32, #tpu.memory_space<vmem>>, vector<1x640x128xf32>
    %get3A_8 = vector.shape_cast %get3A_7 : vector<1x640x128xf32> to vector<640x128xf32>
    %add3A = arith.addf %get3A_3, %get3A_8 : vector<640x128xf32>
    %get3A_9 = arith.constant 0 : index
    %get3A_10 = arith.constant 0 : index
    %get3A_11 = vector.load %arg2[%get3A_9, %get3A_10] : memref<640x128xf32, #tpu.memory_space<vmem>>, vector<640x128xf32>
    %add3A_12 = arith.addf %add3A, %get3A_11 : vector<640x128xf32>
    %get3A_13 = arith.constant 0 : index
    %get3A_14 = arith.constant 0 : index
    %get3A_15 = vector.load %arg4[%get3A_13, %get3A_14] : memref<640x1xf32, #tpu.memory_space<vmem>>, vector<640x1xf32>
    %mul3A = vector.broadcast %get3A_15 : vector<640x1xf32> to vector<640x128xf32>
    %mul3A_16 = arith.mulf %mul3A, %add3A_12 : vector<640x128xf32>
    %get3A_17 = arith.constant 0 : index
    %get3A_18 = arith.constant 0 : index
    %get3A_19 = vector.load %arg3[%get3A_17, %get3A_18] : memref<640x128xf32, #tpu.memory_space<vmem>>, vector<640x128xf32>
    %add3A_20 = arith.addf %mul3A_16, %get3A_19 : vector<640x128xf32>
    %max3A = arith.constant 0.000000e+00 : f32
    %max3A_21 = vector.broadcast %max3A : f32 to vector<640x128xf32>
    %max3A_22 = arith.maximumf %add3A_20, %max3A_21 : vector<640x128xf32>
    %get3A_23 = arith.constant 0 : index
    %get3A_24 = arith.constant 0 : index
    %get3A_25 = vector.load %arg5[%get3A_23, %get3A_24] : memref<128x128xf32, #tpu.memory_space<vmem>>, vector<128x128xf32>
    %dot_general3A = arith.constant dense<0.000000e+00> : vector<640x128xf32>
    %dot_general3A_26 = tpu.matmul %max3A_22, %get3A_25, %dot_general3A {dimension_numbers = #tpu.dot_dimension_numbers<[1], [0], [0], [1], [0, 0, 1, 1], [], []>, transpose_lhs_hint = false} : vector<640x128xf32>, vector<128x128xf32>, vector<640x128xf32> -> vector<640x128xf32>
    %get3A_27 = arith.constant 0 : index
    %get3A_28 = arith.constant 0 : index
    %get3A_29 = vector.load %arg6[%get3A_27, %get3A_28] : memref<1x128xf32, #tpu.memory_space<vmem>>, vector<1x128xf32>
    %add3A_30 = vector.broadcast %get3A_29 : vector<1x128xf32> to vector<640x128xf32>
    %add3A_31 = arith.addf %dot_general3A_26, %add3A_30 : vector<640x128xf32>
    %swap3A = arith.constant 0 : index
    %swap3A_32 = arith.constant 0 : index
    %swap3A_33 = vector.load %arg7[%swap3A, %swap3A_32] : memref<640x128xf32, #tpu.memory_space<vmem>>, vector<640x128xf32>
    tpu.vector_store %arg7[%swap3A, %swap3A_32], %add3A_31 {strides = array<i32>} : memref<640x128xf32, #tpu.memory_space<vmem>>, vector<640x128xf32>,
    return
  }
  func.func @transform_0(%arg0: i32) -> (i32, i32, i32) {
    %c0_i32 = arith.constant 0 : i32
    %c0_i32_0 = arith.constant 0 : i32
    %c0_i32_1 = arith.constant 0 : i32
    return %c0_i32, %arg0, %c0_i32_0 : i32, i32, i32
  }
  func.func @transform_1(%arg0: i32) -> (i32, i32) {
    %c0_i32 = arith.constant 0 : i32
    %c0_i32_0 = arith.constant 0 : i32
    return %arg0, %c0_i32 : i32, i32
  }
  func.func @transform_2(%arg0: i32) -> (i32, i32) {
    %c0_i32 = arith.constant 0 : i32
    %c0_i32_0 = arith.constant 0 : i32
    return %arg0, %c0_i32 : i32, i32
  }
  func.func @transform_3(%arg0: i32) -> (i32, i32) {
    %c0_i32 = arith.constant 0 : i32
    %c0_i32_0 = arith.constant 0 : i32
    return %arg0, %c0_i32 : i32, i32
  }
  func.func @transform_4(%arg0: i32) -> (i32, i32) {
    %c0_i32 = arith.constant 0 : i32
    %c0_i32_0 = arith.constant 0 : i32
    %c0_i32_1 = arith.constant 0 : i32
    return %c0_i32, %c0_i32_0 : i32, i32
  }
  func.func @transform_5(%arg0: i32) -> (i32, i32) {
    %c0_i32 = arith.constant 0 : i32
    %c0_i32_0 = arith.constant 0 : i32
    %c0_i32_1 = arith.constant 0 : i32
    return %c0_i32, %c0_i32_0 : i32, i32
  }
  func.func @transform_6(%arg0: i32) -> (i32, i32) {
    %c0_i32 = arith.constant 0 : i32
    %c0_i32_0 = arith.constant 0 : i32
    return %arg0, %c0_i32 : i32, i32
  }
}

</mosaic_0001>

<sc_bundles>
// kernel: kernel.6.cloned.1.call-start
scs
__scs_entry_jumppad:
0x0: {  	(pc) =	sbr.rel $0x88, $3  }
0x1: {  	(tag) =	ssettag $0x0;
	lr =	simm.s32 $0x1  }
0x2: {  	[smem:$0x3F95] =	sst lr;
	_ =	strace $0xD0000000  }
0x3: {  	_ = 	snop  }
0x4: {  	_ = 	snop  }
0x5: {  	_ = 	snop  }
0x6: {  	_ = 	snop  }
0x7: {  	_ = 	snop  }
__scs_overlays_trampoline_lowered:
0x8: {  	[smem:$0x3FA4] =	sst s0  }
0x9: {  	[smem:$0x3FA5] =	sst s1  }
0xa: {  	[smem:$0x3FA6] =	sst s2  }
0xb: {  	[smem:$0x3FA7] =	sst s3  }
0xc: {  	[smem:$0x3FA8] =	sst s4  }
0xd: {  	[smem:$0x3FA9] =	sst s5  }
0xe: {  	[smem:$0x3FAA] =	sst s6  }
0xf: {  	[smem:$0x3FAB] =	sst s7  }
0x10: {  	[smem:$0x3FAC] =	sst s8  }
0x11: {  	[smem:$0x3FAD] =	sst s9;
	s0 =	simm.s32 @!p0 $0x0  }
0x12: {  	s1 =	sld [smem:$0x3F93];
	s0 =	simm.s32 @p0 $0x1  }
0x13: {  	[smem:$0x3FAE] =	sst s0;
	s0 =	simm.s32 @!p1 $0x0  }
0x14: {  	s2 =	sld [smem:$0x3F92];
	s0 =	simm.s32 @p1 $0x1  }
0x15: {  	[smem:$0x3FAF] =	sst s0;
	s0 =	simm.s32 @!p2 $0x0  }
0x16: {  	s3 =	sld [smem:$0x3FDB];
	s0 =	simm.s32 @p2 $0x1  }
0x17: {  	s4 =	simm.s32 $0x1BF5;
	[smem:$0x3FB1] =	sst s0  }
0x18: {  	s0 =	sld [smem:$0x3F94];
	_ =	swait.ge [sflag:s4], $0x0  }
0x19: {  	s7 =	sld [smem:$0x3F95]  }
0x1a: {  	s8 =	sadd.s32 $0xFFFFE003, lr  }
0x1b: {  	s9 =	sadd.s32 $0xFFFFFEF7, lr;
	s5 =	simm.s32 $0xFFFFFFFF;
	p2 =	slt.u32 s8, $0xFFFFF086  }
0x1c: {  	p1 =	slt.u32 s9, $0xF7A;
	s5 =	simm.s32 @!p2 $0x0  }
0x1d: {  	s5 =	simm.s32 @p1 $0x1;
	p0 =	seq.s32 s7, s2  }
0x1e: {  	s7 =	smul.u32 @!p0 $0xF7A, s2;
	p2 =	seq.s32 @!p0 s5, $0x0  }
0x1f: {  	s9 =	smul.u32 $0xF7A, s1;
	s8 =	simm.s32 @!p0 $0x1BF5;
	p2 =	por !p2, p0  }
0x20: {  	[sflag:s8] =	ssyncset.s32 @!p0 $0xFFFFF086;
	s6 =	sadd.s32 @!p0 s3, s7;
	s7 =	simm.s32 @!p0 $0x108  }
0x21: {  	s3 =	sadd.s32 s3, s9;
	s6 =	sadd.s32 @!p0 $0x88, s6;
	s7 =	simm.s32 @p2 $0x1082  }
0x22: {  	[simem:s7], [sflag:s8] =	dma.local @!p0 [hbm:s6], $0xF7A  }
0x23: {  	s9 =	sor.u32 $0xD0000000, s2;
	s6 =	simm.s32 $0x108;
	_ =	swait.ge @!p0 [sflag:s8], $0x0  }
0x24: {  	s3 =	sadd.s32 $0x88, s3;
	s6 =	simm.s32 @!p1 $0x1082;
	[sflag:s4] =	ssyncset.s32 $0xFFFFF086  }
0x25: {  	[simem:s6], [sflag:s4] =	dma.local [hbm:s3], $0xF7A  }
0x26: {  	[smem:$0x3F95] =	sst s1;
	(tag) =	ssettag s2;
	_ =	strace s9  }
0x27: {  	s1 =	sld [smem:$0x3FA5]  }
0x28: {  	s2 =	sld [smem:$0x3FA6]  }
0x29: {  	s4 =	sld [smem:$0x3FA8]  }
0x2a: {  	p0 =	seq.s32 s5, $0x0;
	s5 =	sld [smem:$0x3FA9]  }
0x2b: {  	s6 =	sld [smem:$0x3FAA]  }
0x2c: {  	s7 =	sld [smem:$0x3FAB]  }
0x2d: {  	s3 =	simm.s32 $0x108;
	s8 =	sld [smem:$0x3FAC]  }
0x2e: {  	s3 =	simm.s32 @!p0 $0x1082;
	s9 =	sld [smem:$0x3FAD]  }
0x2f: {  	lr =	sadd.s32 s0, s3;
	s0 =	sld [smem:$0x3FA4]  }
0x30: {  	s3 =	sld [smem:$0x3FA7]  }
0x31: {  	[smem:$0x3FB0] =	sst s10  }
0x32: {  	s10 =	sld [smem:$0x3FAE];
	_ =	sdelay $0x3  }
0x33: {  	p0 =	seq.s32 s10, $0x1;
	s10 =	sld [smem:$0x3FB0];
	_ =	sdelay $0x3  }
0x34: {  	[smem:$0x3FB0] =	sst s10  }
0x35: {  	s10 =	sld [smem:$0x3FAF];
	_ =	sdelay $0x3  }
0x36: {  	p1 =	seq.s32 s10, $0x1;
	s10 =	sld [smem:$0x3FB0];
	_ =	sdelay $0x3  }
0x37: {  	[smem:$0x3FB0] =	sst s10  }
0x38: {  	s10 =	sld [smem:$0x3FB1]  }
0x39: {  	_ = 	snop;
	(pc) =	sbr.ind lr, $3  }
0x3a: {  	_ = 	snop  }
0x3b: {  	_ = 	snop  }
0x3c: {  	p2 =	seq.s32 s10, $0x1;
	s10 =	sld [smem:$0x3FB0]  }
0x3d: {  	_ =	shalt  }
0x3e: {  	_ =	shalt  }
0x3f: {  	_ =	shalt  }
0x40: {  	_ =	shalt  }
0x41: {  	_ =	shalt  }
0x42: {  	_ =	shalt  }
0x43: {  	_ =	shalt  }
0x44: {  	_ =	shalt  }
0x45: {  	_ =	shalt  }
0x46: {  	_ =	shalt  }
0x47: {  	_ =	shalt  }
0x48: {  	_ =	shalt  }
0x49: {  	_ =	shalt  }
0x4a: {  	_ =	shalt  }
0x4b: {  	_ =	shalt  }
0x4c: {  	_ =	shalt  }
0x4d: {  	_ =	shalt  }
0x4e: {  	_ =	shalt  }
0x4f: {  	_ =	shalt  }
0x50: {  	_ =	shalt  }
0x51: {  	_ =	shalt  }
0x52: {  	_ =	shalt  }
0x53: {  	_ =	shalt  }
0x54: {  	_ =	shalt  }
0x55: {  	_ =	shalt  }
0x56: {  	_ =	shalt  }
0x57: {  	_ =	shalt  }
0x58: {  	_ =	shalt  }
0x59: {  	_ =	shalt  }
0x5a: {  	_ =	shalt  }
0x5b: {  	_ =	shalt  }
0x5c: {  	_ =	shalt  }
0x5d: {  	_ =	shalt  }
0x5e: {  	_ =	shalt  }
0x5f: {  	_ =	shalt  }
0x60: {  	_ =	shalt  }
0x61: {  	_ =	shalt  }
0x62: {  	_ =	shalt  }
0x63: {  	_ =	shalt  }
0x64: {  	_ =	shalt  }
0x65: {  	_ =	shalt  }
0x66: {  	_ =	shalt  }
0x67: {  	_ =	shalt  }
0x68: {  	_ =	shalt  }
0x69: {  	_ =	shalt  }
0x6a: {  	_ =	shalt  }
0x6b: {  	_ =	shalt  }
0x6c: {  	_ =	shalt  }
0x6d: {  	_ =	shalt  }
0x6e: {  	_ =	shalt  }
0x6f: {  	_ =	shalt  }
0x70: {  	_ =	shalt  }
0x71: {  	_ =	shalt  }
0x72: {  	_ =	shalt  }
0x73: {  	_ =	shalt  }
0x74: {  	_ =	shalt  }
0x75: {  	_ =	shalt  }
0x76: {  	_ =	shalt  }
0x77: {  	_ =	shalt  }
0x78: {  	_ =	shalt  }
0x79: {  	_ =	shalt  }
0x7a: {  	_ =	shalt  }
0x7b: {  	_ =	shalt  }
0x7c: {  	_ =	shalt  }
0x7d: {  	_ =	shalt  }
0x7e: {  	_ =	shalt  }
0x7f: {  	_ =	shalt  }
0x80: {  	_ =	shalt  }
0x81: {  	_ =	shalt  }
0x82: {  	_ =	shalt  }
0x83: {  	_ =	shalt  }
0x84: {  	_ =	shalt  }
0x85: {  	_ =	shalt  }
0x86: {  	_ =	shalt  }
0x87: {  	_ =	shalt  }
.Lfunc_end0:
.L_simem_size_0:
called_computation_lowered:
.L_overlay_start_0:
0x88: {  	s2 =	sld [smem:$0x3FD9]  }
0x89: {  	s3 =	sld [smem:$0x3FFE];
	_ =	sdelay $0x1  }
0x8a: {  	s1 =	srdreg.scid  }
0x8b: {  	s0 =	sand.u32 $0x1, s1  }
0x8c: {  	s17 =	sshll.u32 s0, $0xA;
	s2 =	sadd.s32 s3, s2  }
0x8d: {  	s2 =	sadd.s32 s2, s17  }
0x8e: {  	[smem:$0x3FBC] =	sst s2  }
0x8f: {  	_ = 	snop  }
0x90: {  	s2 =	sld [smem:$0x3FD0];
	(tm) =	ssettm $0x1  }
0x91: {  	s18 =	sld [smem:$0x3FFB];
	_ =	sdelay $0x3  }
0x92: {  	_ =	strace s18  }
0x93: {  	s3 =	sld [smem:$0x3FFC];
	_ =	sdelay $0x3  }
0x94: {  	_ =	strace s3  }
0x95: {  	s3 =	sld [smem:$0x3FFD];
	_ =	sdelay $0x3  }
0x96: {  	_ =	strace s3  }
0x97: {  	_ =	strace $0x8FFFFFFF  }
0x98: {  	s19 =	sld [smem:$0x3FDB];
	_ =	sdelay $0x1  }
0x99: {  	s4 =	simm.s32 $_scs_section_size  }
0x9a: {  	s5 =	simm.s32 $_size__tile_overlayer_lowered;
	s6 =	simm.s32 $_tile_overlayer_lowered  }
0x9b: {  	s22 =	simm.s32 $0x1BFF;
	s21 =	sshll.u32 s6, $0x1;
	s3 =	sadd.s32 s4, s19  }
0x9c: {  	s7 =	simm.s32 $0x0;
	s20 =	sshll.u32 s5, $0x1;
	s5 =	sadd.s32 s21, s3  }
0x9d: {  	[timem:s7], [sflag:s22] =	dma.local [hbm:s5], s20  }
0x9e: {  	_ =	swait.ge [sflag:s22], s20  }
0x9f: {  	s4 =	ssub.s32 $0x0, s20;
	[sflag:s22] =	ssyncset.done $0x0  }
0xa0: {  	[sflag:s22] =	ssyncadd.s32 s4;
	_ =	sdelay $0x1  }
0xa1: {  	s23 =	simm.s32 $0x1B8B  }
0xa2: {  	_ =	swait.ge [sflag:s23], $0x1  }
0xa3: {  	[sflag:s23] =	ssyncset.done $0x0  }
0xa4: {  	s25 =	simm.s32 $0x1B8E;
	s24 =	sld [smem:$0x3FFE];
	[sflag:s23] =	ssyncadd.s32 $0xFFFFFFFF  }
0xa5: {  	s26 =	simm.s32 $execute0_lowered;
	[smem:$0x3FD2] =	sst s25  }
0xa6: {  	s5 =	sshll.u32 s26, $0x1;
	_ =	strace $0x80000046;
	[dreg:$0x1] =	wrdreg $0xFFFFFFFF  }
0xa7: {  	s28 =	simm.s32 $_size_execute0_lowered;
	s3 =	sadd.s32 s3, s5;
	[dreg:$0x0] =	wrdreg $0x0  }
0xa8: {  	s5 =	sshll.u32 s28, $0x1;
	[dreg:$0x2] =	wrdreg s3  }
0xa9: {  	[dreg:$0x3] =	wrdreg s5  }
0xaa: {  	[dreg:$0x4] =	wrdreg $0xC0  }
0xab: {  	_ =	task [dreg:s7], $0x5FFFF  }
0xac: {  	[dreg:$0x1] =	wrdreg $0xFFFFFFFF  }
0xad: {  	[dreg:$0x0] =	wrdreg $0x60  }
0xae: {  	[dreg:$0x2] =	wrdreg s2  }
0xaf: {  	[dreg:$0x3] =	wrdreg s24  }
0xb0: {  	[dreg:$0x4] =	wrdreg $0x53000  }
0xb1: {  	[dreg:$0x5] =	wrdreg $0x9  }
0xb2: {  	_ =	task.clear_ibuf [dreg:s7], $0x6FFFF;
	_ =	strace $0x90000046  }
0xb3: {  	s29 =	simm.s32 $0x9;
	_ =	strace $0x80000048  }
0xb4: {  	_ =	swait.ge [sflag:s29], $0x1  }
0xb5: {  	[sflag:s29] =	ssyncadd.s32 $0xFFFFFFFF  }
0xb6: {  	_ =	strace $0x90000048  }
0xb7: {  	_ =	sfence  }
0xb8: {  	s30 =	sld [smem:$0x0];
	_ =	sdelay $0x2  }
0xb9: {  	s31 =	sshll.u32 s1, $0xD;
	s1 =	sshrl.u32 s1, $0x2  }
0xba: {  	s3 =	sand.u32 $0x4000, s31;
	s1 =	sadd.s32 s1, s30  }
0xbb: {  	s0 =	sor.u32 s3, s0;
	s1 =	sshll.u32 s1, $0x11  }
0xbc: {  	s0 =	sor.u32 s1, s0  }
0xbd: {  	s0 =	sadd.s32 $0x8F2B, s0  }
0xbe: {  	[sflag:s0] =	ssyncadd.remote.s32 $0x1  }
0xbf: {  	_ =	sfence.sel $0xFFFF  }
0xc0: {  	[dreg:$0x0] =	wrdreg $0xFFFFFFFF;
	(pc) =	sbr.abs _section_cstart, $3  }
0xc1: {  	[dreg:$0x1] =	wrdreg $0xFFFFFFFF  }
0xc2: {  	_ =	task.clear_ibuf [dreg:s7], $0x2FFFF;
	_ =	strace $0x9FFFFFFF  }
0xc3: {  	(tm) =	ssettm $0x7FFFFFFF  }
tec
execute0_lowered:
.L_overlay_start_1:
0x0: {  	(tag) =	ssettag $0x1  }
0x1: {  	s5 =	rddreg [dreg:$0x0]  }
0x2: {  	s4 =	rddreg [dreg:$0x1]  }
0x3: {  	s2 =	rddreg [dreg:$0x2]  }
0x4: {  	s0 =	rddreg [dreg:$0x3];
	s6 =	srdreg.scid  }
0x5: {  	s1 =	stileid.u32;
	s3 =	simm.s32 $0x0;
	s11 =	simm.s32 $0x5000  }
0x6: {  	s12 =	simm.s32 $0x1;
	s15 =	simm.s32 $0x20;
	s16 =	simm.s32 $0x10  }
0x7: {  	s17 =	simm.s32 $0x0;
	s6 =	sand.u32 $0x1, s6;
	s7 =	smul.u32 $0x500, s1  }
0x8: {  	[smem:$0x7FF] =	sst s3;
	s29 =	sshll.u32 s1, $0x1;
	s30 =	smul.u32 $0xA00, s1  }
0x9: {  	s13 =	sshll.u32 s1, $0x6;
	s8 =	sshll.u32 s6, $0x7;
	_ =	strace $0x80000047  }
0xa: {  	s9 =	ssub.s32 $0x2, s6;
	s6 =	sor.u32 s6, s29;
	s13 =	sor.u32 $0x1C02, s13  }
0xb: {  	s7 =	sor.u32 s8, s7;
	s10 =	sshrl.u32 s9, $0x1;
	s6 =	smul.u32 $0xA00, s6  }
0xc: {  	s31 =	sshrl.u32 s30, $0x2;
	s8 =	simm.s32 $0x5080;
	s7 =	sshrl.u32 s7, $0x3  }
0xd: {  	s9 =	ssub.s32 s9, s10;
	s10 =	simm.s32 $0x40;
	s7 =	sadd.s32 s7, s4  }
0xe: {  	s4 =	sadd.s32 s31, s2;
	s5 =	sadd.s32 s5, s6;
	s6 =	sadd.s32 $0x2A00, s7  }
0xf: {  	v0 =	vimm.f32 $0.0e+00;
	v1 =	vimm.f32 $1.000000000e+00;
	s7 =	smax.u32 s9, $0x1;
	s9 =	simm.s32 $0x2;
	s14 =	sshrl.u32 s4, $0x3  }
.LBB2_1:
0x10: {  	[tilespmem:$0x5080] =	vst v0  }
0x11: {  	[tilespmem:$0x5090] =	vst v0  }
0x12: {  	[tilespmem:$0x50A0] =	vst v0  }
0x13: {  	[tilespmem:$0x50B0] =	vst v0  }
0x14: {  	[tilespmem:$0x50C0] =	vst v0  }
0x15: {  	[tilespmem:$0x50D0] =	vst v0  }
0x16: {  	[tilespmem:$0x50E0] =	vst v0  }
0x17: {  	[tilespmem:$0x50F0] =	vst v0  }
0x18: {  	[tilespmem:$0x5100] =	vst v0  }
0x19: {  	[tilespmem:$0x5110] =	vst v0  }
0x1a: {  	[tilespmem:$0x5120] =	vst v0  }
0x1b: {  	[tilespmem:$0x5130] =	vst v0  }
0x1c: {  	[tilespmem:$0x5140] =	vst v0  }
0x1d: {  	[tilespmem:$0x5150] =	vst v0  }
0x1e: {  	[tilespmem:$0x5160] =	vst v0  }
0x1f: {  	[tilespmem:$0x5170] =	vst v0  }
0x20: {  	[tilespmem:$0x5180] =	vst v0  }
0x21: {  	[tilespmem:$0x5190] =	vst v0  }
0x22: {  	[tilespmem:$0x51A0] =	vst v0  }
0x23: {  	[tilespmem:$0x51B0] =	vst v0  }
0x24: {  	[tilespmem:$0x51C0] =	vst v0  }
0x25: {  	[tilespmem:$0x51D0] =	vst v0  }
0x26: {  	[tilespmem:$0x51E0] =	vst v0  }
0x27: {  	[tilespmem:$0x51F0] =	vst v0  }
0x28: {  	[tilespmem:$0x5200] =	vst v0  }
0x29: {  	[tilespmem:$0x5210] =	vst v0  }
0x2a: {  	[tilespmem:$0x5220] =	vst v0  }
0x2b: {  	[tilespmem:$0x5230] =	vst v0  }
0x2c: {  	[tilespmem:$0x5240] =	vst v0  }
0x2d: {  	[tilespmem:$0x5250] =	vst v0  }
0x2e: {  	[tilespmem:$0x5260] =	vst v0  }
0x2f: {  	[tilespmem:$0x5270] =	vst v0  }
0x30: {  	[tilespmem:$0x5280] =	vst v0  }
0x31: {  	[tilespmem:$0x5290] =	vst v0  }
0x32: {  	[tilespmem:$0x52A0] =	vst v0  }
0x33: {  	[tilespmem:$0x52B0] =	vst v0  }
0x34: {  	[tilespmem:$0x52C0] =	vst v0  }
0x35: {  	[tilespmem:$0x52D0] =	vst v0  }
0x36: {  	[tilespmem:$0x52E0] =	vst v0  }
0x37: {  	[tilespmem:$0x52F0] =	vst v0  }
0x38: {  	[spmem:s4] =	stream.linear.scatter [tilespmem:s8], [sflag:$0x2], $0x280, $0x38;
	[tilespmem:$0x5580] =	vst v63  }
0x39: {  	_ =	swait.ge [sflag:s9], $0x280  }
0x3a: {  	[sflag:s9] =	ssyncset.done $0x0  }
0x3b: {  	[sflag:s9] =	ssyncadd.s32 $0xFFFFFD80  }
0x3c: {  	[tilespmem:$0x5000] =	vst v1  }
0x3d: {  	[tilespmem:$0x5010] =	vst v1  }
0x3e: {  	[tilespmem:$0x5020] =	vst v1  }
0x3f: {  	[tilespmem:$0x5030] =	vst v1  }
0x40: {  	[tilespmem:s3], [sflag:$0x2] =	stream.linear.gather [hbm4b:s5+s3], $0x5000, $0x38;
	[tilespmem:$0x5580] =	vst v63  }
0x41: {  	_ =	swait.ge [sflag:s9], $0x5000  }
0x42: {  	[sflag:s9] =	ssyncset.done $0x0  }
0x43: {  	[sflag:s9] =	ssyncadd.s32 $0xFFFFB000  }
0x44: {  	s18 =	simm.s32 $0x0;
	[bflag:$0x0] =	sbarrier.arrive $0xFFFF  }
.LBB2_2:
0x45: {  	p0 =	sne.s32 s18, $0x13E00  }
.Ltmp0:
0x46: {  	_ = 	snop;
	(pc) =	sbr.rel @p0 .LBB2_2-.Ltmp0, $3  }
0x47: {  	_ =	sdelay $0x1  }
0x48: {  	s19 =	sshra.s32 s18, $0x2;
	s18 =	sadd.s32 $0x200, s18  }
0x49: {  	[spmem:s2] =	stream.indirect.scatter.add.f32 [tilespmem:s11], [sflag:$0x1], $0x1, s19, s10, $0xb8;
	[tilespmem:$0x5580] =	vst v63  }
0x4a: {  	_ =	swait.ge [sflag:s12], $0x40  }
0x4b: {  	s18 =	simm.s32 $0x9F;
	[sflag:s12] =	ssyncset.done $0x0  }
.LBB2_4:
0x4c: {  	p0 =	sne.s32 s18, $0x1;
	s18 =	sadd.s32 $0xFFFFFFFF, s18;
	[sflag:s12] =	ssyncadd.s32 $0xFFFFFFC0  }
.Ltmp1:
0x4d: {  	(pc) =	sbr.rel @p0 .LBB2_4-.Ltmp1, $3  }
0x4e: {  	_ =	sdelay $0x1  }
0x4f: {  	_ =	swait.ge [sflag:s12], $0x40  }
0x50: {  	[sflag:s12] =	ssyncset.done $0x0  }
0x51: {  	s17 =	sadd.s32 $0x1, s17  }
0x52: {  	[sflag:s12] =	ssyncadd.s32 $0xFFFFFFC0;
	p0 =	sne.s32 s17, s7  }
.Ltmp2:
0x53: {  	[bflag:$0x0] =	sbarrier.arrive $0xFFFF;
	(pc) =	sbr.rel @p0 .LBB2_1-.Ltmp2, $4  }
0x54: {  	[hbm:s6@s15], [sflag:s13] =	dma.strided [spmem:s14@s16], $0x50, s12, $0x10   }
0x55: {  	_ =	swait.ge [sflag:s9], $0x50  }
0x56: {  	[sflag:s9] =	ssyncset.done $0x0  }
0x57: {  	[sflag:s9] =	ssyncadd.s32 $0xFFFFFFB0  }
0x58: {  	_ =	sfence.sel $0x180000  }
0x59: {  	[bflag:$0x0] =	sbarrier.arrive $0xFFFF  }
0x5a: {  	p0 =	sne.s32 s1, $0x0;
	_ =	strace $0x90000047  }
0x5b: {  	s0 =	sadd.s32 @!p0 $0x100000, s0;
	[bflag:$0x2] =	sbarrier.arrive $0xFFFF  }
0x5c: {  	[sflag:s0] =	ssyncadd.tile.s32 @!p0 $0x1;
	_ =	shalt  }
.Lfunc_end2:
_tile_overlayer_lowered:
.L_overlay_start_2:
0x5d: {  	(tag) =	ssettag $0x2  }
0x5e: {  	s0 =	rddreg [dreg:$0x0];
	s2 =	stileid.u32  }
0x5f: {  	s1 =	rddreg [dreg:$0x1];
	p0 =	sne.s32 s2, $0x0  }
0x60: {  	s3 =	rddreg [dreg:$0x2];
	[bflag:$0x3] =	sbarrier.arrive $0xFFFF;
	s2 =	simm.s32 @!p0 $0x1C02  }
0x61: {  	[timem:s3], [sflag:s2] =	dma.local @!p0 [hbm:s0], s1  }
0x62: {  	s0 =	simm.s32 @!p0 $0x2  }
0x63: {  	_ =	swait.ge @!p0 [sflag:s0], s1  }
0x64: {  	s1 =	ssub.s32 @!p0 $0x0, s1;
	[sflag:s0] =	ssyncset.done @!p0 $0x0  }
0x65: {  	[sflag:s0] =	ssyncadd.s32 @!p0 s1  }
0x66: {  	[bflag:$0x3] =	sbarrier.arrive $0xFFFF  }
0x67: {  	_ =	shalt  }

// kernel: kernel.9.cloned.1.call-start
scs
__scs_entry_jumppad:
0x0: {  	(pc) =	sbr.rel $0x88, $3  }
0x1: {  	(tag) =	ssettag $0x0;
	lr =	simm.s32 $0x1  }
0x2: {  	[smem:$0x3F95] =	sst lr;
	_ =	strace $0xD0000000  }
0x3: {  	_ = 	snop  }
0x4: {  	_ = 	snop  }
0x5: {  	_ = 	snop  }
0x6: {  	_ = 	snop  }
0x7: {  	_ = 	snop  }
__scs_overlays_trampoline_lowered:
0x8: {  	[smem:$0x3FA4] =	sst s0  }
0x9: {  	[smem:$0x3FA5] =	sst s1  }
0xa: {  	[smem:$0x3FA6] =	sst s2  }
0xb: {  	[smem:$0x3FA7] =	sst s3  }
0xc: {  	[smem:$0x3FA8] =	sst s4  }
0xd: {  	[smem:$0x3FA9] =	sst s5  }
0xe: {  	[smem:$0x3FAA] =	sst s6  }
0xf: {  	[smem:$0x3FAB] =	sst s7  }
0x10: {  	[smem:$0x3FAC] =	sst s8  }
0x11: {  	[smem:$0x3FAD] =	sst s9;
	s0 =	simm.s32 @!p0 $0x0  }
0x12: {  	s1 =	sld [smem:$0x3F93];
	s0 =	simm.s32 @p0 $0x1  }
0x13: {  	[smem:$0x3FAE] =	sst s0;
	s0 =	simm.s32 @!p1 $0x0  }
0x14: {  	s2 =	sld [smem:$0x3F92];
	s0 =	simm.s32 @p1 $0x1  }
0x15: {  	[smem:$0x3FAF] =	sst s0;
	s0 =	simm.s32 @!p2 $0x0  }
0x16: {  	s3 =	sld [smem:$0x3FDB];
	s0 =	simm.s32 @p2 $0x1  }
0x17: {  	s4 =	simm.s32 $0x1BF5;
	[smem:$0x3FB1] =	sst s0  }
0x18: {  	s0 =	sld [smem:$0x3F94];
	_ =	swait.ge [sflag:s4], $0x0  }
0x19: {  	s7 =	sld [smem:$0x3F95]  }
0x1a: {  	s8 =	sadd.s32 $0xFFFFE003, lr  }
0x1b: {  	s9 =	sadd.s32 $0xFFFFFEF7, lr;
	s5 =	simm.s32 $0xFFFFFFFF;
	p2 =	slt.u32 s8, $0xFFFFF086  }
0x1c: {  	p1 =	slt.u32 s9, $0xF7A;
	s5 =	simm.s32 @!p2 $0x0  }
0x1d: {  	s5 =	simm.s32 @p1 $0x1;
	p0 =	seq.s32 s7, s2  }
0x1e: {  	s7 =	smul.u32 @!p0 $0xF7A, s2;
	p2 =	seq.s32 @!p0 s5, $0x0  }
0x1f: {  	s9 =	smul.u32 $0xF7A, s1;
	s8 =	simm.s32 @!p0 $0x1BF5;
	p2 =	por !p2, p0  }
0x20: {  	[sflag:s8] =	ssyncset.s32 @!p0 $0xFFFFF086;
	s6 =	sadd.s32 @!p0 s3, s7;
	s7 =	simm.s32 @!p0 $0x108  }
0x21: {  	s3 =	sadd.s32 s3, s9;
	s6 =	sadd.s32 @!p0 $0x88, s6;
	s7 =	simm.s32 @p2 $0x1082  }
0x22: {  	[simem:s7], [sflag:s8] =	dma.local @!p0 [hbm:s6], $0xF7A  }
0x23: {  	s9 =	sor.u32 $0xD0000000, s2;
	s6 =	simm.s32 $0x108;
	_ =	swait.ge @!p0 [sflag:s8], $0x0  }
0x24: {  	s3 =	sadd.s32 $0x88, s3;
	s6 =	simm.s32 @!p1 $0x1082;
	[sflag:s4] =	ssyncset.s32 $0xFFFFF086  }
0x25: {  	[simem:s6], [sflag:s4] =	dma.local [hbm:s3], $0xF7A  }
0x26: {  	[smem:$0x3F95] =	sst s1;
	(tag) =	ssettag s2;
	_ =	strace s9  }
0x27: {  	s1 =	sld [smem:$0x3FA5]  }
0x28: {  	s2 =	sld [smem:$0x3FA6]  }
0x29: {  	s4 =	sld [smem:$0x3FA8]  }
0x2a: {  	p0 =	seq.s32 s5, $0x0;
	s5 =	sld [smem:$0x3FA9]  }
0x2b: {  	s6 =	sld [smem:$0x3FAA]  }
0x2c: {  	s7 =	sld [smem:$0x3FAB]  }
0x2d: {  	s3 =	simm.s32 $0x108;
	s8 =	sld [smem:$0x3FAC]  }
0x2e: {  	s3 =	simm.s32 @!p0 $0x1082;
	s9 =	sld [smem:$0x3FAD]  }
0x2f: {  	lr =	sadd.s32 s0, s3;
	s0 =	sld [smem:$0x3FA4]  }
0x30: {  	s3 =	sld [smem:$0x3FA7]  }
0x31: {  	[smem:$0x3FB0] =	sst s10  }
0x32: {  	s10 =	sld [smem:$0x3FAE];
	_ =	sdelay $0x3  }
0x33: {  	p0 =	seq.s32 s10, $0x1;
	s10 =	sld [smem:$0x3FB0];
	_ =	sdelay $0x3  }
0x34: {  	[smem:$0x3FB0] =	sst s10  }
0x35: {  	s10 =	sld [smem:$0x3FAF];
	_ =	sdelay $0x3  }
0x36: {  	p1 =	seq.s32 s10, $0x1;
	s10 =	sld [smem:$0x3FB0];
	_ =	sdelay $0x3  }
0x37: {  	[smem:$0x3FB0] =	sst s10  }
0x38: {  	s10 =	sld [smem:$0x3FB1]  }
0x39: {  	_ = 	snop;
	(pc) =	sbr.ind lr, $3  }
0x3a: {  	_ = 	snop  }
0x3b: {  	_ = 	snop  }
0x3c: {  	p2 =	seq.s32 s10, $0x1;
	s10 =	sld [smem:$0x3FB0]  }
0x3d: {  	_ =	shalt  }
0x3e: {  	_ =	shalt  }
0x3f: {  	_ =	shalt  }
0x40: {  	_ =	shalt  }
0x41: {  	_ =	shalt  }
0x42: {  	_ =	shalt  }
0x43: {  	_ =	shalt  }
0x44: {  	_ =	shalt  }
0x45: {  	_ =	shalt  }
0x46: {  	_ =	shalt  }
0x47: {  	_ =	shalt  }
0x48: {  	_ =	shalt  }
0x49: {  	_ =	shalt  }
0x4a: {  	_ =	shalt  }
0x4b: {  	_ =	shalt  }
0x4c: {  	_ =	shalt  }
0x4d: {  	_ =	shalt  }
0x4e: {  	_ =	shalt  }
0x4f: {  	_ =	shalt  }
0x50: {  	_ =	shalt  }
0x51: {  	_ =	shalt  }
0x52: {  	_ =	shalt  }
0x53: {  	_ =	shalt  }
0x54: {  	_ =	shalt  }
0x55: {  	_ =	shalt  }
0x56: {  	_ =	shalt  }
0x57: {  	_ =	shalt  }
0x58: {  	_ =	shalt  }
0x59: {  	_ =	shalt  }
0x5a: {  	_ =	shalt  }
0x5b: {  	_ =	shalt  }
0x5c: {  	_ =	shalt  }
0x5d: {  	_ =	shalt  }
0x5e: {  	_ =	shalt  }
0x5f: {  	_ =	shalt  }
0x60: {  	_ =	shalt  }
0x61: {  	_ =	shalt  }
0x62: {  	_ =	shalt  }
0x63: {  	_ =	shalt  }
0x64: {  	_ =	shalt  }
0x65: {  	_ =	shalt  }
0x66: {  	_ =	shalt  }
0x67: {  	_ =	shalt  }
0x68: {  	_ =	shalt  }
0x69: {  	_ =	shalt  }
0x6a: {  	_ =	shalt  }
0x6b: {  	_ =	shalt  }
0x6c: {  	_ =	shalt  }
0x6d: {  	_ =	shalt  }
0x6e: {  	_ =	shalt  }
0x6f: {  	_ =	shalt  }
0x70: {  	_ =	shalt  }
0x71: {  	_ =	shalt  }
0x72: {  	_ =	shalt  }
0x73: {  	_ =	shalt  }
0x74: {  	_ =	shalt  }
0x75: {  	_ =	shalt  }
0x76: {  	_ =	shalt  }
0x77: {  	_ =	shalt  }
0x78: {  	_ =	shalt  }
0x79: {  	_ =	shalt  }
0x7a: {  	_ =	shalt  }
0x7b: {  	_ =	shalt  }
0x7c: {  	_ =	shalt  }
0x7d: {  	_ =	shalt  }
0x7e: {  	_ =	shalt  }
0x7f: {  	_ =	shalt  }
0x80: {  	_ =	shalt  }
0x81: {  	_ =	shalt  }
0x82: {  	_ =	shalt  }
0x83: {  	_ =	shalt  }
0x84: {  	_ =	shalt  }
0x85: {  	_ =	shalt  }
0x86: {  	_ =	shalt  }
0x87: {  	_ =	shalt  }
.Lfunc_end0:
.L_simem_size_0:
called_computation.1_lowered:
.L_overlay_start_0:
0x88: {  	s2 =	sld [smem:$0x3FD9]  }
0x89: {  	s3 =	sld [smem:$0x3FFE];
	_ =	sdelay $0x1  }
0x8a: {  	s1 =	srdreg.scid  }
0x8b: {  	s0 =	sand.u32 $0x1, s1  }
0x8c: {  	s16 =	sshll.u32 s0, $0xA;
	s2 =	sadd.s32 s3, s2  }
0x8d: {  	s2 =	sadd.s32 s2, s16  }
0x8e: {  	[smem:$0x3FBC] =	sst s2  }
0x8f: {  	_ = 	snop  }
0x90: {  	(tm) =	ssettm $0x1  }
0x91: {  	s17 =	sld [smem:$0x3FFB];
	_ =	sdelay $0x3  }
0x92: {  	_ =	strace s17  }
0x93: {  	s2 =	sld [smem:$0x3FFC];
	_ =	sdelay $0x3  }
0x94: {  	_ =	strace s2  }
0x95: {  	s2 =	sld [smem:$0x3FFD];
	_ =	sdelay $0x3  }
0x96: {  	_ =	strace s2  }
0x97: {  	_ =	strace $0x8FFFFFFF  }
0x98: {  	s18 =	sld [smem:$0x3FDB];
	_ =	sdelay $0x1  }
0x99: {  	s19 =	simm.s32 $_scs_section_size  }
0x9a: {  	s4 =	simm.s32 $_size__tile_overlayer_lowered;
	s5 =	simm.s32 $_tile_overlayer_lowered  }
0x9b: {  	s22 =	simm.s32 $0x1BFF;
	s21 =	sshll.u32 s5, $0x1;
	s2 =	sadd.s32 s19, s18  }
0x9c: {  	s6 =	simm.s32 $0x0;
	s20 =	sshll.u32 s4, $0x1;
	s4 =	sadd.s32 s21, s2  }
0x9d: {  	[timem:s6], [sflag:s22] =	dma.local [hbm:s4], s20  }
0x9e: {  	_ =	swait.ge [sflag:s22], s20  }
0x9f: {  	s3 =	ssub.s32 $0x0, s20;
	[sflag:s22] =	ssyncset.done $0x0  }
0xa0: {  	[sflag:s22] =	ssyncadd.s32 s3;
	_ =	sdelay $0x1  }
0xa1: {  	s23 =	simm.s32 $0x1B8B  }
0xa2: {  	_ =	swait.ge [sflag:s23], $0x1  }
0xa3: {  	[sflag:s23] =	ssyncset.done $0x0  }
0xa4: {  	s25 =	simm.s32 $0x1B8E;
	s24 =	sld [smem:$0x3FFE];
	[sflag:s23] =	ssyncadd.s32 $0xFFFFFFFF  }
0xa5: {  	s26 =	simm.s32 $execute0_lowered;
	[smem:$0x3FD2] =	sst s25  }
0xa6: {  	s4 =	sshll.u32 s26, $0x1;
	_ =	strace $0x80000049;
	[dreg:$0x1] =	wrdreg $0xFFFFFFFF  }
0xa7: {  	s28 =	simm.s32 $_size_execute0_lowered;
	s2 =	sadd.s32 s2, s4;
	[dreg:$0x0] =	wrdreg $0x0  }
0xa8: {  	s4 =	sshll.u32 s28, $0x1;
	[dreg:$0x2] =	wrdreg s2  }
0xa9: {  	[dreg:$0x3] =	wrdreg s4  }
0xaa: {  	[dreg:$0x4] =	wrdreg $0xC0  }
0xab: {  	_ =	task [dreg:s6], $0x5FFFF  }
0xac: {  	[dreg:$0x1] =	wrdreg $0xFFFFFFFF  }
0xad: {  	[dreg:$0x0] =	wrdreg $0x60  }
0xae: {  	[dreg:$0x2] =	wrdreg s24  }
0xaf: {  	[dreg:$0x3] =	wrdreg $0xAC000  }
0xb0: {  	[dreg:$0x4] =	wrdreg $0x9  }
0xb1: {  	_ =	task.clear_ibuf [dreg:s6], $0x5FFFF;
	_ =	strace $0x90000049  }
0xb2: {  	s29 =	simm.s32 $0x9;
	_ =	strace $0x8000004B  }
0xb3: {  	_ =	swait.ge [sflag:s29], $0x1  }
0xb4: {  	[sflag:s29] =	ssyncadd.s32 $0xFFFFFFFF  }
0xb5: {  	_ =	strace $0x9000004B  }
0xb6: {  	_ =	sfence  }
0xb7: {  	s30 =	sld [smem:$0x0];
	_ =	sdelay $0x2  }
0xb8: {  	s31 =	sshll.u32 s1, $0xD;
	s1 =	sshrl.u32 s1, $0x2  }
0xb9: {  	s3 =	sand.u32 $0x4000, s31;
	s1 =	sadd.s32 s1, s30  }
0xba: {  	s0 =	sor.u32 s3, s0;
	s1 =	sshll.u32 s1, $0x11  }
0xbb: {  	s0 =	sor.u32 s1, s0  }
0xbc: {  	s0 =	sadd.s32 $0x8F2B, s0  }
0xbd: {  	[sflag:s0] =	ssyncadd.remote.s32 $0x1  }
0xbe: {  	_ =	sfence.sel $0xFFFF  }
0xbf: {  	[dreg:$0x0] =	wrdreg $0xFFFFFFFF;
	(pc) =	sbr.abs _section_cstart, $3  }
0xc0: {  	[dreg:$0x1] =	wrdreg $0xFFFFFFFF  }
0xc1: {  	_ =	task.clear_ibuf [dreg:s6], $0x2FFFF;
	_ =	strace $0x9FFFFFFF  }
0xc2: {  	(tm) =	ssettm $0x7FFFFFFF  }
0xc3: {  	_ =	shalt  }
tec
execute0_lowered:
.L_overlay_start_1:
0x0: {  	(tag) =	ssettag $0x1  }
0x1: {  	s0 =	rddreg [dreg:$0x0]  }
0x2: {  	s2 =	rddreg [dreg:$0x1]  }
0x3: {  	s1 =	srdreg.scid;
	s8 =	stileid.u32;
	s3 =	simm.s32 $0x0  }
0x4: {  	s28 =	simm.s32 $0x8C00;
	s29 =	simm.s32 $0x1;
	s7 =	smul.u32 $0x14000, s8  }
0x5: {  	s30 =	simm.s32 $0x2880;
	s1 =	sand.u32 $0x1, s1;
	s14 =	smul.u32 $0x50000, s8  }
0x6: {  	s4 =	sshll.u32 s8, $0x1;
	[smem:$0x7FF] =	sst s3;
	s5 =	smul.u32 $0x140000, s1  }
0x7: {  	s6 =	sor.u32 s1, s4;
	_ =	strace $0x8000004A;
	s1 =	ssub.s32 $0x2, s1  }
0x8: {  	s4 =	sadd.s32 $0xD400, s0;
	s6 =	smul.u32 $0x500, s6;
	s15 =	sshrl.u32 s1, $0x1  }
0x9: {  	s16 =	sshrl.u32 s14, $0x2;
	s5 =	sadd.s32 s7, s5;
	s1 =	ssub.s32 s1, s15  }
0xa: {  	s6 =	sadd.s32 s6, s0;
	s5 =	sshrl.u32 s5, $0x3;
	s17 =	smax.u32 s1, $0x1  }
0xb: {  	s0 =	sadd.s32 s5, s0;
	s6 =	sadd.s32 $0x3400, s6;
	[dreg:$0x5] =	wrdreg s17  }
0xc: {  	s5 =	sadd.s32 s16, s2;
	[dreg:$0x3] =	wrdreg s6;
	s0 =	sadd.s32 $0x35400, s0  }
0xd: {  	s31 =	simm.s32 $0x2;
	s18 =	sadd.s32 $0x2000, s5;
	[dreg:$0x4] =	wrdreg s0  }
0xe: {  	s9 =	simm.s32 $0x5;
	s19 =	sadd.s32 $0x4000, s5;
	[dreg:$0x6] =	wrdreg s18  }
0xf: {  	s10 =	simm.s32 $0x6;
	s20 =	sadd.s32 $0x6000, s5;
	[dreg:$0x7] =	wrdreg s19  }
0x10: {  	s11 =	simm.s32 $0x7;
	s21 =	sadd.s32 $0x8000, s5;
	[dreg:$0x8] =	wrdreg s20  }
0x11: {  	s12 =	simm.s32 $0x8;
	s22 =	sadd.s32 $0xA000, s5;
	[dreg:$0x9] =	wrdreg s21  }
0x12: {  	s13 =	simm.s32 $0x0;
	s23 =	sadd.s32 $0xC000, s5;
	[dreg:$0xa] =	wrdreg s22  }
0x13: {  	s8 =	simm.s32 $0x2B80;
	s24 =	sadd.s32 $0xE000, s5;
	[dreg:$0xb] =	wrdreg s23  }
0x14: {  	s7 =	simm.s32 $0x4;
	s25 =	sadd.s32 $0x10000, s5;
	[dreg:$0xc] =	wrdreg s24  }
0x15: {  	s1 =	simm.s32 $0x3;
	s26 =	sadd.s32 $0x12000, s5;
	[dreg:$0xd] =	wrdreg s25  }
0x16: {  	s6 =	simm.s32 $0x2A80;
	[dreg:$0xe] =	wrdreg s26;
	s18 =	simm.s32 $0x2C00  }
0x17: {  	s19 =	simm.s32 $0x9;
	s20 =	simm.s32 $0x40;
	s21 =	simm.s32 $0x2800  }
0x18: {  	s22 =	simm.s32 $0x2900;
	s23 =	simm.s32 $0x4C00;
	s24 =	simm.s32 $0x2A00  }
0x19: {  	v0 =	vimm.f32 $0.0e+00;
	s25 =	simm.s32 $0x6C00;
	s26 =	simm.s32 $0x2B00;
	s0 =	simm.s32 $0x2980  }
.LBB2_1:
0x1a: {  	s14 =	sand.u32 $0x7E00, s3  }
0x1b: {  	s15 =	sand.u32 $0x70, s3;
	s16 =	sshrl.u32 s14, $0x2  }
0x1c: {  	s14 =	simm.s32 $0x40;
	s16 =	sor.u32 s15, s16;
	s15 =	simm.s32 $0x0  }
.LBB2_2:
0x1d: {  	p0 =	sne.s32 s14, $0x7FC0  }
0x1e: {  	[tilespmem:s16+$0x2C00] =	vst v0;
	s15 =	sadd.s32 $0x10, s15;
	s16 =	smov.u32 s14;
	s14 =	sadd.s32 $0x40, s14  }
.Ltmp0:
0x1f: {  	(pc) =	sbr.rel @p0 .LBB2_2-.Ltmp0, $4  }
0x20: {  	_ = 	snop  }
0x21: {  	s16 =	sand.u32 $0x7E00, s16  }
0x22: {  	s17 =	sand.u32 $0x70, s15;
	s16 =	sshrl.u32 s16, $0x2  }
0x23: {  	s16 =	sor.u32 s17, s16  }
0x24: {  	[tilespmem:s16+$0x2C00] =	vst v0  }
0x25: {  	[spmem:s5] =	stream.linear.scatter [tilespmem:s18], [sflag:$0x9], $0x2000, $0x38;
	[tilespmem:$0x1EC00] =	vst v63  }
0x26: {  	_ =	swait.ge [sflag:s19], $0x2000  }
0x27: {  	[sflag:s19] =	ssyncset.done $0x0  }
0x28: {  	s14 =	rddreg [dreg:$0x6];
	[sflag:s19] =	ssyncadd.s32 $0xFFFFE000  }
0x29: {  	[spmem:s14] =	stream.linear.scatter [tilespmem:s18], [sflag:$0x9], $0x2000, $0x38;
	[tilespmem:$0x1EC00] =	vst v63  }
0x2a: {  	_ =	swait.ge [sflag:s19], $0x2000  }
0x2b: {  	[sflag:s19] =	ssyncset.done $0x0  }
0x2c: {  	s17 =	rddreg [dreg:$0x7];
	[sflag:s19] =	ssyncadd.s32 $0xFFFFE000  }
0x2d: {  	[spmem:s17] =	stream.linear.scatter [tilespmem:s18], [sflag:$0x9], $0x2000, $0x38;
	[tilespmem:$0x1EC00] =	vst v63  }
0x2e: {  	_ =	swait.ge [sflag:s19], $0x2000  }
0x2f: {  	[sflag:s19] =	ssyncset.done $0x0  }
0x30: {  	s15 =	rddreg [dreg:$0x8];
	[sflag:s19] =	ssyncadd.s32 $0xFFFFE000  }
0x31: {  	[spmem:s15] =	stream.linear.scatter [tilespmem:s18], [sflag:$0x9], $0x2000, $0x38;
	[tilespmem:$0x1EC00] =	vst v63  }
0x32: {  	_ =	swait.ge [sflag:s19], $0x2000  }
0x33: {  	[sflag:s19] =	ssyncset.done $0x0  }
0x34: {  	s16 =	rddreg [dreg:$0x9];
	[sflag:s19] =	ssyncadd.s32 $0xFFFFE000  }
0x35: {  	[spmem:s16] =	stream.linear.scatter [tilespmem:s18], [sflag:$0x9], $0x2000, $0x38;
	[tilespmem:$0x1EC00] =	vst v63  }
0x36: {  	_ =	swait.ge [sflag:s19], $0x2000  }
0x37: {  	[sflag:s19] =	ssyncset.done $0x0  }
0x38: {  	s17 =	rddreg [dreg:$0xa];
	[sflag:s19] =	ssyncadd.s32 $0xFFFFE000  }
0x39: {  	[spmem:s17] =	stream.linear.scatter [tilespmem:s18], [sflag:$0x9], $0x2000, $0x38;
	[tilespmem:$0x1EC00] =	vst v63  }
0x3a: {  	_ =	swait.ge [sflag:s19], $0x2000  }
0x3b: {  	[sflag:s19] =	ssyncset.done $0x0  }
0x3c: {  	s15 =	rddreg [dreg:$0xb];
	[sflag:s19] =	ssyncadd.s32 $0xFFFFE000  }
0x3d: {  	[spmem:s15] =	stream.linear.scatter [tilespmem:s18], [sflag:$0x9], $0x2000, $0x38;
	[tilespmem:$0x1EC00] =	vst v63  }
0x3e: {  	_ =	swait.ge [sflag:s19], $0x2000  }
0x3f: {  	[sflag:s19] =	ssyncset.done $0x0  }
0x40: {  	s16 =	rddreg [dreg:$0xc];
	[sflag:s19] =	ssyncadd.s32 $0xFFFFE000  }
0x41: {  	[spmem:s16] =	stream.linear.scatter [tilespmem:s18], [sflag:$0x9], $0x2000, $0x38;
	[tilespmem:$0x1EC00] =	vst v63  }
0x42: {  	_ =	swait.ge [sflag:s19], $0x2000  }
0x43: {  	[sflag:s19] =	ssyncset.done $0x0  }
0x44: {  	s17 =	rddreg [dreg:$0xd];
	[sflag:s19] =	ssyncadd.s32 $0xFFFFE000  }
0x45: {  	[spmem:s17] =	stream.linear.scatter [tilespmem:s18], [sflag:$0x9], $0x2000, $0x38;
	[tilespmem:$0x1EC00] =	vst v63  }
0x46: {  	_ =	swait.ge [sflag:s19], $0x2000  }
0x47: {  	[sflag:s19] =	ssyncset.done $0x0  }
0x48: {  	s15 =	rddreg [dreg:$0xe];
	[sflag:s19] =	ssyncadd.s32 $0xFFFFE000  }
0x49: {  	[spmem:s15] =	stream.linear.scatter [tilespmem:s18], [sflag:$0x9], $0x2000, $0x38;
	[tilespmem:$0x1EC00] =	vst v63  }
0x4a: {  	_ =	swait.ge [sflag:s19], $0x2000  }
0x4b: {  	[sflag:s19] =	ssyncset.done $0x0  }
0x4c: {  	s16 =	rddreg [dreg:$0x3];
	[sflag:s19] =	ssyncadd.s32 $0xFFFFE000  }
0x4d: {  	[tilespmem:s3], [sflag:$0x9] =	stream.linear.gather [hbm4b:s16+s3], $0x2800, $0x38;
	[tilespmem:$0x1EC00] =	vst v63  }
0x4e: {  	_ =	swait.ge [sflag:s19], $0x2800  }
0x4f: {  	[sflag:s19] =	ssyncset.done $0x0  }
0x50: {  	[sflag:s19] =	ssyncadd.s32 $0xFFFFD800  }
0x51: {  	[bflag:$0x0] =	sbarrier.arrive $0xFFFF  }
0x52: {  	v1 =	vld [tilespmem:$0x0];
	_ =	sdelay $0x1  }
0x53: {  	v2 =	vld [tilespmem:$0x10];
	_ =	sdelay $0x1  }
0x54: {  	v3 =	vld [tilespmem:$0x20]  }
0x55: {  	v4 =	vand.u32 $0xFFFF, v1  }
0x56: {  	v57 =	vld [tilespmem:$0x30];
	v1 =	vshra.s32 v1, $0x10;
	[tilespmem:$0x2800] =	vst v4  }
0x57: {  	[tilespmem:$0x2810] =	vst v1;
	v1 =	vand.u32 $0xFFFF, v2  }
0x58: {  	[tilespmem:$0x2820] =	vst v1;
	v1 =	vshra.s32 v2, $0x10  }
0x59: {  	[tilespmem:$0x2830] =	vst v1;
	v1 =	vand.u32 $0xFFFF, v3  }
0x5a: {  	[tilespmem:$0x2880] =	vst v1;
	v1 =	vshra.s32 v3, $0x10  }
0x5b: {  	[tilespmem:$0x2890] =	vst v1;
	v1 =	vand.u32 $0xFFFF, v57  }
0x5c: {  	[tilespmem:$0x28A0] =	vst v1;
	v1 =	vshra.s32 v57, $0x10  }
0x5d: {  	[tilespmem:$0x28B0] =	vst v1  }
0x5e: {  	[tilespmem:s18], [sflag:$0x1] =	stream.indirect.gather [hbm4b:s4+s20], $0x80, s21, s20, $0xb8;
	[tilespmem:$0x1EC00] =	vst v63  }
0x5f: {  	v1 =	vld [tilespmem:$0x40];
	_ =	sdelay $0x1  }
0x60: {  	v2 =	vld [tilespmem:$0x50];
	_ =	sdelay $0x1  }
0x61: {  	v3 =	vld [tilespmem:$0x60]  }
0x62: {  	v58 =	vand.u32 $0xFFFF, v1  }
0x63: {  	v59 =	vld [tilespmem:$0x70];
	v1 =	vshra.s32 v1, $0x10;
	[tilespmem:$0x2900] =	vst v58  }
0x64: {  	[tilespmem:$0x2910] =	vst v1;
	v1 =	vand.u32 $0xFFFF, v2  }
0x65: {  	[tilespmem:$0x2920] =	vst v1;
	v1 =	vshra.s32 v2, $0x10  }
0x66: {  	[tilespmem:$0x2930] =	vst v1;
	v1 =	vand.u32 $0xFFFF, v3  }
0x67: {  	[tilespmem:$0x2980] =	vst v1;
	v1 =	vshra.s32 v3, $0x10  }
0x68: {  	[tilespmem:$0x2990] =	vst v1;
	v1 =	vand.u32 $0xFFFF, v59  }
0x69: {  	[tilespmem:$0x29A0] =	vst v1;
	v1 =	vshra.s32 v59, $0x10  }
0x6a: {  	[tilespmem:$0x29B0] =	vst v1  }
0x6b: {  	[tilespmem:s23], [sflag:$0x2] =	stream.indirect.gather [hbm4b:s4+s20], $0x80, s22, s20, $0xb8;
	[tilespmem:$0x1EC00] =	vst v63  }
0x6c: {  	v1 =	vld [tilespmem:$0x80];
	_ =	sdelay $0x1  }
0x6d: {  	v2 =	vld [tilespmem:$0x90];
	_ =	sdelay $0x1  }
0x6e: {  	v3 =	vld [tilespmem:$0xA0]  }
0x6f: {  	v60 =	vand.u32 $0xFFFF, v1  }
0x70: {  	v61 =	vld [tilespmem:$0xB0];
	v1 =	vshra.s32 v1, $0x10;
	[tilespmem:$0x2A00] =	vst v60  }
0x71: {  	[tilespmem:$0x2A10] =	vst v1;
	v1 =	vand.u32 $0xFFFF, v2  }
0x72: {  	[tilespmem:$0x2A20] =	vst v1;
	v1 =	vshra.s32 v2, $0x10  }
0x73: {  	[tilespmem:$0x2A30] =	vst v1;
	v1 =	vand.u32 $0xFFFF, v3  }
0x74: {  	[tilespmem:$0x2A80] =	vst v1;
	v1 =	vshra.s32 v3, $0x10  }
0x75: {  	[tilespmem:$0x2A90] =	vst v1;
	v1 =	vand.u32 $0xFFFF, v61  }
0x76: {  	[tilespmem:$0x2AA0] =	vst v1;
	v1 =	vshra.s32 v61, $0x10  }
0x77: {  	[tilespmem:$0x2AB0] =	vst v1  }
0x78: {  	[tilespmem:s25], [sflag:$0x3] =	stream.indirect.gather [hbm4b:s4+s20], $0x80, s24, s20, $0xb8;
	[tilespmem:$0x1EC00] =	vst v63  }
0x79: {  	v1 =	vld [tilespmem:$0xC0];
	_ =	sdelay $0x1  }
0x7a: {  	v2 =	vld [tilespmem:$0xD0];
	_ =	sdelay $0x1  }
0x7b: {  	v3 =	vld [tilespmem:$0xE0]  }
0x7c: {  	v62 =	vand.u32 $0xFFFF, v1  }
0x7d: {  	v63 =	vld [tilespmem:$0xF0];
	v1 =	vshra.s32 v1, $0x10;
	[tilespmem:$0x2B00] =	vst v62  }
0x7e: {  	[tilespmem:$0x2B10] =	vst v1;
	v1 =	vand.u32 $0xFFFF, v2  }
0x7f: {  	[tilespmem:$0x2B20] =	vst v1;
	v1 =	vshra.s32 v2, $0x10  }
0x80: {  	[tilespmem:$0x2B30] =	vst v1;
	v1 =	vand.u32 $0xFFFF, v3  }
0x81: {  	[tilespmem:$0x2B80] =	vst v1;
	v1 =	vshra.s32 v3, $0x10  }
0x82: {  	[tilespmem:$0x2B90] =	vst v1;
	v1 =	vand.u32 $0xFFFF, v63  }
0x83: {  	[tilespmem:$0x2BA0] =	vst v1;
	v1 =	vshra.s32 v63, $0x10  }
0x84: {  	[tilespmem:$0x2BB0] =	vst v1  }
0x85: {  	[tilespmem:s28], [sflag:$0x4] =	stream.indirect.gather [hbm4b:s4+s20], $0x80, s26, s20, $0xb8;
	[tilespmem:$0x1EC00] =	vst v63  }
0x86: {  	_ =	swait.ge [sflag:s29], $0x2000  }
0x87: {  	[sflag:s29] =	ssyncset.done $0x0  }
0x88: {  	[sflag:s29] =	ssyncadd.s32 $0xFFFFE000  }
0x89: {  	[spmem:s2] =	stream.indirect.scatter.add.f32 [tilespmem:s18], [sflag:$0x5], $0x80, s30, s20, $0xb8;
	[tilespmem:$0x1EC00] =	vst v63  }
0x8a: {  	_ =	swait.ge [sflag:s31], $0x2000  }
0x8b: {  	[sflag:s31] =	ssyncset.done $0x0  }
0x8c: {  	[sflag:s31] =	ssyncadd.s32 $0xFFFFE000  }
0x8d: {  	[spmem:s2] =	stream.indirect.scatter.add.f32 [tilespmem:s23], [sflag:$0x6], $0x80, s0, s20, $0xb8;
	[tilespmem:$0x1EC00] =	vst v63  }
0x8e: {  	_ =	swait.ge [sflag:s1], $0x2000  }
0x8f: {  	[sflag:s1] =	ssyncset.done $0x0  }
0x90: {  	[sflag:s1] =	ssyncadd.s32 $0xFFFFE000  }
0x91: {  	[spmem:s2] =	stream.indirect.scatter.add.f32 [tilespmem:s25], [sflag:$0x7], $0x80, s6, s20, $0xb8;
	[tilespmem:$0x1EC00] =	vst v63  }
0x92: {  	_ =	swait.ge [sflag:s7], $0x2000  }
0x93: {  	[sflag:s7] =	ssyncset.done $0x0  }
0x94: {  	[sflag:s7] =	ssyncadd.s32 $0xFFFFE000  }
0x95: {  	[spmem:s2] =	stream.indirect.scatter.add.f32 [tilespmem:s28], [sflag:$0x8], $0x80, s8, s20, $0xb8;
	[tilespmem:$0x1EC00] =	vst v63  }
0x96: {  	_ =	swait.ge [sflag:s9], $0x2000  }
0x97: {  	[sflag:s9] =	ssyncset.done $0x0  }
0x98: {  	s17 =	simm.s32 $0x1F0;
	[sflag:s9] =	ssyncadd.s32 $0xFFFFE000  }
0x99: {  	v1 =	vld [tilespmem:s17+$0xFFFFFF10];
	_ =	sdelay $0x4  }
0x9a: {  	v2 =	vand.u32 $0xFFFF, v1  }
0x9b: {  	v1 =	vshra.s32 v1, $0x10;
	[tilespmem:$0x2800] =	vst v2  }
0x9c: {  	[tilespmem:$0x2810] =	vst v1  }
0x9d: {  	v1 =	vld [tilespmem:s17+$0xFFFFFF20];
	_ =	sdelay $0x4  }
0x9e: {  	v2 =	vand.u32 $0xFFFF, v1  }
0x9f: {  	v1 =	vshra.s32 v1, $0x10;
	[tilespmem:$0x2820] =	vst v2  }
0xa0: {  	[tilespmem:$0x2830] =	vst v1  }
0xa1: {  	v1 =	vld [tilespmem:s17+$0xFFFFFF30];
	_ =	sdelay $0x4  }
0xa2: {  	v2 =	vand.u32 $0xFFFF, v1  }
0xa3: {  	v1 =	vshra.s32 v1, $0x10;
	[tilespmem:$0x2880] =	vst v2  }
0xa4: {  	[tilespmem:$0x2890] =	vst v1  }
0xa5: {  	v1 =	vld [tilespmem:s17+$0xFFFFFF40];
	_ =	sdelay $0x4  }
0xa6: {  	v2 =	vand.u32 $0xFFFF, v1  }
0xa7: {  	v1 =	vshra.s32 v1, $0x10;
	[tilespmem:$0x28A0] =	vst v2  }
0xa8: {  	[tilespmem:$0x28B0] =	vst v1  }
0xa9: {  	[tilespmem:s18], [sflag:$0x1] =	stream.indirect.gather [hbm4b:s4+s20], $0x80, s21, s20, $0xb8;
	[tilespmem:$0x1EC00] =	vst v63  }
0xaa: {  	_ =	swait.ge [sflag:s10], $0x2000  }
0xab: {  	[sflag:s10] =	ssyncset.done $0x0  }
0xac: {  	[sflag:s10] =	ssyncadd.s32 $0xFFFFE000  }
0xad: {  	v1 =	vld [tilespmem:s17+$0xFFFFFF50];
	_ =	sdelay $0x4  }
0xae: {  	v2 =	vand.u32 $0xFFFF, v1  }
0xaf: {  	v1 =	vshra.s32 v1, $0x10;
	[tilespmem:$0x2900] =	vst v2  }
0xb0: {  	[tilespmem:$0x2910] =	vst v1  }
0xb1: {  	v1 =	vld [tilespmem:s17+$0xFFFFFF60];
	_ =	sdelay $0x4  }
0xb2: {  	v2 =	vand.u32 $0xFFFF, v1  }
0xb3: {  	v1 =	vshra.s32 v1, $0x10;
	[tilespmem:$0x2920] =	vst v2  }
0xb4: {  	[tilespmem:$0x2930] =	vst v1  }
0xb5: {  	v1 =	vld [tilespmem:s17+$0xFFFFFF70];
	_ =	sdelay $0x4  }
0xb6: {  	v2 =	vand.u32 $0xFFFF, v1  }
0xb7: {  	v1 =	vshra.s32 v1, $0x10;
	[tilespmem:$0x2980] =	vst v2  }
0xb8: {  	[tilespmem:$0x2990] =	vst v1  }
0xb9: {  	v1 =	vld [tilespmem:s17+$0xFFFFFF80];
	_ =	sdelay $0x4  }
0xba: {  	v2 =	vand.u32 $0xFFFF, v1  }
0xbb: {  	v1 =	vshra.s32 v1, $0x10;
	[tilespmem:$0x29A0] =	vst v2  }
0xbc: {  	[tilespmem:$0x29B0] =	vst v1  }
0xbd: {  	[tilespmem:s23], [sflag:$0x2] =	stream.indirect.gather [hbm4b:s4+s20], $0x80, s22, s20, $0xb8;
	[tilespmem:$0x1EC00] =	vst v63  }
0xbe: {  	_ =	swait.ge [sflag:s11], $0x2000  }
0xbf: {  	[sflag:s11] =	ssyncset.done $0x0  }
0xc0: {  	[sflag:s11] =	ssyncadd.s32 $0xFFFFE000  }
0xc1: {  	v1 =	vld [tilespmem:s17+$0xFFFFFF90];
	_ =	sdelay $0x4  }
0xc2: {  	v2 =	vand.u32 $0xFFFF, v1  }
0xc3: {  	v1 =	vshra.s32 v1, $0x10;
	[tilespmem:$0x2A00] =	vst v2  }
0xc4: {  	[tilespmem:$0x2A10] =	vst v1  }
0xc5: {  	v1 =	vld [tilespmem:s17+$0xFFFFFFA0];
	_ =	sdelay $0x4  }
0xc6: {  	v2 =	vand.u32 $0xFFFF, v1  }
0xc7: {  	v1 =	vshra.s32 v1, $0x10;
	[tilespmem:$0x2A20] =	vst v2  }
0xc8: {  	[tilespmem:$0x2A30] =	vst v1  }
0xc9: {  	v1 =	vld [tilespmem:s17+$0xFFFFFFB0];
	_ =	sdelay $0x4  }
0xca: {  	v2 =	vand.u32 $0xFFFF, v1  }
0xcb: {  	v1 =	vshra.s32 v1, $0x10;
	[tilespmem:$0x2A80] =	vst v2  }
0xcc: {  	[tilespmem:$0x2A90] =	vst v1  }
0xcd: {  	v1 =	vld [tilespmem:s17+$0xFFFFFFC0];
	_ =	sdelay $0x4  }
0xce: {  	v2 =	vand.u32 $0xFFFF, v1  }
0xcf: {  	v1 =	vshra.s32 v1, $0x10;
	[tilespmem:$0x2AA0] =	vst v2  }
0xd0: {  	[tilespmem:$0x2AB0] =	vst v1  }
0xd1: {  	[tilespmem:s25], [sflag:$0x3] =	stream.indirect.gather [hbm4b:s4+s20], $0x80, s24, s20, $0xb8;
	[tilespmem:$0x1EC00] =	vst v63  }
0xd2: {  	_ =	swait.ge [sflag:s12], $0x2000  }
0xd3: {  	[sflag:s12] =	ssyncset.done $0x0  }
0xd4: {  	[sflag:s12] =	ssyncadd.s32 $0xFFFFE000  }
0xd5: {  	v1 =	vld [tilespmem:s17+$0xFFFFFFD0];
	_ =	sdelay $0x4  }
0xd6: {  	v2 =	vand.u32 $0xFFFF, v1  }
0xd7: {  	v1 =	vshra.s32 v1, $0x10;
	[tilespmem:$0x2B00] =	vst v2  }
0xd8: {  	[tilespmem:$0x2B10] =	vst v1  }
0xd9: {  	v1 =	vld [tilespmem:s17+$0xFFFFFFE0];
	_ =	sdelay $0x4  }
0xda: {  	v2 =	vand.u32 $0xFFFF, v1  }
0xdb: {  	v1 =	vshra.s32 v1, $0x10;
	[tilespmem:$0x2B20] =	vst v2  }
0xdc: {  	[tilespmem:$0x2B30] =	vst v1  }
0xdd: {  	v1 =	vld [tilespmem:s17+$0xFFFFFFF0];
	_ =	sdelay $0x4  }
0xde: {  	v2 =	vand.u32 $0xFFFF, v1  }
0xdf: {  	v1 =	vshra.s32 v1, $0x10;
	[tilespmem:$0x2B80] =	vst v2  }
0xe0: {  	[tilespmem:$0x2B90] =	vst v1  }
0xe1: {  	v1 =	vld [tilespmem:s17+$0x0];
	_ =	sdelay $0x4  }
0xe2: {  	v2 =	vand.u32 $0xFFFF, v1  }
0xe3: {  	v1 =	vshra.s32 v1, $0x10;
	[tilespmem:$0x2BA0] =	vst v2  }
0xe4: {  	s14 =	simm.s32 $0xBC0;
	[tilespmem:$0x2BB0] =	vst v1  }
.LBB2_4:
0xe5: {  	[tilespmem:s28], [sflag:$0x4] =	stream.indirect.gather [hbm4b:s4+s20], $0x80, s26, s20, $0xb8;
	[tilespmem:$0x1EC00] =	vst v63  }
0xe6: {  	s15 =	smov.u32 s14  }
0xe7: {  	p0 =	sne.s32 s14, $0x9FC0;
	s14 =	sadd.s32 $0x400, s14;
	_ =	swait.ge [sflag:s29], $0x2000  }
0xe8: {  	[sflag:s29] =	ssyncset.done $0x0  }
0xe9: {  	[sflag:s29] =	ssyncadd.s32 $0xFFFFE000  }
0xea: {  	[spmem:s2] =	stream.indirect.scatter.add.f32 [tilespmem:s18], [sflag:$0x5], $0x80, s30, s20, $0xb8;
	[tilespmem:$0x1EC00] =	vst v63  }
0xeb: {  	_ =	swait.ge [sflag:s31], $0x2000  }
0xec: {  	[sflag:s31] =	ssyncset.done $0x0  }
0xed: {  	[sflag:s31] =	ssyncadd.s32 $0xFFFFE000  }
0xee: {  	[spmem:s2] =	stream.indirect.scatter.add.f32 [tilespmem:s23], [sflag:$0x6], $0x80, s0, s20, $0xb8;
	[tilespmem:$0x1EC00] =	vst v63  }
0xef: {  	_ =	swait.ge [sflag:s1], $0x2000  }
0xf0: {  	[sflag:s1] =	ssyncset.done $0x0  }
0xf1: {  	[sflag:s1] =	ssyncadd.s32 $0xFFFFE000  }
0xf2: {  	[spmem:s2] =	stream.indirect.scatter.add.f32 [tilespmem:s25], [sflag:$0x7], $0x80, s6, s20, $0xb8;
	[tilespmem:$0x1EC00] =	vst v63  }
0xf3: {  	_ =	swait.ge [sflag:s7], $0x2000  }
0xf4: {  	[sflag:s7] =	ssyncset.done $0x0  }
0xf5: {  	[sflag:s7] =	ssyncadd.s32 $0xFFFFE000  }
0xf6: {  	[spmem:s2] =	stream.indirect.scatter.add.f32 [tilespmem:s28], [sflag:$0x8], $0x80, s8, s20, $0xb8;
	[tilespmem:$0x1EC00] =	vst v63  }
0xf7: {  	_ =	swait.ge [sflag:s9], $0x2000  }
0xf8: {  	[sflag:s9] =	ssyncset.done $0x0  }
0xf9: {  	s15 =	sshra.s32 s15, $0x2;
	[sflag:s9] =	ssyncadd.s32 $0xFFFFE000  }
0xfa: {  	v1 =	vld [tilespmem:s15+$0xFFFFFF10];
	_ =	sdelay $0x4  }
0xfb: {  	v2 =	vand.u32 $0xFFFF, v1;
	v1 =	vshra.s32 v1, $0x10  }
0xfc: {  	[tilespmem:$0x2800] =	vst v2  }
0xfd: {  	[tilespmem:$0x2810] =	vst v1  }
0xfe: {  	v1 =	vld [tilespmem:s15+$0xFFFFFF20];
	_ =	sdelay $0x4  }
0xff: {  	v2 =	vand.u32 $0xFFFF, v1;
	v1 =	vshra.s32 v1, $0x10  }
0x100: {  	[tilespmem:$0x2820] =	vst v2  }
0x101: {  	[tilespmem:$0x2830] =	vst v1  }
0x102: {  	v1 =	vld [tilespmem:s15+$0xFFFFFF30];
	_ =	sdelay $0x4  }
0x103: {  	v2 =	vand.u32 $0xFFFF, v1;
	v1 =	vshra.s32 v1, $0x10  }
0x104: {  	[tilespmem:$0x2880] =	vst v2  }
0x105: {  	[tilespmem:$0x2890] =	vst v1  }
0x106: {  	v1 =	vld [tilespmem:s15+$0xFFFFFF40];
	_ =	sdelay $0x4  }
0x107: {  	v2 =	vand.u32 $0xFFFF, v1;
	v1 =	vshra.s32 v1, $0x10  }
0x108: {  	[tilespmem:$0x28A0] =	vst v2  }
0x109: {  	[tilespmem:$0x28B0] =	vst v1  }
0x10a: {  	[tilespmem:s18], [sflag:$0x1] =	stream.indirect.gather [hbm4b:s4+s20], $0x80, s21, s20, $0xb8;
	[tilespmem:$0x1EC00] =	vst v63  }
0x10b: {  	_ =	swait.ge [sflag:s10], $0x2000  }
0x10c: {  	[sflag:s10] =	ssyncset.done $0x0  }
0x10d: {  	[sflag:s10] =	ssyncadd.s32 $0xFFFFE000  }
0x10e: {  	v1 =	vld [tilespmem:s15+$0xFFFFFF50];
	_ =	sdelay $0x4  }
0x10f: {  	v2 =	vand.u32 $0xFFFF, v1;
	v1 =	vshra.s32 v1, $0x10  }
0x110: {  	[tilespmem:$0x2900] =	vst v2  }
0x111: {  	[tilespmem:$0x2910] =	vst v1  }
0x112: {  	v1 =	vld [tilespmem:s15+$0xFFFFFF60];
	_ =	sdelay $0x4  }
0x113: {  	v2 =	vand.u32 $0xFFFF, v1;
	v1 =	vshra.s32 v1, $0x10  }
0x114: {  	[tilespmem:$0x2920] =	vst v2  }
0x115: {  	[tilespmem:$0x2930] =	vst v1  }
0x116: {  	v1 =	vld [tilespmem:s15+$0xFFFFFF70];
	_ =	sdelay $0x4  }
0x117: {  	v2 =	vand.u32 $0xFFFF, v1;
	v1 =	vshra.s32 v1, $0x10  }
0x118: {  	[tilespmem:$0x2980] =	vst v2  }
0x119: {  	[tilespmem:$0x2990] =	vst v1  }
0x11a: {  	v1 =	vld [tilespmem:s15+$0xFFFFFF80];
	_ =	sdelay $0x4  }
0x11b: {  	v2 =	vand.u32 $0xFFFF, v1;
	v1 =	vshra.s32 v1, $0x10  }
0x11c: {  	[tilespmem:$0x29A0] =	vst v2  }
0x11d: {  	[tilespmem:$0x29B0] =	vst v1  }
0x11e: {  	[tilespmem:s23], [sflag:$0x2] =	stream.indirect.gather [hbm4b:s4+s20], $0x80, s22, s20, $0xb8;
	[tilespmem:$0x1EC00] =	vst v63  }
0x11f: {  	_ =	swait.ge [sflag:s11], $0x2000  }
0x120: {  	[sflag:s11] =	ssyncset.done $0x0  }
0x121: {  	[sflag:s11] =	ssyncadd.s32 $0xFFFFE000  }
0x122: {  	v1 =	vld [tilespmem:s15+$0xFFFFFF90];
	_ =	sdelay $0x4  }
0x123: {  	v2 =	vand.u32 $0xFFFF, v1;
	v1 =	vshra.s32 v1, $0x10  }
0x124: {  	[tilespmem:$0x2A00] =	vst v2  }
0x125: {  	[tilespmem:$0x2A10] =	vst v1  }
0x126: {  	v1 =	vld [tilespmem:s15+$0xFFFFFFA0];
	_ =	sdelay $0x4  }
0x127: {  	v2 =	vand.u32 $0xFFFF, v1;
	v1 =	vshra.s32 v1, $0x10  }
0x128: {  	[tilespmem:$0x2A20] =	vst v2  }
0x129: {  	[tilespmem:$0x2A30] =	vst v1  }
0x12a: {  	v1 =	vld [tilespmem:s15+$0xFFFFFFB0];
	_ =	sdelay $0x4  }
0x12b: {  	v2 =	vand.u32 $0xFFFF, v1;
	v1 =	vshra.s32 v1, $0x10  }
0x12c: {  	[tilespmem:$0x2A80] =	vst v2  }
0x12d: {  	[tilespmem:$0x2A90] =	vst v1  }
0x12e: {  	v1 =	vld [tilespmem:s15+$0xFFFFFFC0];
	_ =	sdelay $0x4  }
0x12f: {  	v2 =	vand.u32 $0xFFFF, v1;
	v1 =	vshra.s32 v1, $0x10  }
0x130: {  	[tilespmem:$0x2AA0] =	vst v2  }
0x131: {  	[tilespmem:$0x2AB0] =	vst v1  }
0x132: {  	[tilespmem:s25], [sflag:$0x3] =	stream.indirect.gather [hbm4b:s4+s20], $0x80, s24, s20, $0xb8;
	[tilespmem:$0x1EC00] =	vst v63  }
0x133: {  	_ =	swait.ge [sflag:s12], $0x2000  }
0x134: {  	[sflag:s12] =	ssyncset.done $0x0  }
0x135: {  	[sflag:s12] =	ssyncadd.s32 $0xFFFFE000  }
0x136: {  	v1 =	vld [tilespmem:s15+$0xFFFFFFD0];
	_ =	sdelay $0x4  }
0x137: {  	v2 =	vand.u32 $0xFFFF, v1;
	v1 =	vshra.s32 v1, $0x10  }
0x138: {  	[tilespmem:$0x2B00] =	vst v2  }
0x139: {  	[tilespmem:$0x2B10] =	vst v1  }
0x13a: {  	v1 =	vld [tilespmem:s15+$0xFFFFFFE0];
	_ =	sdelay $0x4  }
0x13b: {  	v2 =	vand.u32 $0xFFFF, v1;
	v1 =	vshra.s32 v1, $0x10  }
0x13c: {  	[tilespmem:$0x2B20] =	vst v2  }
0x13d: {  	[tilespmem:$0x2B30] =	vst v1  }
0x13e: {  	v1 =	vld [tilespmem:s15+$0xFFFFFFF0];
	_ =	sdelay $0x4  }
0x13f: {  	v2 =	vand.u32 $0xFFFF, v1;
	v1 =	vshra.s32 v1, $0x10  }
0x140: {  	[tilespmem:$0x2B80] =	vst v2  }
0x141: {  	[tilespmem:$0x2B90] =	vst v1  }
0x142: {  	v1 =	vld [tilespmem:s15+$0x0];
	_ =	sdelay $0x2  }
.Ltmp1:
0x143: {  	(pc) =	sbr.rel @p0 .LBB2_4-.Ltmp1, $4  }
0x144: {  	_ = 	snop  }
0x145: {  	v2 =	vand.u32 $0xFFFF, v1;
	v1 =	vshra.s32 v1, $0x10  }
0x146: {  	[tilespmem:$0x2BA0] =	vst v2  }
0x147: {  	[tilespmem:$0x2BB0] =	vst v1  }
0x148: {  	[tilespmem:s28], [sflag:$0x4] =	stream.indirect.gather [hbm4b:s4+s20], $0x80, s26, s20, $0xb8;
	[tilespmem:$0x1EC00] =	vst v63  }
0x149: {  	_ =	swait.ge [sflag:s29], $0x2000  }
0x14a: {  	[sflag:s29] =	ssyncset.done $0x0  }
0x14b: {  	[sflag:s29] =	ssyncadd.s32 $0xFFFFE000  }
0x14c: {  	[spmem:s2] =	stream.indirect.scatter.add.f32 [tilespmem:s18], [sflag:$0x5], $0x80, s30, s20, $0xb8;
	[tilespmem:$0x1EC00] =	vst v63  }
0x14d: {  	_ =	swait.ge [sflag:s31], $0x2000  }
0x14e: {  	[sflag:s31] =	ssyncset.done $0x0  }
0x14f: {  	[sflag:s31] =	ssyncadd.s32 $0xFFFFE000  }
0x150: {  	[spmem:s2] =	stream.indirect.scatter.add.f32 [tilespmem:s23], [sflag:$0x6], $0x80, s0, s20, $0xb8;
	[tilespmem:$0x1EC00] =	vst v63  }
0x151: {  	_ =	swait.ge [sflag:s1], $0x2000  }
0x152: {  	[sflag:s1] =	ssyncset.done $0x0  }
0x153: {  	[sflag:s1] =	ssyncadd.s32 $0xFFFFE000  }
0x154: {  	[spmem:s2] =	stream.indirect.scatter.add.f32 [tilespmem:s25], [sflag:$0x7], $0x80, s6, s20, $0xb8;
	[tilespmem:$0x1EC00] =	vst v63  }
0x155: {  	_ =	swait.ge [sflag:s7], $0x2000  }
0x156: {  	[sflag:s7] =	ssyncset.done $0x0  }
0x157: {  	[sflag:s7] =	ssyncadd.s32 $0xFFFFE000  }
0x158: {  	[spmem:s2] =	stream.indirect.scatter.add.f32 [tilespmem:s28], [sflag:$0x8], $0x80, s8, s20, $0xb8;
	[tilespmem:$0x1EC00] =	vst v63  }
0x159: {  	_ =	swait.ge [sflag:s9], $0x2000  }
0x15a: {  	[sflag:s9] =	ssyncset.done $0x0  }
0x15b: {  	[sflag:s9] =	ssyncadd.s32 $0xFFFFE000  }
0x15c: {  	_ =	swait.ge [sflag:s10], $0x2000  }
0x15d: {  	[sflag:s10] =	ssyncset.done $0x0  }
0x15e: {  	[sflag:s10] =	ssyncadd.s32 $0xFFFFE000  }
0x15f: {  	_ =	swait.ge [sflag:s11], $0x2000  }
0x160: {  	[sflag:s11] =	ssyncset.done $0x0  }
0x161: {  	[sflag:s11] =	ssyncadd.s32 $0xFFFFE000  }
0x162: {  	_ =	swait.ge [sflag:s12], $0x2000  }
0x163: {  	[sflag:s12] =	ssyncset.done $0x0  }
0x164: {  	s14 =	stileid.u32;
	[sflag:s12] =	ssyncadd.s32 $0xFFFFE000  }
0x165: {  	s14 =	sshll.u32 s14, $0x6;
	[bflag:$0x0] =	sbarrier.arrive $0xFFFF  }
0x166: {  	s15 =	sshrl.u32 s5, $0x3;
	s14 =	sor.u32 $0x1C09, s14;
	s16 =	rddreg [dreg:$0x4]  }
0x167: {  	[hbm:s16], [sflag:s14] =	dma.local [spmem:s15], $0x2800  }
0x168: {  	_ =	swait.ge [sflag:s19], $0x2800  }
0x169: {  	s13 =	sadd.s32 $0x1, s13;
	s17 =	rddreg [dreg:$0x5]  }
0x16a: {  	p0 =	sne.s32 s13, s17  }
.Ltmp2:
0x16b: {  	_ = 	snop;
	(pc) =	sbr.rel @p0 .LBB2_1-.Ltmp2, $3  }
0x16c: {  	_ =	sdelay $0x1  }
0x16d: {  	[sflag:s19] =	ssyncset.done $0x0  }
0x16e: {  	[sflag:s19] =	ssyncadd.s32 $0xFFFFD800  }
0x16f: {  	_ =	sfence.sel $0x180000  }
0x170: {  	[bflag:$0x0] =	sbarrier.arrive $0xFFFF  }
0x171: {  	_ =	strace $0x9000004A  }
0x172: {  	s0 =	stileid.u32;
	[bflag:$0x2] =	sbarrier.arrive $0xFFFF  }
0x173: {  	p0 =	sne.s32 s0, $0x0;
	s0 =	rddreg [dreg:$0x2]  }
0x174: {  	s0 =	sadd.s32 @!p0 $0x100000, s0  }
0x175: {  	[sflag:s0] =	ssyncadd.tile.s32 @!p0 $0x1;
	_ =	shalt  }
.Lfunc_end2:
_tile_overlayer_lowered:
.L_overlay_start_2:
0x176: {  	(tag) =	ssettag $0x2  }
0x177: {  	s0 =	rddreg [dreg:$0x0];
	s2 =	stileid.u32  }
0x178: {  	s1 =	rddreg [dreg:$0x1];
	p0 =	sne.s32 s2, $0x0  }
0x179: {  	s3 =	rddreg [dreg:$0x2];
	[bflag:$0x3] =	sbarrier.arrive $0xFFFF;
	s2 =	simm.s32 @!p0 $0x1C09  }
0x17a: {  	[timem:s3], [sflag:s2] =	dma.local @!p0 [hbm:s0], s1  }
0x17b: {  	s0 =	simm.s32 @!p0 $0x9  }
0x17c: {  	_ =	swait.ge @!p0 [sflag:s0], s1  }
0x17d: {  	s1 =	ssub.s32 @!p0 $0x0, s1;
	[sflag:s0] =	ssyncset.done @!p0 $0x0  }
0x17e: {  	[sflag:s0] =	ssyncadd.s32 @!p0 s1  }
0x17f: {  	[bflag:$0x3] =	sbarrier.arrive $0xFFFF  }
0x180: {  	_ =	shalt  }

</sc_bundles>
